<compile_context>
chip_gen: v7x
topology: tpu7x:2x2x1
jax: 0.10.2.dev20260603
libtpu: 0.0.44.dev20260713+nightly
codegen_flags: <defaults>
</compile_context>

<pallas_src>
import functools

import jax
import jax.numpy as jnp
from jax import lax
from jax.experimental import pallas as pl
from jax.experimental.pallas import tpu as pltpu
from jax.experimental.pallas import tpu_sc as plsc

N = 10000
E = 320000
DIN = 128
H1 = 8
C1 = 8
F1 = H1 * C1
COUT = 40
CPAD = 48

NPAD = 10240
BLK = 1024
EB = 3200

EPC = E // 2
NBLK = EPC // EB


def _zero_ref(ref, nwords):
    zf = jnp.zeros((16,), jnp.float32)

    @plsc.parallel_loop(0, nwords // 16, unroll=8)
    def _(i):
        ref[pl.ds(i * 16, 16)] = zf


def _edge_pass(src_hbm, dst_hbm, hs, accs, asrc, adst, dacc, sbufs, dbufs,
               sems, base, nchan):

    def start_pair(kb, b):
        off = base + kb * EB
        pltpu.async_copy(src_hbm.at[pl.ds(off, EB)], sbufs[b], sems[b])
        pltpu.async_copy(dst_hbm.at[pl.ds(off, EB)], dbufs[b], sems[b])

    def wait_pair(b):
        pltpu.make_async_copy(src_hbm.at[pl.ds(0, EB)], sbufs[b], sems[b]).wait()
        pltpu.make_async_copy(dst_hbm.at[pl.ds(0, EB)], dbufs[b], sems[b]).wait()

    start_pair(0, 0)

    def outer(k2, carry):
        for b in range(2):
            kb = 2 * k2 + b

            @pl.when(kb + 1 < NBLK)
            def _():
                start_pair(kb + 1, 1 - b)

            wait_pair(b)
            sbuf = sbufs[b]
            dbuf = dbufs[b]

            @plsc.parallel_loop(0, EB // 16, unroll=2)
            def _(g):
                sv = sbuf[pl.ds(g * 16, 16)]
                dv = dbuf[pl.ds(g * 16, 16)]
                a_s = plsc.load_gather(asrc, [sv])
                a_d = plsc.load_gather(adst, [dv])
                e = a_s + a_d
                e = jnp.where(e >= 0.0, e, 0.2 * e)
                ex = jnp.exp(e)
                plsc.addupdate_scatter(dacc, [dv], ex)
                for cl in range(nchan):
                    hv = plsc.load_gather(hs[cl], [sv])
                    plsc.addupdate_scatter(accs[cl], [dv], ex * hv)
        return carry
    lax.fori_loop(0, NBLK // 2, outer, 0)


def _tc1_body(x_ref, w1_ref, aa_ref, h1t_ref, a1t_ref):
    xb = x_ref[...]
    h1t = lax.dot_general(w1_ref[...], xb, (((0,), (1,)), ((), ())),
                          preferred_element_type=jnp.float32)
    h1t_ref[...] = h1t
    a1t_ref[...] = jnp.dot(aa_ref[...], h1t, preferred_element_type=jnp.float32)


def _tc1(xp, W1, AA):
    return pl.pallas_call(
        _tc1_body,
        grid=(NPAD // BLK,),
        in_specs=[
            pl.BlockSpec((BLK, DIN), lambda i: (i, 0)),
            pl.BlockSpec((DIN, F1), lambda i: (0, 0)),
            pl.BlockSpec((2 * H1, F1), lambda i: (0, 0)),
        ],
        out_specs=[
            pl.BlockSpec((F1, BLK), lambda i: (0, i)),
            pl.BlockSpec((2 * H1, BLK), lambda i: (0, i)),
        ],
        out_shape=[
            jax.ShapeDtypeStruct((F1, NPAD), jnp.float32),
            jax.ShapeDtypeStruct((2 * H1, NPAD), jnp.float32),
        ],
    )(xp, W1, AA)


def _sc1_body(src_hbm, dst_hbm, h1t_hbm, a1t_hbm, num_hbm, den_hbm,
              h10, h11, h12, h13, acc0, acc1, acc2, acc3, asrc, adst, dacc,
              sbuf0, sbuf1, dbuf0, dbuf1, sem0, sem1):
    c = lax.axis_index("c")
    s = lax.axis_index("s")
    head = s // 2
    hs = (h10, h11, h12, h13)
    accs = (acc0, acc1, acc2, acc3)

    for cl in range(4):
        pltpu.sync_copy(h1t_hbm.at[pl.ds((4 * s + cl) * NPAD, NPAD)], hs[cl])
    pltpu.sync_copy(a1t_hbm.at[pl.ds(head * NPAD, NPAD)], asrc)
    pltpu.sync_copy(a1t_hbm.at[pl.ds((H1 + head) * NPAD, NPAD)], adst)

    for cl in range(4):
        _zero_ref(accs[cl], NPAD)
    _zero_ref(dacc, NPAD)

    _edge_pass(src_hbm, dst_hbm, hs, accs, asrc, adst, dacc,
               (sbuf0, sbuf1), (dbuf0, dbuf1), (sem0, sem1),
               c * EPC, 4)

    for cl in range(4):
        pltpu.sync_copy(accs[cl],
                        num_hbm.at[pl.ds((F1 * c + 4 * s + cl) * NPAD, NPAD)])

    @pl.when(s % 2 == 0)
    def _():
        pltpu.sync_copy(dacc, den_hbm.at[pl.ds((H1 * c + head) * NPAD, NPAD)])


def _sc1(src, dst, h1t_flat, a1t_flat):
    mesh = plsc.VectorSubcoreMesh(core_axis_name="c", subcore_axis_name="s")
    f = functools.partial(
        pl.kernel,
        mesh=mesh,
        compiler_params=pltpu.CompilerParams(needs_layout_passes=False),
        out_type=[
            jax.ShapeDtypeStruct((2 * F1 * NPAD,), jnp.float32),
            jax.ShapeDtypeStruct((2 * H1 * NPAD,), jnp.float32),
        ],
        scratch_types=(
            [pltpu.VMEM((NPAD,), jnp.float32)] * 11
            + [pltpu.VMEM((EB,), jnp.int32)] * 4
            + [pltpu.SemaphoreType.DMA] * 2
        ),
    )(_sc1_body)
    return f(src, dst, h1t_flat, a1t_flat)


def _tc2_body(num_ref, den_ref, w2_ref, a2_ref, b1_ref, r_ref, h2t_ref, a2t_ref):
    num = num_ref[0:F1, :] + num_ref[F1:2 * F1, :]
    den8 = den_ref[0:H1, :] + den_ref[H1:2 * H1, :]
    den64 = jnp.dot(r_ref[...], den8, preferred_element_type=jnp.float32)
    out1 = num / (den64 + 1e-16) + b1_ref[...]
    z = jnp.where(out1 > 0.0, out1, jnp.exp(out1) - 1.0)
    h2t = lax.dot_general(w2_ref[...], z, (((0,), (0,)), ((), ())),
                          preferred_element_type=jnp.float32)
    h2t_ref[0:COUT, :] = h2t
    h2t_ref[COUT:CPAD, :] = jnp.zeros((CPAD - COUT, BLK), jnp.float32)
    a2t_ref[...] = jnp.dot(a2_ref[...], h2t, preferred_element_type=jnp.float32)


def _tc2(num1, den1, W2, A2, b1c, R):
    return pl.pallas_call(
        _tc2_body,
        grid=(NPAD // BLK,),
        in_specs=[
            pl.BlockSpec((2 * F1, BLK), lambda i: (0, i)),
            pl.BlockSpec((2 * H1, BLK), lambda i: (0, i)),
            pl.BlockSpec((F1, COUT), lambda i: (0, 0)),
            pl.BlockSpec((2, COUT), lambda i: (0, 0)),
            pl.BlockSpec((F1, 1), lambda i: (0, 0)),
            pl.BlockSpec((F1, H1), lambda i: (0, 0)),
        ],
        out_specs=[
            pl.BlockSpec((CPAD, BLK), lambda i: (0, i)),
            pl.BlockSpec((2, BLK), lambda i: (0, i)),
        ],
        out_shape=[
            jax.ShapeDtypeStruct((CPAD, NPAD), jnp.float32),
            jax.ShapeDtypeStruct((2, NPAD), jnp.float32),
        ],
    )(num1, den1, W2, A2, b1c, R)


def _sc2_body(src_hbm, dst_hbm, h2t_hbm, a2t_hbm, num_hbm, den_hbm,
              h20, h21, h22, acc0, acc1, acc2, asrc, adst, dacc,
              sbuf0, sbuf1, dbuf0, dbuf1, sem0, sem1):
    c = lax.axis_index("c")
    s = lax.axis_index("s")
    hs = (h20, h21, h22)
    accs = (acc0, acc1, acc2)

    for cl in range(3):
        pltpu.sync_copy(h2t_hbm.at[pl.ds((3 * s + cl) * NPAD, NPAD)], hs[cl])
    pltpu.sync_copy(a2t_hbm.at[pl.ds(0, NPAD)], asrc)
    pltpu.sync_copy(a2t_hbm.at[pl.ds(NPAD, NPAD)], adst)

    for cl in range(3):
        _zero_ref(accs[cl], NPAD)
    _zero_ref(dacc, NPAD)

    _edge_pass(src_hbm, dst_hbm, hs, accs, asrc, adst, dacc,
               (sbuf0, sbuf1), (dbuf0, dbuf1), (sem0, sem1),
               c * EPC, 3)

    for cl in range(3):
        pltpu.sync_copy(accs[cl],
                        num_hbm.at[pl.ds((CPAD * c + 3 * s + cl) * NPAD, NPAD)])

    @pl.when(s == 0)
    def _():
        pltpu.sync_copy(dacc, den_hbm.at[pl.ds(c * NPAD, NPAD)])


def _sc2(src, dst, h2t_flat, a2t_flat):
    mesh = plsc.VectorSubcoreMesh(core_axis_name="c", subcore_axis_name="s")
    f = functools.partial(
        pl.kernel,
        mesh=mesh,
        compiler_params=pltpu.CompilerParams(needs_layout_passes=False),
        out_type=[
            jax.ShapeDtypeStruct((2 * CPAD * NPAD,), jnp.float32),
            jax.ShapeDtypeStruct((2 * NPAD,), jnp.float32),
        ],
        scratch_types=(
            [pltpu.VMEM((NPAD,), jnp.float32)] * 9
            + [pltpu.VMEM((EB,), jnp.int32)] * 4
            + [pltpu.SemaphoreType.DMA] * 2
        ),
    )(_sc2_body)
    return f(src, dst, h2t_flat, a2t_flat)


def _tc3_body(num_ref, den_ref, b2_ref, out_ref):
    num = num_ref[0:CPAD, :] + num_ref[CPAD:2 * CPAD, :]
    den = den_ref[0:1, :] + den_ref[1:2, :]
    val = num[0:COUT, :] / (den + 1e-16) + b2_ref[...]
    out_ref[...] = jax.nn.sigmoid(val)


def _tc3(num2, den2, b2c):
    return pl.pallas_call(
        _tc3_body,
        grid=(NPAD // BLK,),
        in_specs=[
            pl.BlockSpec((2 * CPAD, BLK), lambda i: (0, i)),
            pl.BlockSpec((2, BLK), lambda i: (0, i)),
            pl.BlockSpec((COUT, 1), lambda i: (0, 0)),
        ],
        out_specs=pl.BlockSpec((COUT, BLK), lambda i: (0, i)),
        out_shape=jax.ShapeDtypeStruct((COUT, NPAD), jnp.float32),
    )(num2, den2, b2c)


def kernel(x, edge_index, W1, a_src1, a_dst1, b1, W2, a_src2, a_dst2, b2):
    src = edge_index[0]
    dst = edge_index[1]

    xp = jnp.pad(x, ((0, NPAD - N), (0, 0)))

    rows = jnp.arange(H1)[:, None]
    cols = rows * C1 + jnp.arange(C1)[None, :]
    As = jnp.zeros((H1, F1), jnp.float32).at[
        jnp.broadcast_to(rows, (H1, C1)), cols].set(a_src1)
    Ad = jnp.zeros((H1, F1), jnp.float32).at[
        jnp.broadcast_to(rows, (H1, C1)), cols].set(a_dst1)
    AA = jnp.concatenate([As, Ad], axis=0)

    h1t, a1t = _tc1(xp, W1, AA)
    num1, den1 = _sc1(src, dst, h1t.reshape(-1), a1t.reshape(-1))

    R = jnp.zeros((F1, H1), jnp.float32).at[
        jnp.arange(F1), jnp.arange(F1) // C1].set(1.0)
    A2 = jnp.concatenate([a_src2, a_dst2], axis=0)
    h2t, a2t = _tc2(num1.reshape(2 * F1, NPAD), den1.reshape(2 * H1, NPAD),
                    W2, A2, b1.reshape(F1, 1), R)

    num2, den2 = _sc2(src, dst, h2t.reshape(-1), a2t.reshape(-1))
    outt = _tc3(num2.reshape(2 * CPAD, NPAD), den2.reshape(2, NPAD),
                b2.reshape(COUT, 1))
    return outt[:, :N].T

# --- scband reference (transcript-rebuilt; emitter-appended) ---
"""Pipeline reference for scband-gat-5995774346005 (READ-ONLY COPY).

The authoritative reference and input builder live on the scoring server;
editing this copy changes nothing except your own understanding.
"""

import jax, jax.numpy as jnp
import numpy as np

N = 10000
E = 320000
DIN = 128
H1 = 8
C1 = 8
COUT = 40


def setup_inputs(seed: int = 0) -> dict:
    key = jax.random.key(seed)
    ks = jax.random.split(key, 12)
    x = jax.random.normal(ks[0], (N, DIN), dtype=jnp.float32)
    edge_index = jax.random.randint(ks[1], (2, E), 0, N, dtype=jnp.int32)
    W1 = jax.random.normal(ks[2], (DIN, H1 * C1), dtype=jnp.float32) * (1.0 / np.sqrt(DIN))
    a_src1 = jax.random.normal(ks[3], (H1, C1), dtype=jnp.float32) * (1.0 / np.sqrt(C1))
    a_dst1 = jax.random.normal(ks[4], (H1, C1), dtype=jnp.float32) * (1.0 / np.sqrt(C1))
    b1 = jnp.zeros((H1 * C1,), dtype=jnp.float32)
    W2 = jax.random.normal(ks[5], (H1 * C1, COUT), dtype=jnp.float32) * (1.0 / np.sqrt(H1 * C1))
    a_src2 = jax.random.normal(ks[6], (1, COUT), dtype=jnp.float32) * (1.0 / np.sqrt(COUT))
    a_dst2 = jax.random.normal(ks[7], (1, COUT), dtype=jnp.float32) * (1.0 / np.sqrt(COUT))
    b2 = jnp.zeros((COUT,), dtype=jnp.float32)
    return {"x": x, "edge_index": edge_index, "W1": W1, "a_src1": a_src1, "a_dst1": a_dst1, "b1": b1, "W2": W2, "a_src2": a_src2, "a_dst2": a_dst2, "b2": b2}


def _gat_conv(x, src, dst, W, a_s, a_d, b, heads, out_c, concat):
    n = x.shape[0]
    h = (x @ W).reshape(n, heads, out_c)
    alpha_s = jnp.sum(h * a_s[None, :, :], axis=-1)  # [N, H]
    alpha_d = jnp.sum(h * a_d[None, :, :], axis=-1)  # [N, H]
    e = jax.nn.leaky_relu(alpha_s[src] + alpha_d[dst], negative_slope=0.2)  # [E, H]
    m = jax.ops.segment_max(e, dst, num_segments=n)
    m = jnp.where(jnp.isfinite(m), m, 0.0)
    m = jax.lax.stop_gradient(m)
    ex = jnp.exp(e - m[dst])
    denom = jax.ops.segment_sum(ex, dst, num_segments=n)
    alpha = ex / (denom[dst] + 1e-16)  # [E, H]
    msg = h[src] * alpha[:, :, None]  # [E, H, C]
    out = jax.ops.segment_sum(msg, dst, num_segments=n)  # [N, H, C]
    if concat:
        out = out.reshape(n, heads * out_c)
    else:
        out = jnp.mean(out, axis=1)
    return out + b


def reference(x, edge_index, W1, a_src1, a_dst1, b1, W2, a_src2, a_dst2, b2):
    src = edge_index[0]
    dst = edge_index[1]
    # dropout layers are no-ops in eval mode
    h = _gat_conv(x, src, dst, W1, a_src1, a_dst1, b1, H1, C1, True)
    h = jax.nn.elu(h)
    h = _gat_conv(h, src, dst, W2, a_src2, a_dst2, b2, 1, COUT, False)
    return jax.nn.sigmoid(h)

if __name__ == "__main__":
    import jax
    _d = setup_inputs()
    print(jax.jit(kernel)(*tuple(_d.values())))

</pallas_src>

<mosaic_0001>
#map = affine_map<(d0, d1) -> (0)>
module attributes {stable_mosaic.version = 14 : i64} {
  func.func @_sc1_body(%arg0: i32, %arg1: i32, %arg2: memref<320000xi32, #tpu.memory_space<hbm>>, %arg3: memref<320000xi32, #tpu.memory_space<hbm>>, %arg4: memref<655360xf32, #tpu.memory_space<hbm>>, %arg5: memref<163840xf32, #tpu.memory_space<hbm>>, %arg6: memref<1310720xf32, #tpu.memory_space<hbm>>, %arg7: memref<163840xf32, #tpu.memory_space<hbm>>, %arg8: memref<10240xf32, #tpu.memory_space<vmem>>, %arg9: memref<10240xf32, #tpu.memory_space<vmem>>, %arg10: memref<10240xf32, #tpu.memory_space<vmem>>, %arg11: memref<10240xf32, #tpu.memory_space<vmem>>, %arg12: memref<10240xf32, #tpu.memory_space<vmem>>, %arg13: memref<10240xf32, #tpu.memory_space<vmem>>, %arg14: memref<10240xf32, #tpu.memory_space<vmem>>, %arg15: memref<10240xf32, #tpu.memory_space<vmem>>, %arg16: memref<10240xf32, #tpu.memory_space<vmem>>, %arg17: memref<10240xf32, #tpu.memory_space<vmem>>, %arg18: memref<10240xf32, #tpu.memory_space<vmem>>, %arg19: memref<3200xi32, #tpu.memory_space<vmem>>, %arg20: memref<3200xi32, #tpu.memory_space<vmem>>, %arg21: memref<3200xi32, #tpu.memory_space<vmem>>, %arg22: memref<3200xi32, #tpu.memory_space<vmem>>, %arg23: memref<!tpu.dma_semaphore, #tpu.memory_space<semaphore_mem>>, %arg24: memref<!tpu.dma_semaphore, #tpu.memory_space<semaphore_mem>>) attributes {dimension_semantics = [#tpu.dimension_semantics<core_parallel>, #tpu.dimension_semantics<subcore_parallel>], iteration_bounds = array<i64: 2, 16>, scalar_prefetch = 0 : i64, scratch_operands = 17 : i64, tpu.core_type = #tpu.core_type<sc_vector_subcore>, window_params = [{transform_indices = #map}, {transform_indices = #map}, {transform_indices = #map}, {transform_indices = #map}, {transform_indices = #map}, {transform_indices = #map}]} {
    %jit3A = arith.constant 2 : i32
    %div3A = arith.divsi %arg1, %jit3A : i32
    %sign3A = arith.constant 0 : i32
    %sign3A_0 = arith.cmpi sgt, %arg1, %sign3A : i32
    %sign3A_1 = arith.extui %sign3A_0 : i1 to i32
    %sign3A_2 = arith.constant 0 : i32
    %sign3A_3 = arith.cmpi slt, %arg1, %sign3A_2 : i32
    %sign3A_4 = arith.extui %sign3A_3 : i1 to i32
    %sign3A_5 = arith.subi %sign3A_1, %sign3A_4 : i32
    %sign3A_6 = arith.constant 0 : i32
    %sign3A_7 = arith.cmpi sgt, %jit3A, %sign3A_6 : i32
    %sign3A_8 = arith.extui %sign3A_7 : i1 to i32
    %sign3A_9 = arith.constant 0 : i32
    %sign3A_10 = arith.cmpi slt, %jit3A, %sign3A_9 : i32
    %sign3A_11 = arith.extui %sign3A_10 : i1 to i32
    %sign3A_12 = arith.subi %sign3A_8, %sign3A_11 : i32
    %ne3A = arith.cmpi ne, %sign3A_5, %sign3A_12 : i32
    %rem3A = arith.remsi %arg1, %jit3A : i32
    %ne3A_13 = arith.constant 0 : i32
    %ne3A_14 = arith.cmpi ne, %rem3A, %ne3A_13 : i32
    %and3A = arith.andi %ne3A, %ne3A_14 : i1
    %sub3A = arith.constant 1 : i32
    %sub3A_15 = arith.subi %div3A, %sub3A : i32
    %select_n3A = arith.select %and3A, %sub3A_15, %div3A : i32
    %mul3A = arith.constant 4 : i32
    %mul3A_16 = arith.muli %mul3A, %arg1 : i32
    %add3A = arith.constant 0 : i32
    %add3A_17 = arith.addi %mul3A_16, %add3A : i32
    %mul3A_18 = arith.constant 10240 : i32
    %mul3A_19 = arith.muli %add3A_17, %mul3A_18 : i32
    "tpu.region"() ({
      %run_scoped3A = tpu.sem_alloc : memref<!tpu.dma_semaphore, #tpu.memory_space<semaphore_mem>>
      %dma_start3A_132 = tpu.memref_slice %arg4[%mul3A_19] : memref<655360xf32, #tpu.memory_space<hbm>> -> memref<10240xf32, #tpu.memory_space<hbm>>
      %dma_start3A_133 = tpu.memref_slice %arg4[%mul3A_19] : memref<655360xf32, #tpu.memory_space<hbm>> -> memref<10240xf32, #tpu.memory_space<hbm>>
      tpu.enqueue_dma source(%dma_start3A_133 : memref<10240xf32, #tpu.memory_space<hbm>>) target(%arg8 : memref<10240xf32, #tpu.memory_space<vmem>>) target_semaphore(%run_scoped3A : memref<!tpu.dma_semaphore, #tpu.memory_space<semaphore_mem>>)
      %dma_wait3A = tpu.memref_slice %arg4[%mul3A_19] : memref<655360xf32, #tpu.memory_space<hbm>> -> memref<10240xf32, #tpu.memory_space<hbm>>
      %dma_wait3A_134 = tpu.memref_slice %arg4[%mul3A_19] : memref<655360xf32, #tpu.memory_space<hbm>> -> memref<10240xf32, #tpu.memory_space<hbm>>
      tpu.wait_dma2 semaphore(%run_scoped3A : memref<!tpu.dma_semaphore, #tpu.memory_space<semaphore_mem>>) src(%dma_wait3A_134 : memref<10240xf32, #tpu.memory_space<hbm>>) dst(%arg8 : memref<10240xf32, #tpu.memory_space<vmem>>)
      tpu.yield
    }) : () -> ()
    %mul3A_20 = arith.constant 4 : i32
    %mul3A_21 = arith.muli %mul3A_20, %arg1 : i32
    %add3A_22 = arith.constant 1 : i32
    %add3A_23 = arith.addi %mul3A_21, %add3A_22 : i32
    %mul3A_24 = arith.constant 10240 : i32
    %mul3A_25 = arith.muli %add3A_23, %mul3A_24 : i32
    "tpu.region"() ({
      %run_scoped3A = tpu.sem_alloc : memref<!tpu.dma_semaphore, #tpu.memory_space<semaphore_mem>>
      %dma_start3A_132 = tpu.memref_slice %arg4[%mul3A_25] : memref<655360xf32, #tpu.memory_space<hbm>> -> memref<10240xf32, #tpu.memory_space<hbm>>
      %dma_start3A_133 = tpu.memref_slice %arg4[%mul3A_25] : memref<655360xf32, #tpu.memory_space<hbm>> -> memref<10240xf32, #tpu.memory_space<hbm>>
      tpu.enqueue_dma source(%dma_start3A_133 : memref<10240xf32, #tpu.memory_space<hbm>>) target(%arg9 : memref<10240xf32, #tpu.memory_space<vmem>>) target_semaphore(%run_scoped3A : memref<!tpu.dma_semaphore, #tpu.memory_space<semaphore_mem>>)
      %dma_wait3A = tpu.memref_slice %arg4[%mul3A_25] : memref<655360xf32, #tpu.memory_space<hbm>> -> memref<10240xf32, #tpu.memory_space<hbm>>
      %dma_wait3A_134 = tpu.memref_slice %arg4[%mul3A_25] : memref<655360xf32, #tpu.memory_space<hbm>> -> memref<10240xf32, #tpu.memory_space<hbm>>
      tpu.wait_dma2 semaphore(%run_scoped3A : memref<!tpu.dma_semaphore, #tpu.memory_space<semaphore_mem>>) src(%dma_wait3A_134 : memref<10240xf32, #tpu.memory_space<hbm>>) dst(%arg9 : memref<10240xf32, #tpu.memory_space<vmem>>)
      tpu.yield
    }) : () -> ()
    %mul3A_26 = arith.constant 4 : i32
    %mul3A_27 = arith.muli %mul3A_26, %arg1 : i32
    %add3A_28 = arith.constant 2 : i32
    %add3A_29 = arith.addi %mul3A_27, %add3A_28 : i32
    %mul3A_30 = arith.constant 10240 : i32
    %mul3A_31 = arith.muli %add3A_29, %mul3A_30 : i32
    "tpu.region"() ({
      %run_scoped3A = tpu.sem_alloc : memref<!tpu.dma_semaphore, #tpu.memory_space<semaphore_mem>>
      %dma_start3A_132 = tpu.memref_slice %arg4[%mul3A_31] : memref<655360xf32, #tpu.memory_space<hbm>> -> memref<10240xf32, #tpu.memory_space<hbm>>
      %dma_start3A_133 = tpu.memref_slice %arg4[%mul3A_31] : memref<655360xf32, #tpu.memory_space<hbm>> -> memref<10240xf32, #tpu.memory_space<hbm>>
      tpu.enqueue_dma source(%dma_start3A_133 : memref<10240xf32, #tpu.memory_space<hbm>>) target(%arg10 : memref<10240xf32, #tpu.memory_space<vmem>>) target_semaphore(%run_scoped3A : memref<!tpu.dma_semaphore, #tpu.memory_space<semaphore_mem>>)
      %dma_wait3A = tpu.memref_slice %arg4[%mul3A_31] : memref<655360xf32, #tpu.memory_space<hbm>> -> memref<10240xf32, #tpu.memory_space<hbm>>
      %dma_wait3A_134 = tpu.memref_slice %arg4[%mul3A_31] : memref<655360xf32, #tpu.memory_space<hbm>> -> memref<10240xf32, #tpu.memory_space<hbm>>
      tpu.wait_dma2 semaphore(%run_scoped3A : memref<!tpu.dma_semaphore, #tpu.memory_space<semaphore_mem>>) src(%dma_wait3A_134 : memref<10240xf32, #tpu.memory_space<hbm>>) dst(%arg10 : memref<10240xf32, #tpu.memory_space<vmem>>)
      tpu.yield
    }) : () -> ()
    %mul3A_32 = arith.constant 4 : i32
    %mul3A_33 = arith.muli %mul3A_32, %arg1 : i32
    %add3A_34 = arith.constant 3 : i32
    %add3A_35 = arith.addi %mul3A_33, %add3A_34 : i32
    %mul3A_36 = arith.constant 10240 : i32
    %mul3A_37 = arith.muli %add3A_35, %mul3A_36 : i32
    "tpu.region"() ({
      %run_scoped3A = tpu.sem_alloc : memref<!tpu.dma_semaphore, #tpu.memory_space<semaphore_mem>>
      %dma_start3A_132 = tpu.memref_slice %arg4[%mul3A_37] : memref<655360xf32, #tpu.memory_space<hbm>> -> memref<10240xf32, #tpu.memory_space<hbm>>
      %dma_start3A_133 = tpu.memref_slice %arg4[%mul3A_37] : memref<655360xf32, #tpu.memory_space<hbm>> -> memref<10240xf32, #tpu.memory_space<hbm>>
      tpu.enqueue_dma source(%dma_start3A_133 : memref<10240xf32, #tpu.memory_space<hbm>>) target(%arg11 : memref<10240xf32, #tpu.memory_space<vmem>>) target_semaphore(%run_scoped3A : memref<!tpu.dma_semaphore, #tpu.memory_space<semaphore_mem>>)
      %dma_wait3A = tpu.memref_slice %arg4[%mul3A_37] : memref<655360xf32, #tpu.memory_space<hbm>> -> memref<10240xf32, #tpu.memory_space<hbm>>
      %dma_wait3A_134 = tpu.memref_slice %arg4[%mul3A_37] : memref<655360xf32, #tpu.memory_space<hbm>> -> memref<10240xf32, #tpu.memory_space<hbm>>
      tpu.wait_dma2 semaphore(%run_scoped3A : memref<!tpu.dma_semaphore, #tpu.memory_space<semaphore_mem>>) src(%dma_wait3A_134 : memref<10240xf32, #tpu.memory_space<hbm>>) dst(%arg11 : memref<10240xf32, #tpu.memory_space<vmem>>)
      tpu.yield
    }) : () -> ()
    %mul3A_38 = arith.constant 10240 : i32
    %mul3A_39 = arith.muli %select_n3A, %mul3A_38 : i32
    "tpu.region"() ({
      %run_scoped3A = tpu.sem_alloc : memref<!tpu.dma_semaphore, #tpu.memory_space<semaphore_mem>>
      %dma_start3A_132 = tpu.memref_slice %arg5[%mul3A_39] : memref<163840xf32, #tpu.memory_space<hbm>> -> memref<10240xf32, #tpu.memory_space<hbm>>
      %dma_start3A_133 = tpu.memref_slice %arg5[%mul3A_39] : memref<163840xf32, #tpu.memory_space<hbm>> -> memref<10240xf32, #tpu.memory_space<hbm>>
      tpu.enqueue_dma source(%dma_start3A_133 : memref<10240xf32, #tpu.memory_space<hbm>>) target(%arg16 : memref<10240xf32, #tpu.memory_space<vmem>>) target_semaphore(%run_scoped3A : memref<!tpu.dma_semaphore, #tpu.memory_space<semaphore_mem>>)
      %dma_wait3A = tpu.memref_slice %arg5[%mul3A_39] : memref<163840xf32, #tpu.memory_space<hbm>> -> memref<10240xf32, #tpu.memory_space<hbm>>
      %dma_wait3A_134 = tpu.memref_slice %arg5[%mul3A_39] : memref<163840xf32, #tpu.memory_space<hbm>> -> memref<10240xf32, #tpu.memory_space<hbm>>
      tpu.wait_dma2 semaphore(%run_scoped3A : memref<!tpu.dma_semaphore, #tpu.memory_space<semaphore_mem>>) src(%dma_wait3A_134 : memref<10240xf32, #tpu.memory_space<hbm>>) dst(%arg16 : memref<10240xf32, #tpu.memory_space<vmem>>)
      tpu.yield
    }) : () -> ()
    %add3A_40 = arith.constant 8 : i32
    %add3A_41 = arith.addi %add3A_40, %select_n3A : i32
    %mul3A_42 = arith.constant 10240 : i32
    %mul3A_43 = arith.muli %add3A_41, %mul3A_42 : i32
    "tpu.region"() ({
      %run_scoped3A = tpu.sem_alloc : memref<!tpu.dma_semaphore, #tpu.memory_space<semaphore_mem>>
      %dma_start3A_132 = tpu.memref_slice %arg5[%mul3A_43] : memref<163840xf32, #tpu.memory_space<hbm>> -> memref<10240xf32, #tpu.memory_space<hbm>>
      %dma_start3A_133 = tpu.memref_slice %arg5[%mul3A_43] : memref<163840xf32, #tpu.memory_space<hbm>> -> memref<10240xf32, #tpu.memory_space<hbm>>
      tpu.enqueue_dma source(%dma_start3A_133 : memref<10240xf32, #tpu.memory_space<hbm>>) target(%arg17 : memref<10240xf32, #tpu.memory_space<vmem>>) target_semaphore(%run_scoped3A : memref<!tpu.dma_semaphore, #tpu.memory_space<semaphore_mem>>)
      %dma_wait3A = tpu.memref_slice %arg5[%mul3A_43] : memref<163840xf32, #tpu.memory_space<hbm>> -> memref<10240xf32, #tpu.memory_space<hbm>>
      %dma_wait3A_134 = tpu.memref_slice %arg5[%mul3A_43] : memref<163840xf32, #tpu.memory_space<hbm>> -> memref<10240xf32, #tpu.memory_space<hbm>>
      tpu.wait_dma2 semaphore(%run_scoped3A : memref<!tpu.dma_semaphore, #tpu.memory_space<semaphore_mem>>) src(%dma_wait3A_134 : memref<10240xf32, #tpu.memory_space<hbm>>) dst(%arg17 : memref<10240xf32, #tpu.memory_space<vmem>>)
      tpu.yield
    }) : () -> ()
    %broadcast_in_dim3A = arith.constant 0.000000e+00 : f32
    %broadcast_in_dim3A_44 = vector.broadcast %broadcast_in_dim3A : f32 to vector<16xf32>
    %parallel_loop3A = arith.constant 0 : i32
    %parallel_loop3A_45 = arith.constant 640 : i32
    %parallel_loop3A_46 = arith.constant 1 : i32
    scf.for %parallel_loop3A_132 = %parallel_loop3A to %parallel_loop3A_45 step %parallel_loop3A_46  : i32 {
      %parallel_loop3A_133 = arith.constant 16 : i32
      %parallel_loop3A_134 = arith.muli %parallel_loop3A_132, %parallel_loop3A_133 : i32
      %parallel_loop3A_135 = arith.index_cast %parallel_loop3A_134 : i32 to index
      %parallel_loop3A_136 = tpu.vector_load %arg12[%parallel_loop3A_135] {strides = array<i32>} : memref<10240xf32, #tpu.memory_space<vmem>>, vector<16xf32>,
      tpu.vector_store %arg12[%parallel_loop3A_135], %broadcast_in_dim3A_44 {strides = array<i32>} : memref<10240xf32, #tpu.memory_space<vmem>>, vector<16xf32>,
    } {sc.loop_unroll_factor = 8 : i64, sc.parallel_access}
    %broadcast_in_dim3A_47 = arith.constant 0.000000e+00 : f32
    %broadcast_in_dim3A_48 = vector.broadcast %broadcast_in_dim3A_47 : f32 to vector<16xf32>
    %parallel_loop3A_49 = arith.constant 0 : i32
    %parallel_loop3A_50 = arith.constant 640 : i32
    %parallel_loop3A_51 = arith.constant 1 : i32
    scf.for %parallel_loop3A_132 = %parallel_loop3A_49 to %parallel_loop3A_50 step %parallel_loop3A_51  : i32 {
      %parallel_loop3A_133 = arith.constant 16 : i32
      %parallel_loop3A_134 = arith.muli %parallel_loop3A_132, %parallel_loop3A_133 : i32
      %parallel_loop3A_135 = arith.index_cast %parallel_loop3A_134 : i32 to index
      %parallel_loop3A_136 = tpu.vector_load %arg13[%parallel_loop3A_135] {strides = array<i32>} : memref<10240xf32, #tpu.memory_space<vmem>>, vector<16xf32>,
      tpu.vector_store %arg13[%parallel_loop3A_135], %broadcast_in_dim3A_48 {strides = array<i32>} : memref<10240xf32, #tpu.memory_space<vmem>>, vector<16xf32>,
    } {sc.loop_unroll_factor = 8 : i64, sc.parallel_access}
    %broadcast_in_dim3A_52 = arith.constant 0.000000e+00 : f32
    %broadcast_in_dim3A_53 = vector.broadcast %broadcast_in_dim3A_52 : f32 to vector<16xf32>
    %parallel_loop3A_54 = arith.constant 0 : i32
    %parallel_loop3A_55 = arith.constant 640 : i32
    %parallel_loop3A_56 = arith.constant 1 : i32
    scf.for %parallel_loop3A_132 = %parallel_loop3A_54 to %parallel_loop3A_55 step %parallel_loop3A_56  : i32 {
      %parallel_loop3A_133 = arith.constant 16 : i32
      %parallel_loop3A_134 = arith.muli %parallel_loop3A_132, %parallel_loop3A_133 : i32
      %parallel_loop3A_135 = arith.index_cast %parallel_loop3A_134 : i32 to index
      %parallel_loop3A_136 = tpu.vector_load %arg14[%parallel_loop3A_135] {strides = array<i32>} : memref<10240xf32, #tpu.memory_space<vmem>>, vector<16xf32>,
      tpu.vector_store %arg14[%parallel_loop3A_135], %broadcast_in_dim3A_53 {strides = array<i32>} : memref<10240xf32, #tpu.memory_space<vmem>>, vector<16xf32>,
    } {sc.loop_unroll_factor = 8 : i64, sc.parallel_access}
    %broadcast_in_dim3A_57 = arith.constant 0.000000e+00 : f32
    %broadcast_in_dim3A_58 = vector.broadcast %broadcast_in_dim3A_57 : f32 to vector<16xf32>
    %parallel_loop3A_59 = arith.constant 0 : i32
    %parallel_loop3A_60 = arith.constant 640 : i32
    %parallel_loop3A_61 = arith.constant 1 : i32
    scf.for %parallel_loop3A_132 = %parallel_loop3A_59 to %parallel_loop3A_60 step %parallel_loop3A_61  : i32 {
      %parallel_loop3A_133 = arith.constant 16 : i32
      %parallel_loop3A_134 = arith.muli %parallel_loop3A_132, %parallel_loop3A_133 : i32
      %parallel_loop3A_135 = arith.index_cast %parallel_loop3A_134 : i32 to index
      %parallel_loop3A_136 = tpu.vector_load %arg15[%parallel_loop3A_135] {strides = array<i32>} : memref<10240xf32, #tpu.memory_space<vmem>>, vector<16xf32>,
      tpu.vector_store %arg15[%parallel_loop3A_135], %broadcast_in_dim3A_58 {strides = array<i32>} : memref<10240xf32, #tpu.memory_space<vmem>>, vector<16xf32>,
    } {sc.loop_unroll_factor = 8 : i64, sc.parallel_access}
    %broadcast_in_dim3A_62 = arith.constant 0.000000e+00 : f32
    %broadcast_in_dim3A_63 = vector.broadcast %broadcast_in_dim3A_62 : f32 to vector<16xf32>
    %parallel_loop3A_64 = arith.constant 0 : i32
    %parallel_loop3A_65 = arith.constant 640 : i32
    %parallel_loop3A_66 = arith.constant 1 : i32
    scf.for %parallel_loop3A_132 = %parallel_loop3A_64 to %parallel_loop3A_65 step %parallel_loop3A_66  : i32 {
      %parallel_loop3A_133 = arith.constant 16 : i32
      %parallel_loop3A_134 = arith.muli %parallel_loop3A_132, %parallel_loop3A_133 : i32
      %parallel_loop3A_135 = arith.index_cast %parallel_loop3A_134 : i32 to index
      %parallel_loop3A_136 = tpu.vector_load %arg18[%parallel_loop3A_135] {strides = array<i32>} : memref<10240xf32, #tpu.memory_space<vmem>>, vector<16xf32>,
      tpu.vector_store %arg18[%parallel_loop3A_135], %broadcast_in_dim3A_63 {strides = array<i32>} : memref<10240xf32, #tpu.memory_space<vmem>>, vector<16xf32>,
    } {sc.loop_unroll_factor = 8 : i64, sc.parallel_access}
    %mul3A_67 = arith.constant 160000 : i32
    %mul3A_68 = arith.muli %arg0, %mul3A_67 : i32
    %add3A_69 = arith.constant 0 : i32
    %add3A_70 = arith.addi %mul3A_68, %add3A_69 : i32
    %dma_start3A = tpu.memref_slice %arg2[%add3A_70] : memref<320000xi32, #tpu.memory_space<hbm>> -> memref<3200xi32, #tpu.memory_space<hbm>>
    %dma_start3A_71 = tpu.memref_slice %arg2[%add3A_70] : memref<320000xi32, #tpu.memory_space<hbm>> -> memref<3200xi32, #tpu.memory_space<hbm>>
    tpu.enqueue_dma source(%dma_start3A_71 : memref<3200xi32, #tpu.memory_space<hbm>>) target(%arg19 : memref<3200xi32, #tpu.memory_space<vmem>>) target_semaphore(%arg23 : memref<!tpu.dma_semaphore, #tpu.memory_space<semaphore_mem>>)
    %dma_start3A_72 = tpu.memref_slice %arg3[%add3A_70] : memref<320000xi32, #tpu.memory_space<hbm>> -> memref<3200xi32, #tpu.memory_space<hbm>>
    %dma_start3A_73 = tpu.memref_slice %arg3[%add3A_70] : memref<320000xi32, #tpu.memory_space<hbm>> -> memref<3200xi32, #tpu.memory_space<hbm>>
    tpu.enqueue_dma source(%dma_start3A_73 : memref<3200xi32, #tpu.memory_space<hbm>>) target(%arg21 : memref<3200xi32, #tpu.memory_space<vmem>>) target_semaphore(%arg23 : memref<!tpu.dma_semaphore, #tpu.memory_space<semaphore_mem>>)
    %scan3A = arith.constant 0 : i32
    %scan3A_74 = arith.constant 0 : i32
    %scan3A_75 = arith.constant 25 : i32
    %scan3A_76 = arith.addi %scan3A_74, %scan3A_75 : i32
    %scan3A_77 = arith.constant 1 : i32
    scf.for %scan3A_132 = %scan3A_74 to %scan3A_76 step %scan3A_77  : i32 {
      %mul3A_133 = arith.constant 2 : i32
      %mul3A_134 = arith.muli %mul3A_133, %scan3A_132 : i32
      %add3A_135 = arith.constant 0 : i32
      %add3A_136 = arith.addi %mul3A_134, %add3A_135 : i32
      %add3A_137 = arith.constant 1 : i32
      %add3A_138 = arith.addi %add3A_136, %add3A_137 : i32
      %lt3A_139 = arith.constant 50 : i32
      %lt3A_140 = arith.cmpi slt, %add3A_138, %lt3A_139 : i32
      %convert_element_type3A_141 = arith.extui %lt3A_140 : i1 to i32
      %cond3A_142 = arith.constant 0 : i32
      %cond3A_143 = arith.cmpi ne, %convert_element_type3A_141, %cond3A_142 : i32
      scf.if %cond3A_143 {
        %add3A_176 = arith.constant 1 : i32
        %add3A_177 = arith.addi %add3A_136, %add3A_176 : i32
        %mul3A_178 = arith.constant 3200 : i32
        %mul3A_179 = arith.muli %add3A_177, %mul3A_178 : i32
        %add3A_180 = arith.addi %mul3A_68, %mul3A_179 : i32
        %dma_start3A_181 = tpu.memref_slice %arg2[%add3A_180] : memref<320000xi32, #tpu.memory_space<hbm>> -> memref<3200xi32, #tpu.memory_space<hbm>>
        %dma_start3A_182 = tpu.memref_slice %arg2[%add3A_180] : memref<320000xi32, #tpu.memory_space<hbm>> -> memref<3200xi32, #tpu.memory_space<hbm>>
        tpu.enqueue_dma source(%dma_start3A_182 : memref<3200xi32, #tpu.memory_space<hbm>>) target(%arg20 : memref<3200xi32, #tpu.memory_space<vmem>>) target_semaphore(%arg24 : memref<!tpu.dma_semaphore, #tpu.memory_space<semaphore_mem>>)
        %dma_start3A_183 = tpu.memref_slice %arg3[%add3A_180] : memref<320000xi32, #tpu.memory_space<hbm>> -> memref<3200xi32, #tpu.memory_space<hbm>>
        %dma_start3A_184 = tpu.memref_slice %arg3[%add3A_180] : memref<320000xi32, #tpu.memory_space<hbm>> -> memref<3200xi32, #tpu.memory_space<hbm>>
        tpu.enqueue_dma source(%dma_start3A_184 : memref<3200xi32, #tpu.memory_space<hbm>>) target(%arg22 : memref<3200xi32, #tpu.memory_space<vmem>>) target_semaphore(%arg24 : memref<!tpu.dma_semaphore, #tpu.memory_space<semaphore_mem>>)
      } else {
      }
      %dma_wait3A = arith.constant 0 : i32
      %dma_wait3A_144 = tpu.memref_slice %arg2[%dma_wait3A] : memref<320000xi32, #tpu.memory_space<hbm>> -> memref<3200xi32, #tpu.memory_space<hbm>>
      %dma_wait3A_145 = arith.constant 0 : i32
      %dma_wait3A_146 = tpu.memref_slice %arg2[%dma_wait3A_145] : memref<320000xi32, #tpu.memory_space<hbm>> -> memref<3200xi32, #tpu.memory_space<hbm>>
      tpu.wait_dma2 semaphore(%arg23 : memref<!tpu.dma_semaphore, #tpu.memory_space<semaphore_mem>>) src(%dma_wait3A_146 : memref<3200xi32, #tpu.memory_space<hbm>>) dst(%arg19 : memref<3200xi32, #tpu.memory_space<vmem>>)
      %dma_wait3A_147 = arith.constant 0 : i32
      %dma_wait3A_148 = tpu.memref_slice %arg3[%dma_wait3A_147] : memref<320000xi32, #tpu.memory_space<hbm>> -> memref<3200xi32, #tpu.memory_space<hbm>>
      %dma_wait3A_149 = arith.constant 0 : i32
      %dma_wait3A_150 = tpu.memref_slice %arg3[%dma_wait3A_149] : memref<320000xi32, #tpu.memory_space<hbm>> -> memref<3200xi32, #tpu.memory_space<hbm>>
      tpu.wait_dma2 semaphore(%arg23 : memref<!tpu.dma_semaphore, #tpu.memory_space<semaphore_mem>>) src(%dma_wait3A_150 : memref<3200xi32, #tpu.memory_space<hbm>>) dst(%arg21 : memref<3200xi32, #tpu.memory_space<vmem>>)
      %parallel_loop3A_151 = arith.constant 0 : i32
      %parallel_loop3A_152 = arith.constant 200 : i32
      %parallel_loop3A_153 = arith.constant 1 : i32
      scf.for %parallel_loop3A_176 = %parallel_loop3A_151 to %parallel_loop3A_152 step %parallel_loop3A_153  : i32 {
        %parallel_loop3A_177 = arith.constant 16 : i32
        %parallel_loop3A_178 = arith.muli %parallel_loop3A_176, %parallel_loop3A_177 : i32
        %parallel_loop3A_179 = arith.index_cast %parallel_loop3A_178 : i32 to index
        %parallel_loop3A_180 = tpu.vector_load %arg19[%parallel_loop3A_179] {strides = array<i32>} : memref<3200xi32, #tpu.memory_space<vmem>>, vector<16xi32>,
        %parallel_loop3A_181 = arith.constant 16 : i32
        %parallel_loop3A_182 = arith.muli %parallel_loop3A_176, %parallel_loop3A_181 : i32
        %parallel_loop3A_183 = arith.index_cast %parallel_loop3A_182 : i32 to index
        %parallel_loop3A_184 = tpu.vector_load %arg21[%parallel_loop3A_183] {strides = array<i32>} : memref<3200xi32, #tpu.memory_space<vmem>>, vector<16xi32>,
        %parallel_loop3A_185 = tpu.vector_load_idx %arg16[%parallel_loop3A_180] : memref<10240xf32, #tpu.memory_space<vmem>>[vector<16xi32>], vector<16xf32>,
        %parallel_loop3A_186 = tpu.vector_load_idx %arg17[%parallel_loop3A_184] : memref<10240xf32, #tpu.memory_space<vmem>>[vector<16xi32>], vector<16xf32>,
        %parallel_loop3A_187 = arith.addf %parallel_loop3A_185, %parallel_loop3A_186 : vector<16xf32>
        %parallel_loop3A_188 = arith.constant 0.000000e+00 : f32
        %parallel_loop3A_189 = vector.broadcast %parallel_loop3A_188 : f32 to vector<16xf32>
        %parallel_loop3A_190 = arith.cmpf oge, %parallel_loop3A_187, %parallel_loop3A_189 : vector<16xf32>
        %parallel_loop3A_191 = arith.constant 2.000000e-01 : f32
        %parallel_loop3A_192 = vector.broadcast %parallel_loop3A_191 : f32 to vector<16xf32>
        %parallel_loop3A_193 = arith.mulf %parallel_loop3A_192, %parallel_loop3A_187 : vector<16xf32>
        %parallel_loop3A_194 = arith.select %parallel_loop3A_190, %parallel_loop3A_187, %parallel_loop3A_193 : vector<16xi1>, vector<16xf32>
        %parallel_loop3A_195 = math.exp %parallel_loop3A_194 : vector<16xf32>
        tpu.vector_store_idx %arg18[%parallel_loop3A_184], %parallel_loop3A_195 {add = true} : memref<10240xf32, #tpu.memory_space<vmem>>[vector<16xi32>], vector<16xf32>,
        %parallel_loop3A_196 = tpu.vector_load_idx %arg8[%parallel_loop3A_180] : memref<10240xf32, #tpu.memory_space<vmem>>[vector<16xi32>], vector<16xf32>,
        %parallel_loop3A_197 = arith.mulf %parallel_loop3A_195, %parallel_loop3A_196 : vector<16xf32>
        tpu.vector_store_idx %arg12[%parallel_loop3A_184], %parallel_loop3A_197 {add = true} : memref<10240xf32, #tpu.memory_space<vmem>>[vector<16xi32>], vector<16xf32>,
        %parallel_loop3A_198 = tpu.vector_load_idx %arg9[%parallel_loop3A_180] : memref<10240xf32, #tpu.memory_space<vmem>>[vector<16xi32>], vector<16xf32>,
        %parallel_loop3A_199 = arith.mulf %parallel_loop3A_195, %parallel_loop3A_198 : vector<16xf32>
        tpu.vector_store_idx %arg13[%parallel_loop3A_184], %parallel_loop3A_199 {add = true} : memref<10240xf32, #tpu.memory_space<vmem>>[vector<16xi32>], vector<16xf32>,
        %parallel_loop3A_200 = tpu.vector_load_idx %arg10[%parallel_loop3A_180] : memref<10240xf32, #tpu.memory_space<vmem>>[vector<16xi32>], vector<16xf32>,
        %parallel_loop3A_201 = arith.mulf %parallel_loop3A_195, %parallel_loop3A_200 : vector<16xf32>
        tpu.vector_store_idx %arg14[%parallel_loop3A_184], %parallel_loop3A_201 {add = true} : memref<10240xf32, #tpu.memory_space<vmem>>[vector<16xi32>], vector<16xf32>,
        %parallel_loop3A_202 = tpu.vector_load_idx %arg11[%parallel_loop3A_180] : memref<10240xf32, #tpu.memory_space<vmem>>[vector<16xi32>], vector<16xf32>,
        %parallel_loop3A_203 = arith.mulf %parallel_loop3A_195, %parallel_loop3A_202 : vector<16xf32>
        tpu.vector_store_idx %arg15[%parallel_loop3A_184], %parallel_loop3A_203 {add = true} : memref<10240xf32, #tpu.memory_space<vmem>>[vector<16xi32>], vector<16xf32>,
      } {sc.loop_unroll_factor = 2 : i64, sc.parallel_access}
      %mul3A_154 = arith.constant 2 : i32
      %mul3A_155 = arith.muli %mul3A_154, %scan3A_132 : i32
      %add3A_156 = arith.constant 1 : i32
      %add3A_157 = arith.addi %mul3A_155, %add3A_156 : i32
      %add3A_158 = arith.constant 1 : i32
      %add3A_159 = arith.addi %add3A_157, %add3A_158 : i32
      %lt3A_160 = arith.constant 50 : i32
      %lt3A_161 = arith.cmpi slt, %add3A_159, %lt3A_160 : i32
      %convert_element_type3A_162 = arith.extui %lt3A_161 : i1 to i32
      %cond3A_163 = arith.constant 0 : i32
      %cond3A_164 = arith.cmpi ne, %convert_element_type3A_162, %cond3A_163 : i32
      scf.if %cond3A_164 {
        %add3A_176 = arith.constant 1 : i32
        %add3A_177 = arith.addi %add3A_157, %add3A_176 : i32
        %mul3A_178 = arith.constant 3200 : i32
        %mul3A_179 = arith.muli %add3A_177, %mul3A_178 : i32
        %add3A_180 = arith.addi %mul3A_68, %mul3A_179 : i32
        %dma_start3A_181 = tpu.memref_slice %arg2[%add3A_180] : memref<320000xi32, #tpu.memory_space<hbm>> -> memref<3200xi32, #tpu.memory_space<hbm>>
        %dma_start3A_182 = tpu.memref_slice %arg2[%add3A_180] : memref<320000xi32, #tpu.memory_space<hbm>> -> memref<3200xi32, #tpu.memory_space<hbm>>
        tpu.enqueue_dma source(%dma_start3A_182 : memref<3200xi32, #tpu.memory_space<hbm>>) target(%arg19 : memref<3200xi32, #tpu.memory_space<vmem>>) target_semaphore(%arg23 : memref<!tpu.dma_semaphore, #tpu.memory_space<semaphore_mem>>)
        %dma_start3A_183 = tpu.memref_slice %arg3[%add3A_180] : memref<320000xi32, #tpu.memory_space<hbm>> -> memref<3200xi32, #tpu.memory_space<hbm>>
        %dma_start3A_184 = tpu.memref_slice %arg3[%add3A_180] : memref<320000xi32, #tpu.memory_space<hbm>> -> memref<3200xi32, #tpu.memory_space<hbm>>
        tpu.enqueue_dma source(%dma_start3A_184 : memref<3200xi32, #tpu.memory_space<hbm>>) target(%arg21 : memref<3200xi32, #tpu.memory_space<vmem>>) target_semaphore(%arg23 : memref<!tpu.dma_semaphore, #tpu.memory_space<semaphore_mem>>)
      } else {
      }
      %dma_wait3A_165 = arith.constant 0 : i32
      %dma_wait3A_166 = tpu.memref_slice %arg2[%dma_wait3A_165] : memref<320000xi32, #tpu.memory_space<hbm>> -> memref<3200xi32, #tpu.memory_space<hbm>>
      %dma_wait3A_167 = arith.constant 0 : i32
      %dma_wait3A_168 = tpu.memref_slice %arg2[%dma_wait3A_167] : memref<320000xi32, #tpu.memory_space<hbm>> -> memref<3200xi32, #tpu.memory_space<hbm>>
      tpu.wait_dma2 semaphore(%arg24 : memref<!tpu.dma_semaphore, #tpu.memory_space<semaphore_mem>>) src(%dma_wait3A_168 : memref<3200xi32, #tpu.memory_space<hbm>>) dst(%arg20 : memref<3200xi32, #tpu.memory_space<vmem>>)
      %dma_wait3A_169 = arith.constant 0 : i32
      %dma_wait3A_170 = tpu.memref_slice %arg3[%dma_wait3A_169] : memref<320000xi32, #tpu.memory_space<hbm>> -> memref<3200xi32, #tpu.memory_space<hbm>>
      %dma_wait3A_171 = arith.constant 0 : i32
      %dma_wait3A_172 = tpu.memref_slice %arg3[%dma_wait3A_171] : memref<320000xi32, #tpu.memory_space<hbm>> -> memref<3200xi32, #tpu.memory_space<hbm>>
      tpu.wait_dma2 semaphore(%arg24 : memref<!tpu.dma_semaphore, #tpu.memory_space<semaphore_mem>>) src(%dma_wait3A_172 : memref<3200xi32, #tpu.memory_space<hbm>>) dst(%arg22 : memref<3200xi32, #tpu.memory_space<vmem>>)
      %parallel_loop3A_173 = arith.constant 0 : i32
      %parallel_loop3A_174 = arith.constant 200 : i32
      %parallel_loop3A_175 = arith.constant 1 : i32
      scf.for %parallel_loop3A_176 = %parallel_loop3A_173 to %parallel_loop3A_174 step %parallel_loop3A_175  : i32 {
        %parallel_loop3A_177 = arith.constant 16 : i32
        %parallel_loop3A_178 = arith.muli %parallel_loop3A_176, %parallel_loop3A_177 : i32
        %parallel_loop3A_179 = arith.index_cast %parallel_loop3A_178 : i32 to index
        %parallel_loop3A_180 = tpu.vector_load %arg20[%parallel_loop3A_179] {strides = array<i32>} : memref<3200xi32, #tpu.memory_space<vmem>>, vector<16xi32>,
        %parallel_loop3A_181 = arith.constant 16 : i32
        %parallel_loop3A_182 = arith.muli %parallel_loop3A_176, %parallel_loop3A_181 : i32
        %parallel_loop3A_183 = arith.index_cast %parallel_loop3A_182 : i32 to index
        %parallel_loop3A_184 = tpu.vector_load %arg22[%parallel_loop3A_183] {strides = array<i32>} : memref<3200xi32, #tpu.memory_space<vmem>>, vector<16xi32>,
        %parallel_loop3A_185 = tpu.vector_load_idx %arg16[%parallel_loop3A_180] : memref<10240xf32, #tpu.memory_space<vmem>>[vector<16xi32>], vector<16xf32>,
        %parallel_loop3A_186 = tpu.vector_load_idx %arg17[%parallel_loop3A_184] : memref<10240xf32, #tpu.memory_space<vmem>>[vector<16xi32>], vector<16xf32>,
        %parallel_loop3A_187 = arith.addf %parallel_loop3A_185, %parallel_loop3A_186 : vector<16xf32>
        %parallel_loop3A_188 = arith.constant 0.000000e+00 : f32
        %parallel_loop3A_189 = vector.broadcast %parallel_loop3A_188 : f32 to vector<16xf32>
        %parallel_loop3A_190 = arith.cmpf oge, %parallel_loop3A_187, %parallel_loop3A_189 : vector<16xf32>
        %parallel_loop3A_191 = arith.constant 2.000000e-01 : f32
        %parallel_loop3A_192 = vector.broadcast %parallel_loop3A_191 : f32 to vector<16xf32>
        %parallel_loop3A_193 = arith.mulf %parallel_loop3A_192, %parallel_loop3A_187 : vector<16xf32>
        %parallel_loop3A_194 = arith.select %parallel_loop3A_190, %parallel_loop3A_187, %parallel_loop3A_193 : vector<16xi1>, vector<16xf32>
        %parallel_loop3A_195 = math.exp %parallel_loop3A_194 : vector<16xf32>
        tpu.vector_store_idx %arg18[%parallel_loop3A_184], %parallel_loop3A_195 {add = true} : memref<10240xf32, #tpu.memory_space<vmem>>[vector<16xi32>], vector<16xf32>,
        %parallel_loop3A_196 = tpu.vector_load_idx %arg8[%parallel_loop3A_180] : memref<10240xf32, #tpu.memory_space<vmem>>[vector<16xi32>], vector<16xf32>,
        %parallel_loop3A_197 = arith.mulf %parallel_loop3A_195, %parallel_loop3A_196 : vector<16xf32>
        tpu.vector_store_idx %arg12[%parallel_loop3A_184], %parallel_loop3A_197 {add = true} : memref<10240xf32, #tpu.memory_space<vmem>>[vector<16xi32>], vector<16xf32>,
        %parallel_loop3A_198 = tpu.vector_load_idx %arg9[%parallel_loop3A_180] : memref<10240xf32, #tpu.memory_space<vmem>>[vector<16xi32>], vector<16xf32>,
        %parallel_loop3A_199 = arith.mulf %parallel_loop3A_195, %parallel_loop3A_198 : vector<16xf32>
        tpu.vector_store_idx %arg13[%parallel_loop3A_184], %parallel_loop3A_199 {add = true} : memref<10240xf32, #tpu.memory_space<vmem>>[vector<16xi32>], vector<16xf32>,
        %parallel_loop3A_200 = tpu.vector_load_idx %arg10[%parallel_loop3A_180] : memref<10240xf32, #tpu.memory_space<vmem>>[vector<16xi32>], vector<16xf32>,
        %parallel_loop3A_201 = arith.mulf %parallel_loop3A_195, %parallel_loop3A_200 : vector<16xf32>
        tpu.vector_store_idx %arg14[%parallel_loop3A_184], %parallel_loop3A_201 {add = true} : memref<10240xf32, #tpu.memory_space<vmem>>[vector<16xi32>], vector<16xf32>,
        %parallel_loop3A_202 = tpu.vector_load_idx %arg11[%parallel_loop3A_180] : memref<10240xf32, #tpu.memory_space<vmem>>[vector<16xi32>], vector<16xf32>,
        %parallel_loop3A_203 = arith.mulf %parallel_loop3A_195, %parallel_loop3A_202 : vector<16xf32>
        tpu.vector_store_idx %arg15[%parallel_loop3A_184], %parallel_loop3A_203 {add = true} : memref<10240xf32, #tpu.memory_space<vmem>>[vector<16xi32>], vector<16xf32>,
      } {sc.loop_unroll_factor = 2 : i64, sc.parallel_access}
    }
    %scan3A_78 = arith.constant 25 : i32
    %mul3A_79 = arith.constant 64 : i32
    %mul3A_80 = arith.muli %mul3A_79, %arg0 : i32
    %mul3A_81 = arith.constant 4 : i32
    %mul3A_82 = arith.muli %mul3A_81, %arg1 : i32
    %add3A_83 = arith.addi %mul3A_80, %mul3A_82 : i32
    %add3A_84 = arith.constant 0 : i32
    %add3A_85 = arith.addi %add3A_83, %add3A_84 : i32
    %mul3A_86 = arith.constant 10240 : i32
    %mul3A_87 = arith.muli %add3A_85, %mul3A_86 : i32
    "tpu.region"() ({
      %run_scoped3A = tpu.sem_alloc : memref<!tpu.dma_semaphore, #tpu.memory_space<semaphore_mem>>
      %dma_start3A_132 = tpu.memref_slice %arg6[%mul3A_87] : memref<1310720xf32, #tpu.memory_space<hbm>> -> memref<10240xf32, #tpu.memory_space<hbm>>
      %dma_start3A_133 = tpu.memref_slice %arg6[%mul3A_87] : memref<1310720xf32, #tpu.memory_space<hbm>> -> memref<10240xf32, #tpu.memory_space<hbm>>
      tpu.enqueue_dma source(%arg12 : memref<10240xf32, #tpu.memory_space<vmem>>) target(%dma_start3A_133 : memref<10240xf32, #tpu.memory_space<hbm>>) target_semaphore(%run_scoped3A : memref<!tpu.dma_semaphore, #tpu.memory_space<semaphore_mem>>)
      %dma_wait3A = tpu.memref_slice %arg6[%mul3A_87] : memref<1310720xf32, #tpu.memory_space<hbm>> -> memref<10240xf32, #tpu.memory_space<hbm>>
      %dma_wait3A_134 = tpu.memref_slice %arg6[%mul3A_87] : memref<1310720xf32, #tpu.memory_space<hbm>> -> memref<10240xf32, #tpu.memory_space<hbm>>
      tpu.wait_dma2 semaphore(%run_scoped3A : memref<!tpu.dma_semaphore, #tpu.memory_space<semaphore_mem>>) src(%arg12 : memref<10240xf32, #tpu.memory_space<vmem>>) dst(%dma_wait3A_134 : memref<10240xf32, #tpu.memory_space<hbm>>)
      tpu.yield
    }) : () -> ()
    %mul3A_88 = arith.constant 64 : i32
    %mul3A_89 = arith.muli %mul3A_88, %arg0 : i32
    %mul3A_90 = arith.constant 4 : i32
    %mul3A_91 = arith.muli %mul3A_90, %arg1 : i32
    %add3A_92 = arith.addi %mul3A_89, %mul3A_91 : i32
    %add3A_93 = arith.constant 1 : i32
    %add3A_94 = arith.addi %add3A_92, %add3A_93 : i32
    %mul3A_95 = arith.constant 10240 : i32
    %mul3A_96 = arith.muli %add3A_94, %mul3A_95 : i32
    "tpu.region"() ({
      %run_scoped3A = tpu.sem_alloc : memref<!tpu.dma_semaphore, #tpu.memory_space<semaphore_mem>>
      %dma_start3A_132 = tpu.memref_slice %arg6[%mul3A_96] : memref<1310720xf32, #tpu.memory_space<hbm>> -> memref<10240xf32, #tpu.memory_space<hbm>>
      %dma_start3A_133 = tpu.memref_slice %arg6[%mul3A_96] : memref<1310720xf32, #tpu.memory_space<hbm>> -> memref<10240xf32, #tpu.memory_space<hbm>>
      tpu.enqueue_dma source(%arg13 : memref<10240xf32, #tpu.memory_space<vmem>>) target(%dma_start3A_133 : memref<10240xf32, #tpu.memory_space<hbm>>) target_semaphore(%run_scoped3A : memref<!tpu.dma_semaphore, #tpu.memory_space<semaphore_mem>>)
      %dma_wait3A = tpu.memref_slice %arg6[%mul3A_96] : memref<1310720xf32, #tpu.memory_space<hbm>> -> memref<10240xf32, #tpu.memory_space<hbm>>
      %dma_wait3A_134 = tpu.memref_slice %arg6[%mul3A_96] : memref<1310720xf32, #tpu.memory_space<hbm>> -> memref<10240xf32, #tpu.memory_space<hbm>>
      tpu.wait_dma2 semaphore(%run_scoped3A : memref<!tpu.dma_semaphore, #tpu.memory_space<semaphore_mem>>) src(%arg13 : memref<10240xf32, #tpu.memory_space<vmem>>) dst(%dma_wait3A_134 : memref<10240xf32, #tpu.memory_space<hbm>>)
      tpu.yield
    }) : () -> ()
    %mul3A_97 = arith.constant 64 : i32
    %mul3A_98 = arith.muli %mul3A_97, %arg0 : i32
    %mul3A_99 = arith.constant 4 : i32
    %mul3A_100 = arith.muli %mul3A_99, %arg1 : i32
    %add3A_101 = arith.addi %mul3A_98, %mul3A_100 : i32
    %add3A_102 = arith.constant 2 : i32
    %add3A_103 = arith.addi %add3A_101, %add3A_102 : i32
    %mul3A_104 = arith.constant 10240 : i32
    %mul3A_105 = arith.muli %add3A_103, %mul3A_104 : i32
    "tpu.region"() ({
      %run_scoped3A = tpu.sem_alloc : memref<!tpu.dma_semaphore, #tpu.memory_space<semaphore_mem>>
      %dma_start3A_132 = tpu.memref_slice %arg6[%mul3A_105] : memref<1310720xf32, #tpu.memory_space<hbm>> -> memref<10240xf32, #tpu.memory_space<hbm>>
      %dma_start3A_133 = tpu.memref_slice %arg6[%mul3A_105] : memref<1310720xf32, #tpu.memory_space<hbm>> -> memref<10240xf32, #tpu.memory_space<hbm>>
      tpu.enqueue_dma source(%arg14 : memref<10240xf32, #tpu.memory_space<vmem>>) target(%dma_start3A_133 : memref<10240xf32, #tpu.memory_space<hbm>>) target_semaphore(%run_scoped3A : memref<!tpu.dma_semaphore, #tpu.memory_space<semaphore_mem>>)
      %dma_wait3A = tpu.memref_slice %arg6[%mul3A_105] : memref<1310720xf32, #tpu.memory_space<hbm>> -> memref<10240xf32, #tpu.memory_space<hbm>>
      %dma_wait3A_134 = tpu.memref_slice %arg6[%mul3A_105] : memref<1310720xf32, #tpu.memory_space<hbm>> -> memref<10240xf32, #tpu.memory_space<hbm>>
      tpu.wait_dma2 semaphore(%run_scoped3A : memref<!tpu.dma_semaphore, #tpu.memory_space<semaphore_mem>>) src(%arg14 : memref<10240xf32, #tpu.memory_space<vmem>>) dst(%dma_wait3A_134 : memref<10240xf32, #tpu.memory_space<hbm>>)
      tpu.yield
    }) : () -> ()
    %mul3A_106 = arith.constant 64 : i32
    %mul3A_107 = arith.muli %mul3A_106, %arg0 : i32
    %mul3A_108 = arith.constant 4 : i32
    %mul3A_109 = arith.muli %mul3A_108, %arg1 : i32
    %add3A_110 = arith.addi %mul3A_107, %mul3A_109 : i32
    %add3A_111 = arith.constant 3 : i32
    %add3A_112 = arith.addi %add3A_110, %add3A_111 : i32
    %mul3A_113 = arith.constant 10240 : i32
    %mul3A_114 = arith.muli %add3A_112, %mul3A_113 : i32
    "tpu.region"() ({
      %run_scoped3A = tpu.sem_alloc : memref<!tpu.dma_semaphore, #tpu.memory_space<semaphore_mem>>
      %dma_start3A_132 = tpu.memref_slice %arg6[%mul3A_114] : memref<1310720xf32, #tpu.memory_space<hbm>> -> memref<10240xf32, #tpu.memory_space<hbm>>
      %dma_start3A_133 = tpu.memref_slice %arg6[%mul3A_114] : memref<1310720xf32, #tpu.memory_space<hbm>> -> memref<10240xf32, #tpu.memory_space<hbm>>
      tpu.enqueue_dma source(%arg15 : memref<10240xf32, #tpu.memory_space<vmem>>) target(%dma_start3A_133 : memref<10240xf32, #tpu.memory_space<hbm>>) target_semaphore(%run_scoped3A : memref<!tpu.dma_semaphore, #tpu.memory_space<semaphore_mem>>)
      %dma_wait3A = tpu.memref_slice %arg6[%mul3A_114] : memref<1310720xf32, #tpu.memory_space<hbm>> -> memref<10240xf32, #tpu.memory_space<hbm>>
      %dma_wait3A_134 = tpu.memref_slice %arg6[%mul3A_114] : memref<1310720xf32, #tpu.memory_space<hbm>> -> memref<10240xf32, #tpu.memory_space<hbm>>
      tpu.wait_dma2 semaphore(%run_scoped3A : memref<!tpu.dma_semaphore, #tpu.memory_space<semaphore_mem>>) src(%arg15 : memref<10240xf32, #tpu.memory_space<vmem>>) dst(%dma_wait3A_134 : memref<10240xf32, #tpu.memory_space<hbm>>)
      tpu.yield
    }) : () -> ()
    %jit3A_115 = arith.constant 2 : i32
    %eq3A = arith.constant 0 : i32
    %eq3A_116 = arith.cmpi eq, %jit3A_115, %eq3A : i32
    %jit3A_117 = arith.constant 1 : i32
    %select_n3A_118 = arith.select %eq3A_116, %jit3A_117, %jit3A_115 : i32
    %rem3A_119 = arith.remsi %arg1, %select_n3A_118 : i32
    %ne3A_120 = arith.constant 0 : i32
    %ne3A_121 = arith.cmpi ne, %rem3A_119, %ne3A_120 : i32
    %lt3A = arith.constant 0 : i32
    %lt3A_122 = arith.cmpi slt, %rem3A_119, %lt3A : i32
    %lt3A_123 = arith.constant 0 : i32
    %lt3A_124 = arith.cmpi slt, %select_n3A_118, %lt3A_123 : i32
    %ne3A_125 = arith.xori %lt3A_122, %lt3A_124 : i1
    %and3A_126 = arith.andi %ne3A_125, %ne3A_121 : i1
    %add3A_127 = arith.addi %rem3A_119, %select_n3A_118 : i32
    %select_n3A_128 = arith.select %and3A_126, %add3A_127, %rem3A_119 : i32
    %eq3A_129 = arith.constant 0 : i32
    %eq3A_130 = arith.cmpi eq, %select_n3A_128, %eq3A_129 : i32
    %convert_element_type3A = arith.extui %eq3A_130 : i1 to i32
    %cond3A = arith.constant 0 : i32
    %cond3A_131 = arith.cmpi ne, %convert_element_type3A, %cond3A : i32
    scf.if %cond3A_131 {
      %mul3A_132 = arith.constant 8 : i32
      %mul3A_133 = arith.muli %mul3A_132, %arg0 : i32
      %add3A_134 = arith.addi %mul3A_133, %select_n3A : i32
      %mul3A_135 = arith.constant 10240 : i32
      %mul3A_136 = arith.muli %add3A_134, %mul3A_135 : i32
      "tpu.region"() ({
        %run_scoped3A = tpu.sem_alloc : memref<!tpu.dma_semaphore, #tpu.memory_space<semaphore_mem>>
        %dma_start3A_137 = tpu.memref_slice %arg7[%mul3A_136] : memref<163840xf32, #tpu.memory_space<hbm>> -> memref<10240xf32, #tpu.memory_space<hbm>>
        %dma_start3A_138 = tpu.memref_slice %arg7[%mul3A_136] : memref<163840xf32, #tpu.memory_space<hbm>> -> memref<10240xf32, #tpu.memory_space<hbm>>
        tpu.enqueue_dma source(%arg18 : memref<10240xf32, #tpu.memory_space<vmem>>) target(%dma_start3A_138 : memref<10240xf32, #tpu.memory_space<hbm>>) target_semaphore(%run_scoped3A : memref<!tpu.dma_semaphore, #tpu.memory_space<semaphore_mem>>)
        %dma_wait3A = tpu.memref_slice %arg7[%mul3A_136] : memref<163840xf32, #tpu.memory_space<hbm>> -> memref<10240xf32, #tpu.memory_space<hbm>>
        %dma_wait3A_139 = tpu.memref_slice %arg7[%mul3A_136] : memref<163840xf32, #tpu.memory_space<hbm>> -> memref<10240xf32, #tpu.memory_space<hbm>>
        tpu.wait_dma2 semaphore(%run_scoped3A : memref<!tpu.dma_semaphore, #tpu.memory_space<semaphore_mem>>) src(%arg18 : memref<10240xf32, #tpu.memory_space<vmem>>) dst(%dma_wait3A_139 : memref<10240xf32, #tpu.memory_space<hbm>>)
        tpu.yield
      }) : () -> ()
    } else {
    }
    return
  }
}

#map = affine_map<(d0, d1) -> (0)>
module attributes {stable_mosaic.version = 14 : i64} {
  func.func @_sc2_body(%arg0: i32, %arg1: i32, %arg2: memref<320000xi32, #tpu.memory_space<hbm>>, %arg3: memref<320000xi32, #tpu.memory_space<hbm>>, %arg4: memref<491520xf32, #tpu.memory_space<hbm>>, %arg5: memref<20480xf32, #tpu.memory_space<hbm>>, %arg6: memref<983040xf32, #tpu.memory_space<hbm>>, %arg7: memref<20480xf32, #tpu.memory_space<hbm>>, %arg8: memref<10240xf32, #tpu.memory_space<vmem>>, %arg9: memref<10240xf32, #tpu.memory_space<vmem>>, %arg10: memref<10240xf32, #tpu.memory_space<vmem>>, %arg11: memref<10240xf32, #tpu.memory_space<vmem>>, %arg12: memref<10240xf32, #tpu.memory_space<vmem>>, %arg13: memref<10240xf32, #tpu.memory_space<vmem>>, %arg14: memref<10240xf32, #tpu.memory_space<vmem>>, %arg15: memref<10240xf32, #tpu.memory_space<vmem>>, %arg16: memref<10240xf32, #tpu.memory_space<vmem>>, %arg17: memref<3200xi32, #tpu.memory_space<vmem>>, %arg18: memref<3200xi32, #tpu.memory_space<vmem>>, %arg19: memref<3200xi32, #tpu.memory_space<vmem>>, %arg20: memref<3200xi32, #tpu.memory_space<vmem>>, %arg21: memref<!tpu.dma_semaphore, #tpu.memory_space<semaphore_mem>>, %arg22: memref<!tpu.dma_semaphore, #tpu.memory_space<semaphore_mem>>) attributes {dimension_semantics = [#tpu.dimension_semantics<core_parallel>, #tpu.dimension_semantics<subcore_parallel>], iteration_bounds = array<i64: 2, 16>, scalar_prefetch = 0 : i64, scratch_operands = 15 : i64, tpu.core_type = #tpu.core_type<sc_vector_subcore>, window_params = [{transform_indices = #map}, {transform_indices = #map}, {transform_indices = #map}, {transform_indices = #map}, {transform_indices = #map}, {transform_indices = #map}]} {
    %mul3A = arith.constant 3 : i32
    %mul3A_0 = arith.muli %mul3A, %arg1 : i32
    %add3A = arith.constant 0 : i32
    %add3A_1 = arith.addi %mul3A_0, %add3A : i32
    %mul3A_2 = arith.constant 10240 : i32
    %mul3A_3 = arith.muli %add3A_1, %mul3A_2 : i32
    "tpu.region"() ({
      %run_scoped3A = tpu.sem_alloc : memref<!tpu.dma_semaphore, #tpu.memory_space<semaphore_mem>>
      %dma_start3A_75 = tpu.memref_slice %arg4[%mul3A_3] : memref<491520xf32, #tpu.memory_space<hbm>> -> memref<10240xf32, #tpu.memory_space<hbm>>
      %dma_start3A_76 = tpu.memref_slice %arg4[%mul3A_3] : memref<491520xf32, #tpu.memory_space<hbm>> -> memref<10240xf32, #tpu.memory_space<hbm>>
      tpu.enqueue_dma source(%dma_start3A_76 : memref<10240xf32, #tpu.memory_space<hbm>>) target(%arg8 : memref<10240xf32, #tpu.memory_space<vmem>>) target_semaphore(%run_scoped3A : memref<!tpu.dma_semaphore, #tpu.memory_space<semaphore_mem>>)
      %dma_wait3A = tpu.memref_slice %arg4[%mul3A_3] : memref<491520xf32, #tpu.memory_space<hbm>> -> memref<10240xf32, #tpu.memory_space<hbm>>
      %dma_wait3A_77 = tpu.memref_slice %arg4[%mul3A_3] : memref<491520xf32, #tpu.memory_space<hbm>> -> memref<10240xf32, #tpu.memory_space<hbm>>
      tpu.wait_dma2 semaphore(%run_scoped3A : memref<!tpu.dma_semaphore, #tpu.memory_space<semaphore_mem>>) src(%dma_wait3A_77 : memref<10240xf32, #tpu.memory_space<hbm>>) dst(%arg8 : memref<10240xf32, #tpu.memory_space<vmem>>)
      tpu.yield
    }) : () -> ()
    %mul3A_4 = arith.constant 3 : i32
    %mul3A_5 = arith.muli %mul3A_4, %arg1 : i32
    %add3A_6 = arith.constant 1 : i32
    %add3A_7 = arith.addi %mul3A_5, %add3A_6 : i32
    %mul3A_8 = arith.constant 10240 : i32
    %mul3A_9 = arith.muli %add3A_7, %mul3A_8 : i32
    "tpu.region"() ({
      %run_scoped3A = tpu.sem_alloc : memref<!tpu.dma_semaphore, #tpu.memory_space<semaphore_mem>>
      %dma_start3A_75 = tpu.memref_slice %arg4[%mul3A_9] : memref<491520xf32, #tpu.memory_space<hbm>> -> memref<10240xf32, #tpu.memory_space<hbm>>
      %dma_start3A_76 = tpu.memref_slice %arg4[%mul3A_9] : memref<491520xf32, #tpu.memory_space<hbm>> -> memref<10240xf32, #tpu.memory_space<hbm>>
      tpu.enqueue_dma source(%dma_start3A_76 : memref<10240xf32, #tpu.memory_space<hbm>>) target(%arg9 : memref<10240xf32, #tpu.memory_space<vmem>>) target_semaphore(%run_scoped3A : memref<!tpu.dma_semaphore, #tpu.memory_space<semaphore_mem>>)
      %dma_wait3A = tpu.memref_slice %arg4[%mul3A_9] : memref<491520xf32, #tpu.memory_space<hbm>> -> memref<10240xf32, #tpu.memory_space<hbm>>
      %dma_wait3A_77 = tpu.memref_slice %arg4[%mul3A_9] : memref<491520xf32, #tpu.memory_space<hbm>> -> memref<10240xf32, #tpu.memory_space<hbm>>
      tpu.wait_dma2 semaphore(%run_scoped3A : memref<!tpu.dma_semaphore, #tpu.memory_space<semaphore_mem>>) src(%dma_wait3A_77 : memref<10240xf32, #tpu.memory_space<hbm>>) dst(%arg9 : memref<10240xf32, #tpu.memory_space<vmem>>)
      tpu.yield
    }) : () -> ()
    %mul3A_10 = arith.constant 3 : i32
    %mul3A_11 = arith.muli %mul3A_10, %arg1 : i32
    %add3A_12 = arith.constant 2 : i32
    %add3A_13 = arith.addi %mul3A_11, %add3A_12 : i32
    %mul3A_14 = arith.constant 10240 : i32
    %mul3A_15 = arith.muli %add3A_13, %mul3A_14 : i32
    "tpu.region"() ({
      %run_scoped3A = tpu.sem_alloc : memref<!tpu.dma_semaphore, #tpu.memory_space<semaphore_mem>>
      %dma_start3A_75 = tpu.memref_slice %arg4[%mul3A_15] : memref<491520xf32, #tpu.memory_space<hbm>> -> memref<10240xf32, #tpu.memory_space<hbm>>
      %dma_start3A_76 = tpu.memref_slice %arg4[%mul3A_15] : memref<491520xf32, #tpu.memory_space<hbm>> -> memref<10240xf32, #tpu.memory_space<hbm>>
      tpu.enqueue_dma source(%dma_start3A_76 : memref<10240xf32, #tpu.memory_space<hbm>>) target(%arg10 : memref<10240xf32, #tpu.memory_space<vmem>>) target_semaphore(%run_scoped3A : memref<!tpu.dma_semaphore, #tpu.memory_space<semaphore_mem>>)
      %dma_wait3A = tpu.memref_slice %arg4[%mul3A_15] : memref<491520xf32, #tpu.memory_space<hbm>> -> memref<10240xf32, #tpu.memory_space<hbm>>
      %dma_wait3A_77 = tpu.memref_slice %arg4[%mul3A_15] : memref<491520xf32, #tpu.memory_space<hbm>> -> memref<10240xf32, #tpu.memory_space<hbm>>
      tpu.wait_dma2 semaphore(%run_scoped3A : memref<!tpu.dma_semaphore, #tpu.memory_space<semaphore_mem>>) src(%dma_wait3A_77 : memref<10240xf32, #tpu.memory_space<hbm>>) dst(%arg10 : memref<10240xf32, #tpu.memory_space<vmem>>)
      tpu.yield
    }) : () -> ()
    "tpu.region"() ({
      %run_scoped3A = tpu.sem_alloc : memref<!tpu.dma_semaphore, #tpu.memory_space<semaphore_mem>>
      %dma_start3A_75 = arith.constant 0 : i32
      %dma_start3A_76 = tpu.memref_slice %arg5[%dma_start3A_75] : memref<20480xf32, #tpu.memory_space<hbm>> -> memref<10240xf32, #tpu.memory_space<hbm>>
      %dma_start3A_77 = arith.constant 0 : i32
      %dma_start3A_78 = tpu.memref_slice %arg5[%dma_start3A_77] : memref<20480xf32, #tpu.memory_space<hbm>> -> memref<10240xf32, #tpu.memory_space<hbm>>
      tpu.enqueue_dma source(%dma_start3A_78 : memref<10240xf32, #tpu.memory_space<hbm>>) target(%arg14 : memref<10240xf32, #tpu.memory_space<vmem>>) target_semaphore(%run_scoped3A : memref<!tpu.dma_semaphore, #tpu.memory_space<semaphore_mem>>)
      %dma_wait3A = arith.constant 0 : i32
      %dma_wait3A_79 = tpu.memref_slice %arg5[%dma_wait3A] : memref<20480xf32, #tpu.memory_space<hbm>> -> memref<10240xf32, #tpu.memory_space<hbm>>
      %dma_wait3A_80 = arith.constant 0 : i32
      %dma_wait3A_81 = tpu.memref_slice %arg5[%dma_wait3A_80] : memref<20480xf32, #tpu.memory_space<hbm>> -> memref<10240xf32, #tpu.memory_space<hbm>>
      tpu.wait_dma2 semaphore(%run_scoped3A : memref<!tpu.dma_semaphore, #tpu.memory_space<semaphore_mem>>) src(%dma_wait3A_81 : memref<10240xf32, #tpu.memory_space<hbm>>) dst(%arg14 : memref<10240xf32, #tpu.memory_space<vmem>>)
      tpu.yield
    }) : () -> ()
    "tpu.region"() ({
      %run_scoped3A = tpu.sem_alloc : memref<!tpu.dma_semaphore, #tpu.memory_space<semaphore_mem>>
      %dma_start3A_75 = arith.constant 10240 : i32
      %dma_start3A_76 = tpu.memref_slice %arg5[%dma_start3A_75] : memref<20480xf32, #tpu.memory_space<hbm>> -> memref<10240xf32, #tpu.memory_space<hbm>>
      %dma_start3A_77 = arith.constant 10240 : i32
      %dma_start3A_78 = tpu.memref_slice %arg5[%dma_start3A_77] : memref<20480xf32, #tpu.memory_space<hbm>> -> memref<10240xf32, #tpu.memory_space<hbm>>
      tpu.enqueue_dma source(%dma_start3A_78 : memref<10240xf32, #tpu.memory_space<hbm>>) target(%arg15 : memref<10240xf32, #tpu.memory_space<vmem>>) target_semaphore(%run_scoped3A : memref<!tpu.dma_semaphore, #tpu.memory_space<semaphore_mem>>)
      %dma_wait3A = arith.constant 10240 : i32
      %dma_wait3A_79 = tpu.memref_slice %arg5[%dma_wait3A] : memref<20480xf32, #tpu.memory_space<hbm>> -> memref<10240xf32, #tpu.memory_space<hbm>>
      %dma_wait3A_80 = arith.constant 10240 : i32
      %dma_wait3A_81 = tpu.memref_slice %arg5[%dma_wait3A_80] : memref<20480xf32, #tpu.memory_space<hbm>> -> memref<10240xf32, #tpu.memory_space<hbm>>
      tpu.wait_dma2 semaphore(%run_scoped3A : memref<!tpu.dma_semaphore, #tpu.memory_space<semaphore_mem>>) src(%dma_wait3A_81 : memref<10240xf32, #tpu.memory_space<hbm>>) dst(%arg15 : memref<10240xf32, #tpu.memory_space<vmem>>)
      tpu.yield
    }) : () -> ()
    %broadcast_in_dim3A = arith.constant 0.000000e+00 : f32
    %broadcast_in_dim3A_16 = vector.broadcast %broadcast_in_dim3A : f32 to vector<16xf32>
    %parallel_loop3A = arith.constant 0 : i32
    %parallel_loop3A_17 = arith.constant 640 : i32
    %parallel_loop3A_18 = arith.constant 1 : i32
    scf.for %parallel_loop3A_75 = %parallel_loop3A to %parallel_loop3A_17 step %parallel_loop3A_18  : i32 {
      %parallel_loop3A_76 = arith.constant 16 : i32
      %parallel_loop3A_77 = arith.muli %parallel_loop3A_75, %parallel_loop3A_76 : i32
      %parallel_loop3A_78 = arith.index_cast %parallel_loop3A_77 : i32 to index
      %parallel_loop3A_79 = tpu.vector_load %arg11[%parallel_loop3A_78] {strides = array<i32>} : memref<10240xf32, #tpu.memory_space<vmem>>, vector<16xf32>,
      tpu.vector_store %arg11[%parallel_loop3A_78], %broadcast_in_dim3A_16 {strides = array<i32>} : memref<10240xf32, #tpu.memory_space<vmem>>, vector<16xf32>,
    } {sc.loop_unroll_factor = 8 : i64, sc.parallel_access}
    %broadcast_in_dim3A_19 = arith.constant 0.000000e+00 : f32
    %broadcast_in_dim3A_20 = vector.broadcast %broadcast_in_dim3A_19 : f32 to vector<16xf32>
    %parallel_loop3A_21 = arith.constant 0 : i32
    %parallel_loop3A_22 = arith.constant 640 : i32
    %parallel_loop3A_23 = arith.constant 1 : i32
    scf.for %parallel_loop3A_75 = %parallel_loop3A_21 to %parallel_loop3A_22 step %parallel_loop3A_23  : i32 {
      %parallel_loop3A_76 = arith.constant 16 : i32
      %parallel_loop3A_77 = arith.muli %parallel_loop3A_75, %parallel_loop3A_76 : i32
      %parallel_loop3A_78 = arith.index_cast %parallel_loop3A_77 : i32 to index
      %parallel_loop3A_79 = tpu.vector_load %arg12[%parallel_loop3A_78] {strides = array<i32>} : memref<10240xf32, #tpu.memory_space<vmem>>, vector<16xf32>,
      tpu.vector_store %arg12[%parallel_loop3A_78], %broadcast_in_dim3A_20 {strides = array<i32>} : memref<10240xf32, #tpu.memory_space<vmem>>, vector<16xf32>,
    } {sc.loop_unroll_factor = 8 : i64, sc.parallel_access}
    %broadcast_in_dim3A_24 = arith.constant 0.000000e+00 : f32
    %broadcast_in_dim3A_25 = vector.broadcast %broadcast_in_dim3A_24 : f32 to vector<16xf32>
    %parallel_loop3A_26 = arith.constant 0 : i32
    %parallel_loop3A_27 = arith.constant 640 : i32
    %parallel_loop3A_28 = arith.constant 1 : i32
    scf.for %parallel_loop3A_75 = %parallel_loop3A_26 to %parallel_loop3A_27 step %parallel_loop3A_28  : i32 {
      %parallel_loop3A_76 = arith.constant 16 : i32
      %parallel_loop3A_77 = arith.muli %parallel_loop3A_75, %parallel_loop3A_76 : i32
      %parallel_loop3A_78 = arith.index_cast %parallel_loop3A_77 : i32 to index
      %parallel_loop3A_79 = tpu.vector_load %arg13[%parallel_loop3A_78] {strides = array<i32>} : memref<10240xf32, #tpu.memory_space<vmem>>, vector<16xf32>,
      tpu.vector_store %arg13[%parallel_loop3A_78], %broadcast_in_dim3A_25 {strides = array<i32>} : memref<10240xf32, #tpu.memory_space<vmem>>, vector<16xf32>,
    } {sc.loop_unroll_factor = 8 : i64, sc.parallel_access}
    %broadcast_in_dim3A_29 = arith.constant 0.000000e+00 : f32
    %broadcast_in_dim3A_30 = vector.broadcast %broadcast_in_dim3A_29 : f32 to vector<16xf32>
    %parallel_loop3A_31 = arith.constant 0 : i32
    %parallel_loop3A_32 = arith.constant 640 : i32
    %parallel_loop3A_33 = arith.constant 1 : i32
    scf.for %parallel_loop3A_75 = %parallel_loop3A_31 to %parallel_loop3A_32 step %parallel_loop3A_33  : i32 {
      %parallel_loop3A_76 = arith.constant 16 : i32
      %parallel_loop3A_77 = arith.muli %parallel_loop3A_75, %parallel_loop3A_76 : i32
      %parallel_loop3A_78 = arith.index_cast %parallel_loop3A_77 : i32 to index
      %parallel_loop3A_79 = tpu.vector_load %arg16[%parallel_loop3A_78] {strides = array<i32>} : memref<10240xf32, #tpu.memory_space<vmem>>, vector<16xf32>,
      tpu.vector_store %arg16[%parallel_loop3A_78], %broadcast_in_dim3A_30 {strides = array<i32>} : memref<10240xf32, #tpu.memory_space<vmem>>, vector<16xf32>,
    } {sc.loop_unroll_factor = 8 : i64, sc.parallel_access}
    %mul3A_34 = arith.constant 160000 : i32
    %mul3A_35 = arith.muli %arg0, %mul3A_34 : i32
    %add3A_36 = arith.constant 0 : i32
    %add3A_37 = arith.addi %mul3A_35, %add3A_36 : i32
    %dma_start3A = tpu.memref_slice %arg2[%add3A_37] : memref<320000xi32, #tpu.memory_space<hbm>> -> memref<3200xi32, #tpu.memory_space<hbm>>
    %dma_start3A_38 = tpu.memref_slice %arg2[%add3A_37] : memref<320000xi32, #tpu.memory_space<hbm>> -> memref<3200xi32, #tpu.memory_space<hbm>>
    tpu.enqueue_dma source(%dma_start3A_38 : memref<3200xi32, #tpu.memory_space<hbm>>) target(%arg17 : memref<3200xi32, #tpu.memory_space<vmem>>) target_semaphore(%arg21 : memref<!tpu.dma_semaphore, #tpu.memory_space<semaphore_mem>>)
    %dma_start3A_39 = tpu.memref_slice %arg3[%add3A_37] : memref<320000xi32, #tpu.memory_space<hbm>> -> memref<3200xi32, #tpu.memory_space<hbm>>
    %dma_start3A_40 = tpu.memref_slice %arg3[%add3A_37] : memref<320000xi32, #tpu.memory_space<hbm>> -> memref<3200xi32, #tpu.memory_space<hbm>>
    tpu.enqueue_dma source(%dma_start3A_40 : memref<3200xi32, #tpu.memory_space<hbm>>) target(%arg19 : memref<3200xi32, #tpu.memory_space<vmem>>) target_semaphore(%arg21 : memref<!tpu.dma_semaphore, #tpu.memory_space<semaphore_mem>>)
    %scan3A = arith.constant 0 : i32
    %scan3A_41 = arith.constant 0 : i32
    %scan3A_42 = arith.constant 25 : i32
    %scan3A_43 = arith.addi %scan3A_41, %scan3A_42 : i32
    %scan3A_44 = arith.constant 1 : i32
    scf.for %scan3A_75 = %scan3A_41 to %scan3A_43 step %scan3A_44  : i32 {
      %mul3A_76 = arith.constant 2 : i32
      %mul3A_77 = arith.muli %mul3A_76, %scan3A_75 : i32
      %add3A_78 = arith.constant 0 : i32
      %add3A_79 = arith.addi %mul3A_77, %add3A_78 : i32
      %add3A_80 = arith.constant 1 : i32
      %add3A_81 = arith.addi %add3A_79, %add3A_80 : i32
      %lt3A = arith.constant 50 : i32
      %lt3A_82 = arith.cmpi slt, %add3A_81, %lt3A : i32
      %convert_element_type3A_83 = arith.extui %lt3A_82 : i1 to i32
      %cond3A_84 = arith.constant 0 : i32
      %cond3A_85 = arith.cmpi ne, %convert_element_type3A_83, %cond3A_84 : i32
      scf.if %cond3A_85 {
        %add3A_118 = arith.constant 1 : i32
        %add3A_119 = arith.addi %add3A_79, %add3A_118 : i32
        %mul3A_120 = arith.constant 3200 : i32
        %mul3A_121 = arith.muli %add3A_119, %mul3A_120 : i32
        %add3A_122 = arith.addi %mul3A_35, %mul3A_121 : i32
        %dma_start3A_123 = tpu.memref_slice %arg2[%add3A_122] : memref<320000xi32, #tpu.memory_space<hbm>> -> memref<3200xi32, #tpu.memory_space<hbm>>
        %dma_start3A_124 = tpu.memref_slice %arg2[%add3A_122] : memref<320000xi32, #tpu.memory_space<hbm>> -> memref<3200xi32, #tpu.memory_space<hbm>>
        tpu.enqueue_dma source(%dma_start3A_124 : memref<3200xi32, #tpu.memory_space<hbm>>) target(%arg18 : memref<3200xi32, #tpu.memory_space<vmem>>) target_semaphore(%arg22 : memref<!tpu.dma_semaphore, #tpu.memory_space<semaphore_mem>>)
        %dma_start3A_125 = tpu.memref_slice %arg3[%add3A_122] : memref<320000xi32, #tpu.memory_space<hbm>> -> memref<3200xi32, #tpu.memory_space<hbm>>
        %dma_start3A_126 = tpu.memref_slice %arg3[%add3A_122] : memref<320000xi32, #tpu.memory_space<hbm>> -> memref<3200xi32, #tpu.memory_space<hbm>>
        tpu.enqueue_dma source(%dma_start3A_126 : memref<3200xi32, #tpu.memory_space<hbm>>) target(%arg20 : memref<3200xi32, #tpu.memory_space<vmem>>) target_semaphore(%arg22 : memref<!tpu.dma_semaphore, #tpu.memory_space<semaphore_mem>>)
      } else {
      }
      %dma_wait3A = arith.constant 0 : i32
      %dma_wait3A_86 = tpu.memref_slice %arg2[%dma_wait3A] : memref<320000xi32, #tpu.memory_space<hbm>> -> memref<3200xi32, #tpu.memory_space<hbm>>
      %dma_wait3A_87 = arith.constant 0 : i32
      %dma_wait3A_88 = tpu.memref_slice %arg2[%dma_wait3A_87] : memref<320000xi32, #tpu.memory_space<hbm>> -> memref<3200xi32, #tpu.memory_space<hbm>>
      tpu.wait_dma2 semaphore(%arg21 : memref<!tpu.dma_semaphore, #tpu.memory_space<semaphore_mem>>) src(%dma_wait3A_88 : memref<3200xi32, #tpu.memory_space<hbm>>) dst(%arg17 : memref<3200xi32, #tpu.memory_space<vmem>>)
      %dma_wait3A_89 = arith.constant 0 : i32
      %dma_wait3A_90 = tpu.memref_slice %arg3[%dma_wait3A_89] : memref<320000xi32, #tpu.memory_space<hbm>> -> memref<3200xi32, #tpu.memory_space<hbm>>
      %dma_wait3A_91 = arith.constant 0 : i32
      %dma_wait3A_92 = tpu.memref_slice %arg3[%dma_wait3A_91] : memref<320000xi32, #tpu.memory_space<hbm>> -> memref<3200xi32, #tpu.memory_space<hbm>>
      tpu.wait_dma2 semaphore(%arg21 : memref<!tpu.dma_semaphore, #tpu.memory_space<semaphore_mem>>) src(%dma_wait3A_92 : memref<3200xi32, #tpu.memory_space<hbm>>) dst(%arg19 : memref<3200xi32, #tpu.memory_space<vmem>>)
      %parallel_loop3A_93 = arith.constant 0 : i32
      %parallel_loop3A_94 = arith.constant 200 : i32
      %parallel_loop3A_95 = arith.constant 1 : i32
      scf.for %parallel_loop3A_118 = %parallel_loop3A_93 to %parallel_loop3A_94 step %parallel_loop3A_95  : i32 {
        %parallel_loop3A_119 = arith.constant 16 : i32
        %parallel_loop3A_120 = arith.muli %parallel_loop3A_118, %parallel_loop3A_119 : i32
        %parallel_loop3A_121 = arith.index_cast %parallel_loop3A_120 : i32 to index
        %parallel_loop3A_122 = tpu.vector_load %arg17[%parallel_loop3A_121] {strides = array<i32>} : memref<3200xi32, #tpu.memory_space<vmem>>, vector<16xi32>,
        %parallel_loop3A_123 = arith.constant 16 : i32
        %parallel_loop3A_124 = arith.muli %parallel_loop3A_118, %parallel_loop3A_123 : i32
        %parallel_loop3A_125 = arith.index_cast %parallel_loop3A_124 : i32 to index
        %parallel_loop3A_126 = tpu.vector_load %arg19[%parallel_loop3A_125] {strides = array<i32>} : memref<3200xi32, #tpu.memory_space<vmem>>, vector<16xi32>,
        %parallel_loop3A_127 = tpu.vector_load_idx %arg14[%parallel_loop3A_122] : memref<10240xf32, #tpu.memory_space<vmem>>[vector<16xi32>], vector<16xf32>,
        %parallel_loop3A_128 = tpu.vector_load_idx %arg15[%parallel_loop3A_126] : memref<10240xf32, #tpu.memory_space<vmem>>[vector<16xi32>], vector<16xf32>,
        %parallel_loop3A_129 = arith.addf %parallel_loop3A_127, %parallel_loop3A_128 : vector<16xf32>
        %parallel_loop3A_130 = arith.constant 0.000000e+00 : f32
        %parallel_loop3A_131 = vector.broadcast %parallel_loop3A_130 : f32 to vector<16xf32>
        %parallel_loop3A_132 = arith.cmpf oge, %parallel_loop3A_129, %parallel_loop3A_131 : vector<16xf32>
        %parallel_loop3A_133 = arith.constant 2.000000e-01 : f32
        %parallel_loop3A_134 = vector.broadcast %parallel_loop3A_133 : f32 to vector<16xf32>
        %parallel_loop3A_135 = arith.mulf %parallel_loop3A_134, %parallel_loop3A_129 : vector<16xf32>
        %parallel_loop3A_136 = arith.select %parallel_loop3A_132, %parallel_loop3A_129, %parallel_loop3A_135 : vector<16xi1>, vector<16xf32>
        %parallel_loop3A_137 = math.exp %parallel_loop3A_136 : vector<16xf32>
        tpu.vector_store_idx %arg16[%parallel_loop3A_126], %parallel_loop3A_137 {add = true} : memref<10240xf32, #tpu.memory_space<vmem>>[vector<16xi32>], vector<16xf32>,
        %parallel_loop3A_138 = tpu.vector_load_idx %arg8[%parallel_loop3A_122] : memref<10240xf32, #tpu.memory_space<vmem>>[vector<16xi32>], vector<16xf32>,
        %parallel_loop3A_139 = arith.mulf %parallel_loop3A_137, %parallel_loop3A_138 : vector<16xf32>
        tpu.vector_store_idx %arg11[%parallel_loop3A_126], %parallel_loop3A_139 {add = true} : memref<10240xf32, #tpu.memory_space<vmem>>[vector<16xi32>], vector<16xf32>,
        %parallel_loop3A_140 = tpu.vector_load_idx %arg9[%parallel_loop3A_122] : memref<10240xf32, #tpu.memory_space<vmem>>[vector<16xi32>], vector<16xf32>,
        %parallel_loop3A_141 = arith.mulf %parallel_loop3A_137, %parallel_loop3A_140 : vector<16xf32>
        tpu.vector_store_idx %arg12[%parallel_loop3A_126], %parallel_loop3A_141 {add = true} : memref<10240xf32, #tpu.memory_space<vmem>>[vector<16xi32>], vector<16xf32>,
        %parallel_loop3A_142 = tpu.vector_load_idx %arg10[%parallel_loop3A_122] : memref<10240xf32, #tpu.memory_space<vmem>>[vector<16xi32>], vector<16xf32>,
        %parallel_loop3A_143 = arith.mulf %parallel_loop3A_137, %parallel_loop3A_142 : vector<16xf32>
        tpu.vector_store_idx %arg13[%parallel_loop3A_126], %parallel_loop3A_143 {add = true} : memref<10240xf32, #tpu.memory_space<vmem>>[vector<16xi32>], vector<16xf32>,
      } {sc.loop_unroll_factor = 2 : i64, sc.parallel_access}
      %mul3A_96 = arith.constant 2 : i32
      %mul3A_97 = arith.muli %mul3A_96, %scan3A_75 : i32
      %add3A_98 = arith.constant 1 : i32
      %add3A_99 = arith.addi %mul3A_97, %add3A_98 : i32
      %add3A_100 = arith.constant 1 : i32
      %add3A_101 = arith.addi %add3A_99, %add3A_100 : i32
      %lt3A_102 = arith.constant 50 : i32
      %lt3A_103 = arith.cmpi slt, %add3A_101, %lt3A_102 : i32
      %convert_element_type3A_104 = arith.extui %lt3A_103 : i1 to i32
      %cond3A_105 = arith.constant 0 : i32
      %cond3A_106 = arith.cmpi ne, %convert_element_type3A_104, %cond3A_105 : i32
      scf.if %cond3A_106 {
        %add3A_118 = arith.constant 1 : i32
        %add3A_119 = arith.addi %add3A_99, %add3A_118 : i32
        %mul3A_120 = arith.constant 3200 : i32
        %mul3A_121 = arith.muli %add3A_119, %mul3A_120 : i32
        %add3A_122 = arith.addi %mul3A_35, %mul3A_121 : i32
        %dma_start3A_123 = tpu.memref_slice %arg2[%add3A_122] : memref<320000xi32, #tpu.memory_space<hbm>> -> memref<3200xi32, #tpu.memory_space<hbm>>
        %dma_start3A_124 = tpu.memref_slice %arg2[%add3A_122] : memref<320000xi32, #tpu.memory_space<hbm>> -> memref<3200xi32, #tpu.memory_space<hbm>>
        tpu.enqueue_dma source(%dma_start3A_124 : memref<3200xi32, #tpu.memory_space<hbm>>) target(%arg17 : memref<3200xi32, #tpu.memory_space<vmem>>) target_semaphore(%arg21 : memref<!tpu.dma_semaphore, #tpu.memory_space<semaphore_mem>>)
        %dma_start3A_125 = tpu.memref_slice %arg3[%add3A_122] : memref<320000xi32, #tpu.memory_space<hbm>> -> memref<3200xi32, #tpu.memory_space<hbm>>
        %dma_start3A_126 = tpu.memref_slice %arg3[%add3A_122] : memref<320000xi32, #tpu.memory_space<hbm>> -> memref<3200xi32, #tpu.memory_space<hbm>>
        tpu.enqueue_dma source(%dma_start3A_126 : memref<3200xi32, #tpu.memory_space<hbm>>) target(%arg19 : memref<3200xi32, #tpu.memory_space<vmem>>) target_semaphore(%arg21 : memref<!tpu.dma_semaphore, #tpu.memory_space<semaphore_mem>>)
      } else {
      }
      %dma_wait3A_107 = arith.constant 0 : i32
      %dma_wait3A_108 = tpu.memref_slice %arg2[%dma_wait3A_107] : memref<320000xi32, #tpu.memory_space<hbm>> -> memref<3200xi32, #tpu.memory_space<hbm>>
      %dma_wait3A_109 = arith.constant 0 : i32
      %dma_wait3A_110 = tpu.memref_slice %arg2[%dma_wait3A_109] : memref<320000xi32, #tpu.memory_space<hbm>> -> memref<3200xi32, #tpu.memory_space<hbm>>
      tpu.wait_dma2 semaphore(%arg22 : memref<!tpu.dma_semaphore, #tpu.memory_space<semaphore_mem>>) src(%dma_wait3A_110 : memref<3200xi32, #tpu.memory_space<hbm>>) dst(%arg18 : memref<3200xi32, #tpu.memory_space<vmem>>)
      %dma_wait3A_111 = arith.constant 0 : i32
      %dma_wait3A_112 = tpu.memref_slice %arg3[%dma_wait3A_111] : memref<320000xi32, #tpu.memory_space<hbm>> -> memref<3200xi32, #tpu.memory_space<hbm>>
      %dma_wait3A_113 = arith.constant 0 : i32
      %dma_wait3A_114 = tpu.memref_slice %arg3[%dma_wait3A_113] : memref<320000xi32, #tpu.memory_space<hbm>> -> memref<3200xi32, #tpu.memory_space<hbm>>
      tpu.wait_dma2 semaphore(%arg22 : memref<!tpu.dma_semaphore, #tpu.memory_space<semaphore_mem>>) src(%dma_wait3A_114 : memref<3200xi32, #tpu.memory_space<hbm>>) dst(%arg20 : memref<3200xi32, #tpu.memory_space<vmem>>)
      %parallel_loop3A_115 = arith.constant 0 : i32
      %parallel_loop3A_116 = arith.constant 200 : i32
      %parallel_loop3A_117 = arith.constant 1 : i32
      scf.for %parallel_loop3A_118 = %parallel_loop3A_115 to %parallel_loop3A_116 step %parallel_loop3A_117  : i32 {
        %parallel_loop3A_119 = arith.constant 16 : i32
        %parallel_loop3A_120 = arith.muli %parallel_loop3A_118, %parallel_loop3A_119 : i32
        %parallel_loop3A_121 = arith.index_cast %parallel_loop3A_120 : i32 to index
        %parallel_loop3A_122 = tpu.vector_load %arg18[%parallel_loop3A_121] {strides = array<i32>} : memref<3200xi32, #tpu.memory_space<vmem>>, vector<16xi32>,
        %parallel_loop3A_123 = arith.constant 16 : i32
        %parallel_loop3A_124 = arith.muli %parallel_loop3A_118, %parallel_loop3A_123 : i32
        %parallel_loop3A_125 = arith.index_cast %parallel_loop3A_124 : i32 to index
        %parallel_loop3A_126 = tpu.vector_load %arg20[%parallel_loop3A_125] {strides = array<i32>} : memref<3200xi32, #tpu.memory_space<vmem>>, vector<16xi32>,
        %parallel_loop3A_127 = tpu.vector_load_idx %arg14[%parallel_loop3A_122] : memref<10240xf32, #tpu.memory_space<vmem>>[vector<16xi32>], vector<16xf32>,
        %parallel_loop3A_128 = tpu.vector_load_idx %arg15[%parallel_loop3A_126] : memref<10240xf32, #tpu.memory_space<vmem>>[vector<16xi32>], vector<16xf32>,
        %parallel_loop3A_129 = arith.addf %parallel_loop3A_127, %parallel_loop3A_128 : vector<16xf32>
        %parallel_loop3A_130 = arith.constant 0.000000e+00 : f32
        %parallel_loop3A_131 = vector.broadcast %parallel_loop3A_130 : f32 to vector<16xf32>
        %parallel_loop3A_132 = arith.cmpf oge, %parallel_loop3A_129, %parallel_loop3A_131 : vector<16xf32>
        %parallel_loop3A_133 = arith.constant 2.000000e-01 : f32
        %parallel_loop3A_134 = vector.broadcast %parallel_loop3A_133 : f32 to vector<16xf32>
        %parallel_loop3A_135 = arith.mulf %parallel_loop3A_134, %parallel_loop3A_129 : vector<16xf32>
        %parallel_loop3A_136 = arith.select %parallel_loop3A_132, %parallel_loop3A_129, %parallel_loop3A_135 : vector<16xi1>, vector<16xf32>
        %parallel_loop3A_137 = math.exp %parallel_loop3A_136 : vector<16xf32>
        tpu.vector_store_idx %arg16[%parallel_loop3A_126], %parallel_loop3A_137 {add = true} : memref<10240xf32, #tpu.memory_space<vmem>>[vector<16xi32>], vector<16xf32>,
        %parallel_loop3A_138 = tpu.vector_load_idx %arg8[%parallel_loop3A_122] : memref<10240xf32, #tpu.memory_space<vmem>>[vector<16xi32>], vector<16xf32>,
        %parallel_loop3A_139 = arith.mulf %parallel_loop3A_137, %parallel_loop3A_138 : vector<16xf32>
        tpu.vector_store_idx %arg11[%parallel_loop3A_126], %parallel_loop3A_139 {add = true} : memref<10240xf32, #tpu.memory_space<vmem>>[vector<16xi32>], vector<16xf32>,
        %parallel_loop3A_140 = tpu.vector_load_idx %arg9[%parallel_loop3A_122] : memref<10240xf32, #tpu.memory_space<vmem>>[vector<16xi32>], vector<16xf32>,
        %parallel_loop3A_141 = arith.mulf %parallel_loop3A_137, %parallel_loop3A_140 : vector<16xf32>
        tpu.vector_store_idx %arg12[%parallel_loop3A_126], %parallel_loop3A_141 {add = true} : memref<10240xf32, #tpu.memory_space<vmem>>[vector<16xi32>], vector<16xf32>,
        %parallel_loop3A_142 = tpu.vector_load_idx %arg10[%parallel_loop3A_122] : memref<10240xf32, #tpu.memory_space<vmem>>[vector<16xi32>], vector<16xf32>,
        %parallel_loop3A_143 = arith.mulf %parallel_loop3A_137, %parallel_loop3A_142 : vector<16xf32>
        tpu.vector_store_idx %arg13[%parallel_loop3A_126], %parallel_loop3A_143 {add = true} : memref<10240xf32, #tpu.memory_space<vmem>>[vector<16xi32>], vector<16xf32>,
      } {sc.loop_unroll_factor = 2 : i64, sc.parallel_access}
    }
    %scan3A_45 = arith.constant 25 : i32
    %mul3A_46 = arith.constant 48 : i32
    %mul3A_47 = arith.muli %mul3A_46, %arg0 : i32
    %mul3A_48 = arith.constant 3 : i32
    %mul3A_49 = arith.muli %mul3A_48, %arg1 : i32
    %add3A_50 = arith.addi %mul3A_47, %mul3A_49 : i32
    %add3A_51 = arith.constant 0 : i32
    %add3A_52 = arith.addi %add3A_50, %add3A_51 : i32
    %mul3A_53 = arith.constant 10240 : i32
    %mul3A_54 = arith.muli %add3A_52, %mul3A_53 : i32
    "tpu.region"() ({
      %run_scoped3A = tpu.sem_alloc : memref<!tpu.dma_semaphore, #tpu.memory_space<semaphore_mem>>
      %dma_start3A_75 = tpu.memref_slice %arg6[%mul3A_54] : memref<983040xf32, #tpu.memory_space<hbm>> -> memref<10240xf32, #tpu.memory_space<hbm>>
      %dma_start3A_76 = tpu.memref_slice %arg6[%mul3A_54] : memref<983040xf32, #tpu.memory_space<hbm>> -> memref<10240xf32, #tpu.memory_space<hbm>>
      tpu.enqueue_dma source(%arg11 : memref<10240xf32, #tpu.memory_space<vmem>>) target(%dma_start3A_76 : memref<10240xf32, #tpu.memory_space<hbm>>) target_semaphore(%run_scoped3A : memref<!tpu.dma_semaphore, #tpu.memory_space<semaphore_mem>>)
      %dma_wait3A = tpu.memref_slice %arg6[%mul3A_54] : memref<983040xf32, #tpu.memory_space<hbm>> -> memref<10240xf32, #tpu.memory_space<hbm>>
      %dma_wait3A_77 = tpu.memref_slice %arg6[%mul3A_54] : memref<983040xf32, #tpu.memory_space<hbm>> -> memref<10240xf32, #tpu.memory_space<hbm>>
      tpu.wait_dma2 semaphore(%run_scoped3A : memref<!tpu.dma_semaphore, #tpu.memory_space<semaphore_mem>>) src(%arg11 : memref<10240xf32, #tpu.memory_space<vmem>>) dst(%dma_wait3A_77 : memref<10240xf32, #tpu.memory_space<hbm>>)
      tpu.yield
    }) : () -> ()
    %mul3A_55 = arith.constant 48 : i32
    %mul3A_56 = arith.muli %mul3A_55, %arg0 : i32
    %mul3A_57 = arith.constant 3 : i32
    %mul3A_58 = arith.muli %mul3A_57, %arg1 : i32
    %add3A_59 = arith.addi %mul3A_56, %mul3A_58 : i32
    %add3A_60 = arith.constant 1 : i32
    %add3A_61 = arith.addi %add3A_59, %add3A_60 : i32
    %mul3A_62 = arith.constant 10240 : i32
    %mul3A_63 = arith.muli %add3A_61, %mul3A_62 : i32
    "tpu.region"() ({
      %run_scoped3A = tpu.sem_alloc : memref<!tpu.dma_semaphore, #tpu.memory_space<semaphore_mem>>
      %dma_start3A_75 = tpu.memref_slice %arg6[%mul3A_63] : memref<983040xf32, #tpu.memory_space<hbm>> -> memref<10240xf32, #tpu.memory_space<hbm>>
      %dma_start3A_76 = tpu.memref_slice %arg6[%mul3A_63] : memref<983040xf32, #tpu.memory_space<hbm>> -> memref<10240xf32, #tpu.memory_space<hbm>>
      tpu.enqueue_dma source(%arg12 : memref<10240xf32, #tpu.memory_space<vmem>>) target(%dma_start3A_76 : memref<10240xf32, #tpu.memory_space<hbm>>) target_semaphore(%run_scoped3A : memref<!tpu.dma_semaphore, #tpu.memory_space<semaphore_mem>>)
      %dma_wait3A = tpu.memref_slice %arg6[%mul3A_63] : memref<983040xf32, #tpu.memory_space<hbm>> -> memref<10240xf32, #tpu.memory_space<hbm>>
      %dma_wait3A_77 = tpu.memref_slice %arg6[%mul3A_63] : memref<983040xf32, #tpu.memory_space<hbm>> -> memref<10240xf32, #tpu.memory_space<hbm>>
      tpu.wait_dma2 semaphore(%run_scoped3A : memref<!tpu.dma_semaphore, #tpu.memory_space<semaphore_mem>>) src(%arg12 : memref<10240xf32, #tpu.memory_space<vmem>>) dst(%dma_wait3A_77 : memref<10240xf32, #tpu.memory_space<hbm>>)
      tpu.yield
    }) : () -> ()
    %mul3A_64 = arith.constant 48 : i32
    %mul3A_65 = arith.muli %mul3A_64, %arg0 : i32
    %mul3A_66 = arith.constant 3 : i32
    %mul3A_67 = arith.muli %mul3A_66, %arg1 : i32
    %add3A_68 = arith.addi %mul3A_65, %mul3A_67 : i32
    %add3A_69 = arith.constant 2 : i32
    %add3A_70 = arith.addi %add3A_68, %add3A_69 : i32
    %mul3A_71 = arith.constant 10240 : i32
    %mul3A_72 = arith.muli %add3A_70, %mul3A_71 : i32
    "tpu.region"() ({
      %run_scoped3A = tpu.sem_alloc : memref<!tpu.dma_semaphore, #tpu.memory_space<semaphore_mem>>
      %dma_start3A_75 = tpu.memref_slice %arg6[%mul3A_72] : memref<983040xf32, #tpu.memory_space<hbm>> -> memref<10240xf32, #tpu.memory_space<hbm>>
      %dma_start3A_76 = tpu.memref_slice %arg6[%mul3A_72] : memref<983040xf32, #tpu.memory_space<hbm>> -> memref<10240xf32, #tpu.memory_space<hbm>>
      tpu.enqueue_dma source(%arg13 : memref<10240xf32, #tpu.memory_space<vmem>>) target(%dma_start3A_76 : memref<10240xf32, #tpu.memory_space<hbm>>) target_semaphore(%run_scoped3A : memref<!tpu.dma_semaphore, #tpu.memory_space<semaphore_mem>>)
      %dma_wait3A = tpu.memref_slice %arg6[%mul3A_72] : memref<983040xf32, #tpu.memory_space<hbm>> -> memref<10240xf32, #tpu.memory_space<hbm>>
      %dma_wait3A_77 = tpu.memref_slice %arg6[%mul3A_72] : memref<983040xf32, #tpu.memory_space<hbm>> -> memref<10240xf32, #tpu.memory_space<hbm>>
      tpu.wait_dma2 semaphore(%run_scoped3A : memref<!tpu.dma_semaphore, #tpu.memory_space<semaphore_mem>>) src(%arg13 : memref<10240xf32, #tpu.memory_space<vmem>>) dst(%dma_wait3A_77 : memref<10240xf32, #tpu.memory_space<hbm>>)
      tpu.yield
    }) : () -> ()
    %eq3A = arith.constant 0 : i32
    %eq3A_73 = arith.cmpi eq, %arg1, %eq3A : i32
    %convert_element_type3A = arith.extui %eq3A_73 : i1 to i32
    %cond3A = arith.constant 0 : i32
    %cond3A_74 = arith.cmpi ne, %convert_element_type3A, %cond3A : i32
    scf.if %cond3A_74 {
      %mul3A_75 = arith.constant 10240 : i32
      %mul3A_76 = arith.muli %arg0, %mul3A_75 : i32
      "tpu.region"() ({
        %run_scoped3A = tpu.sem_alloc : memref<!tpu.dma_semaphore, #tpu.memory_space<semaphore_mem>>
        %dma_start3A_77 = tpu.memref_slice %arg7[%mul3A_76] : memref<20480xf32, #tpu.memory_space<hbm>> -> memref<10240xf32, #tpu.memory_space<hbm>>
        %dma_start3A_78 = tpu.memref_slice %arg7[%mul3A_76] : memref<20480xf32, #tpu.memory_space<hbm>> -> memref<10240xf32, #tpu.memory_space<hbm>>
        tpu.enqueue_dma source(%arg16 : memref<10240xf32, #tpu.memory_space<vmem>>) target(%dma_start3A_78 : memref<10240xf32, #tpu.memory_space<hbm>>) target_semaphore(%run_scoped3A : memref<!tpu.dma_semaphore, #tpu.memory_space<semaphore_mem>>)
        %dma_wait3A = tpu.memref_slice %arg7[%mul3A_76] : memref<20480xf32, #tpu.memory_space<hbm>> -> memref<10240xf32, #tpu.memory_space<hbm>>
        %dma_wait3A_79 = tpu.memref_slice %arg7[%mul3A_76] : memref<20480xf32, #tpu.memory_space<hbm>> -> memref<10240xf32, #tpu.memory_space<hbm>>
        tpu.wait_dma2 semaphore(%run_scoped3A : memref<!tpu.dma_semaphore, #tpu.memory_space<semaphore_mem>>) src(%arg16 : memref<10240xf32, #tpu.memory_space<vmem>>) dst(%dma_wait3A_79 : memref<10240xf32, #tpu.memory_space<hbm>>)
        tpu.yield
      }) : () -> ()
    } else {
    }
    return
  }
}

module attributes {stable_mosaic.version = 14 : i64} {
  func.func @_tc1_body(%arg0: i32, %arg1: memref<1024x128xf32, #tpu.memory_space<vmem>>, %arg2: memref<128x64xf32, #tpu.memory_space<vmem>>, %arg3: memref<16x64xf32, #tpu.memory_space<vmem>>, %arg4: memref<64x1024xf32, #tpu.memory_space<vmem>>, %arg5: memref<16x1024xf32, #tpu.memory_space<vmem>>) attributes {dimension_semantics = [#tpu.dimension_semantics<arbitrary>], iteration_bounds = array<i64: 10>, scalar_prefetch = 0 : i64, scratch_operands = 0 : i64, tpu.core_type = #tpu.core_type<tc>, window_params = [{transform_indices = @transform_0, window_bounds = array<i64: 1024, 128>}, {pipeline_mode = #tpu.pipeline_mode<synchronous>, transform_indices = @transform_1, window_bounds = array<i64: 128, 64>}, {pipeline_mode = #tpu.pipeline_mode<synchronous>, transform_indices = @transform_2, window_bounds = array<i64: 16, 64>}, {transform_indices = @transform_3, window_bounds = array<i64: 64, 1024>}, {transform_indices = @transform_4, window_bounds = array<i64: 16, 1024>}]} {
    %get3A = arith.constant 0 : index
    %get3A_0 = arith.constant 0 : index
    %get3A_1 = vector.load %arg1[%get3A, %get3A_0] : memref<1024x128xf32, #tpu.memory_space<vmem>>, vector<1024x128xf32>
    %get3A_2 = arith.constant 0 : index
    %get3A_3 = arith.constant 0 : index
    %get3A_4 = vector.load %arg2[%get3A_2, %get3A_3] : memref<128x64xf32, #tpu.memory_space<vmem>>, vector<128x64xf32>
    %dot_general3A = arith.constant dense<0.000000e+00> : vector<64x1024xf32>
    %dot_general3A_5 = tpu.matmul %get3A_4, %get3A_1, %dot_general3A {dimension_numbers = #tpu.dot_dimension_numbers<[0], [1], [1], [0], [0, 1, 1, 0], [], []>, transpose_lhs_hint = false} : vector<128x64xf32>, vector<1024x128xf32>, vector<64x1024xf32> -> vector<64x1024xf32>
    %swap3A = arith.constant 0 : index
    %swap3A_6 = arith.constant 0 : index
    %swap3A_7 = vector.load %arg4[%swap3A, %swap3A_6] : memref<64x1024xf32, #tpu.memory_space<vmem>>, vector<64x1024xf32>
    tpu.vector_store %arg4[%swap3A, %swap3A_6], %dot_general3A_5 {strides = array<i32>} : memref<64x1024xf32, #tpu.memory_space<vmem>>, vector<64x1024xf32>,
    %get3A_8 = arith.constant 0 : index
    %get3A_9 = arith.constant 0 : index
    %get3A_10 = vector.load %arg3[%get3A_8, %get3A_9] : memref<16x64xf32, #tpu.memory_space<vmem>>, vector<16x64xf32>
    %dot_general3A_11 = arith.constant dense<0.000000e+00> : vector<16x1024xf32>
    %dot_general3A_12 = tpu.matmul %get3A_10, %dot_general3A_5, %dot_general3A_11 {dimension_numbers = #tpu.dot_dimension_numbers<[1], [0], [0], [1], [0, 0, 1, 1], [], []>, transpose_lhs_hint = false} : vector<16x64xf32>, vector<64x1024xf32>, vector<16x1024xf32> -> vector<16x1024xf32>
    %swap3A_13 = arith.constant 0 : index
    %swap3A_14 = arith.constant 0 : index
    %swap3A_15 = vector.load %arg5[%swap3A_13, %swap3A_14] : memref<16x1024xf32, #tpu.memory_space<vmem>>, vector<16x1024xf32>
    tpu.vector_store %arg5[%swap3A_13, %swap3A_14], %dot_general3A_12 {strides = array<i32>} : memref<16x1024xf32, #tpu.memory_space<vmem>>, vector<16x1024xf32>,
    return
  }
  func.func @transform_0(%arg0: i32) -> (i32, i32) {
    %c0_i32 = arith.constant 0 : i32
    %c0_i32_0 = arith.constant 0 : i32
    return %arg0, %c0_i32 : i32, i32
  }
  func.func @transform_1(%arg0: i32) -> (i32, i32) {
    %c0_i32 = arith.constant 0 : i32
    %c0_i32_0 = arith.constant 0 : i32
    %c0_i32_1 = arith.constant 0 : i32
    return %c0_i32, %c0_i32_0 : i32, i32
  }
  func.func @transform_2(%arg0: i32) -> (i32, i32) {
    %c0_i32 = arith.constant 0 : i32
    %c0_i32_0 = arith.constant 0 : i32
    %c0_i32_1 = arith.constant 0 : i32
    return %c0_i32, %c0_i32_0 : i32, i32
  }
  func.func @transform_3(%arg0: i32) -> (i32, i32) {
    %c0_i32 = arith.constant 0 : i32
    %c0_i32_0 = arith.constant 0 : i32
    return %c0_i32, %arg0 : i32, i32
  }
  func.func @transform_4(%arg0: i32) -> (i32, i32) {
    %c0_i32 = arith.constant 0 : i32
    %c0_i32_0 = arith.constant 0 : i32
    return %c0_i32, %arg0 : i32, i32
  }
}

module attributes {stable_mosaic.version = 14 : i64} {
  func.func @_tc2_body(%arg0: i32, %arg1: memref<128x1024xf32, #tpu.memory_space<vmem>>, %arg2: memref<16x1024xf32, #tpu.memory_space<vmem>>, %arg3: memref<64x40xf32, #tpu.memory_space<vmem>>, %arg4: memref<2x40xf32, #tpu.memory_space<vmem>>, %arg5: memref<64x1xf32, #tpu.memory_space<vmem>>, %arg6: memref<64x8xf32, #tpu.memory_space<vmem>>, %arg7: memref<48x1024xf32, #tpu.memory_space<vmem>>, %arg8: memref<2x1024xf32, #tpu.memory_space<vmem>>) attributes {dimension_semantics = [#tpu.dimension_semantics<arbitrary>], iteration_bounds = array<i64: 10>, scalar_prefetch = 0 : i64, scratch_operands = 0 : i64, tpu.core_type = #tpu.core_type<tc>, window_params = [{transform_indices = @transform_0, window_bounds = array<i64: 128, 1024>}, {transform_indices = @transform_1, window_bounds = array<i64: 16, 1024>}, {pipeline_mode = #tpu.pipeline_mode<synchronous>, transform_indices = @transform_2, window_bounds = array<i64: 64, 40>}, {pipeline_mode = #tpu.pipeline_mode<synchronous>, transform_indices = @transform_3, window_bounds = array<i64: 2, 40>}, {pipeline_mode = #tpu.pipeline_mode<synchronous>, transform_indices = @transform_4, window_bounds = array<i64: 64, 1>}, {pipeline_mode = #tpu.pipeline_mode<synchronous>, transform_indices = @transform_5, window_bounds = array<i64: 64, 8>}, {transform_indices = @transform_6, window_bounds = array<i64: 48, 1024>}, {transform_indices = @transform_7, window_bounds = array<i64: 2, 1024>}]} {
    %get3A = arith.constant 0 : index
    %get3A_0 = arith.constant 0 : index
    %get3A_1 = vector.load %arg1[%get3A, %get3A_0] : memref<128x1024xf32, #tpu.memory_space<vmem>>, vector<64x1024xf32>
    %get3A_2 = arith.constant 64 : index
    %get3A_3 = arith.constant 0 : index
    %get3A_4 = vector.load %arg1[%get3A_2, %get3A_3] : memref<128x1024xf32, #tpu.memory_space<vmem>>, vector<64x1024xf32>
    %add3A = arith.addf %get3A_1, %get3A_4 : vector<64x1024xf32>
    %get3A_5 = arith.constant 0 : index
    %get3A_6 = arith.constant 0 : index
    %get3A_7 = vector.load %arg2[%get3A_5, %get3A_6] : memref<16x1024xf32, #tpu.memory_space<vmem>>, vector<8x1024xf32>
    %get3A_8 = arith.constant 8 : index
    %get3A_9 = arith.constant 0 : index
    %get3A_10 = vector.load %arg2[%get3A_8, %get3A_9] : memref<16x1024xf32, #tpu.memory_space<vmem>>, vector<8x1024xf32>
    %add3A_11 = arith.addf %get3A_7, %get3A_10 : vector<8x1024xf32>
    %get3A_12 = arith.constant 0 : index
    %get3A_13 = arith.constant 0 : index
    %get3A_14 = vector.load %arg6[%get3A_12, %get3A_13] : memref<64x8xf32, #tpu.memory_space<vmem>>, vector<64x8xf32>
    %dot_general3A = arith.constant dense<0.000000e+00> : vector<64x1024xf32>
    %dot_general3A_15 = tpu.matmul %get3A_14, %add3A_11, %dot_general3A {dimension_numbers = #tpu.dot_dimension_numbers<[1], [0], [0], [1], [0, 0, 1, 1], [], []>, transpose_lhs_hint = false} : vector<64x8xf32>, vector<8x1024xf32>, vector<64x1024xf32> -> vector<64x1024xf32>
    %add3A_16 = arith.constant 1.000000e-16 : f32
    %add3A_17 = vector.broadcast %add3A_16 : f32 to vector<64x1024xf32>
    %add3A_18 = arith.addf %dot_general3A_15, %add3A_17 : vector<64x1024xf32>
    %div3A = arith.divf %add3A, %add3A_18 : vector<64x1024xf32>
    %get3A_19 = arith.constant 0 : index
    %get3A_20 = arith.constant 0 : index
    %get3A_21 = vector.load %arg5[%get3A_19, %get3A_20] : memref<64x1xf32, #tpu.memory_space<vmem>>, vector<64x1xf32>
    %add3A_22 = vector.broadcast %get3A_21 : vector<64x1xf32> to vector<64x1024xf32>
    %add3A_23 = arith.addf %div3A, %add3A_22 : vector<64x1024xf32>
    %gt3A = arith.constant 0.000000e+00 : f32
    %gt3A_24 = vector.broadcast %gt3A : f32 to vector<64x1024xf32>
    %gt3A_25 = arith.cmpf ogt, %add3A_23, %gt3A_24 : vector<64x1024xf32>
    %exp3A = math.exp %add3A_23 : vector<64x1024xf32>
    %sub3A = arith.constant 1.000000e+00 : f32
    %sub3A_26 = vector.broadcast %sub3A : f32 to vector<64x1024xf32>
    %sub3A_27 = arith.subf %exp3A, %sub3A_26 : vector<64x1024xf32>
    %select_n3A = arith.select %gt3A_25, %add3A_23, %sub3A_27 : vector<64x1024xi1>, vector<64x1024xf32>
    %get3A_28 = arith.constant 0 : index
    %get3A_29 = arith.constant 0 : index
    %get3A_30 = vector.load %arg3[%get3A_28, %get3A_29] : memref<64x40xf32, #tpu.memory_space<vmem>>, vector<64x40xf32>
    %dot_general3A_31 = arith.constant dense<0.000000e+00> : vector<40x1024xf32>
    %dot_general3A_32 = tpu.matmul %get3A_30, %select_n3A, %dot_general3A_31 {dimension_numbers = #tpu.dot_dimension_numbers<[0], [0], [1], [1], [0, 1, 1, 1], [], []>, transpose_lhs_hint = false} : vector<64x40xf32>, vector<64x1024xf32>, vector<40x1024xf32> -> vector<40x1024xf32>
    %swap3A = arith.constant 0 : index
    %swap3A_33 = arith.constant 0 : index
    %swap3A_34 = vector.load %arg7[%swap3A, %swap3A_33] : memref<48x1024xf32, #tpu.memory_space<vmem>>, vector<40x1024xf32>
    tpu.vector_store %arg7[%swap3A, %swap3A_33], %dot_general3A_32 {strides = array<i32>} : memref<48x1024xf32, #tpu.memory_space<vmem>>, vector<40x1024xf32>,
    %broadcast_in_dim3A = arith.constant 0.000000e+00 : f32
    %broadcast_in_dim3A_35 = vector.broadcast %broadcast_in_dim3A : f32 to vector<8x1024xf32>
    %swap3A_36 = arith.constant 40 : index
    %swap3A_37 = arith.constant 0 : index
    %swap3A_38 = vector.load %arg7[%swap3A_36, %swap3A_37] : memref<48x1024xf32, #tpu.memory_space<vmem>>, vector<8x1024xf32>
    tpu.vector_store %arg7[%swap3A_36, %swap3A_37], %broadcast_in_dim3A_35 {strides = array<i32>} : memref<48x1024xf32, #tpu.memory_space<vmem>>, vector<8x1024xf32>,
    %get3A_39 = arith.constant 0 : index
    %get3A_40 = arith.constant 0 : index
    %get3A_41 = vector.load %arg4[%get3A_39, %get3A_40] : memref<2x40xf32, #tpu.memory_space<vmem>>, vector<2x40xf32>
    %dot_general3A_42 = arith.constant dense<0.000000e+00> : vector<2x1024xf32>
    %dot_general3A_43 = tpu.matmul %get3A_41, %dot_general3A_32, %dot_general3A_42 {dimension_numbers = #tpu.dot_dimension_numbers<[1], [0], [0], [1], [0, 0, 1, 1], [], []>, transpose_lhs_hint = false} : vector<2x40xf32>, vector<40x1024xf32>, vector<2x1024xf32> -> vector<2x1024xf32>
    %swap3A_44 = arith.constant 0 : index
    %swap3A_45 = arith.constant 0 : index
    %swap3A_46 = vector.load %arg8[%swap3A_44, %swap3A_45] : memref<2x1024xf32, #tpu.memory_space<vmem>>, vector<2x1024xf32>
    tpu.vector_store %arg8[%swap3A_44, %swap3A_45], %dot_general3A_43 {strides = array<i32>} : memref<2x1024xf32, #tpu.memory_space<vmem>>, vector<2x1024xf32>,
    return
  }
  func.func @transform_0(%arg0: i32) -> (i32, i32) {
    %c0_i32 = arith.constant 0 : i32
    %c0_i32_0 = arith.constant 0 : i32
    return %c0_i32, %arg0 : i32, i32
  }
  func.func @transform_1(%arg0: i32) -> (i32, i32) {
    %c0_i32 = arith.constant 0 : i32
    %c0_i32_0 = arith.constant 0 : i32
    return %c0_i32, %arg0 : i32, i32
  }
  func.func @transform_2(%arg0: i32) -> (i32, i32) {
    %c0_i32 = arith.constant 0 : i32
    %c0_i32_0 = arith.constant 0 : i32
    %c0_i32_1 = arith.constant 0 : i32
    return %c0_i32, %c0_i32_0 : i32, i32
  }
  func.func @transform_3(%arg0: i32) -> (i32, i32) {
    %c0_i32 = arith.constant 0 : i32
    %c0_i32_0 = arith.constant 0 : i32
    %c0_i32_1 = arith.constant 0 : i32
    return %c0_i32, %c0_i32_0 : i32, i32
  }
  func.func @transform_4(%arg0: i32) -> (i32, i32) {
    %c0_i32 = arith.constant 0 : i32
    %c0_i32_0 = arith.constant 0 : i32
    %c0_i32_1 = arith.constant 0 : i32
    return %c0_i32, %c0_i32_0 : i32, i32
  }
  func.func @transform_5(%arg0: i32) -> (i32, i32) {
    %c0_i32 = arith.constant 0 : i32
    %c0_i32_0 = arith.constant 0 : i32
    %c0_i32_1 = arith.constant 0 : i32
    return %c0_i32, %c0_i32_0 : i32, i32
  }
  func.func @transform_6(%arg0: i32) -> (i32, i32) {
    %c0_i32 = arith.constant 0 : i32
    %c0_i32_0 = arith.constant 0 : i32
    return %c0_i32, %arg0 : i32, i32
  }
  func.func @transform_7(%arg0: i32) -> (i32, i32) {
    %c0_i32 = arith.constant 0 : i32
    %c0_i32_0 = arith.constant 0 : i32
    return %c0_i32, %arg0 : i32, i32
  }
}

module attributes {stable_mosaic.version = 14 : i64} {
  func.func @_tc3_body(%arg0: i32, %arg1: memref<96x1024xf32, #tpu.memory_space<vmem>>, %arg2: memref<2x1024xf32, #tpu.memory_space<vmem>>, %arg3: memref<40x1xf32, #tpu.memory_space<vmem>>, %arg4: memref<40x1024xf32, #tpu.memory_space<vmem>>) attributes {dimension_semantics = [#tpu.dimension_semantics<arbitrary>], iteration_bounds = array<i64: 10>, scalar_prefetch = 0 : i64, scratch_operands = 0 : i64, tpu.core_type = #tpu.core_type<tc>, window_params = [{transform_indices = @transform_0, window_bounds = array<i64: 96, 1024>}, {transform_indices = @transform_1, window_bounds = array<i64: 2, 1024>}, {pipeline_mode = #tpu.pipeline_mode<synchronous>, transform_indices = @transform_2, window_bounds = array<i64: 40, 1>}, {transform_indices = @transform_3, window_bounds = array<i64: 40, 1024>}]} {
    %get3A = arith.constant 0 : index
    %get3A_0 = arith.constant 0 : index
    %get3A_1 = vector.load %arg1[%get3A, %get3A_0] : memref<96x1024xf32, #tpu.memory_space<vmem>>, vector<48x1024xf32>
    %get3A_2 = arith.constant 48 : index
    %get3A_3 = arith.constant 0 : index
    %get3A_4 = vector.load %arg1[%get3A_2, %get3A_3] : memref<96x1024xf32, #tpu.memory_space<vmem>>, vector<48x1024xf32>
    %add3A = arith.addf %get3A_1, %get3A_4 : vector<48x1024xf32>
    %get3A_5 = arith.constant 0 : index
    %get3A_6 = arith.constant 0 : index
    %get3A_7 = vector.load %arg2[%get3A_5, %get3A_6] : memref<2x1024xf32, #tpu.memory_space<vmem>>, vector<1x1024xf32>
    %get3A_8 = arith.constant 1 : index
    %get3A_9 = arith.constant 0 : index
    %get3A_10 = vector.load %arg2[%get3A_8, %get3A_9] : memref<2x1024xf32, #tpu.memory_space<vmem>>, vector<1x1024xf32>
    %add3A_11 = arith.addf %get3A_7, %get3A_10 : vector<1x1024xf32>
    %slice3A = vector.extract_strided_slice %add3A {offsets = [0, 0], sizes = [40, 1024], strides = [1, 1]} : vector<48x1024xf32> to vector<40x1024xf32>
    %add3A_12 = arith.constant 1.000000e-16 : f32
    %add3A_13 = vector.broadcast %add3A_12 : f32 to vector<1x1024xf32>
    %add3A_14 = arith.addf %add3A_11, %add3A_13 : vector<1x1024xf32>
    %div3A = vector.broadcast %add3A_14 : vector<1x1024xf32> to vector<40x1024xf32>
    %div3A_15 = arith.divf %slice3A, %div3A : vector<40x1024xf32>
    %get3A_16 = arith.constant 0 : index
    %get3A_17 = arith.constant 0 : index
    %get3A_18 = vector.load %arg3[%get3A_16, %get3A_17] : memref<40x1xf32, #tpu.memory_space<vmem>>, vector<40x1xf32>
    %add3A_19 = vector.broadcast %get3A_18 : vector<40x1xf32> to vector<40x1024xf32>
    %add3A_20 = arith.addf %div3A_15, %add3A_19 : vector<40x1024xf32>
    %logistic3A = arith.negf %add3A_20 : vector<40x1024xf32>
    %logistic3A_21 = math.exp %logistic3A : vector<40x1024xf32>
    %logistic3A_22 = arith.constant 1.000000e+00 : f32
    %logistic3A_23 = vector.broadcast %logistic3A_22 : f32 to vector<40x1024xf32>
    %logistic3A_24 = arith.addf %logistic3A_23, %logistic3A_21 : vector<40x1024xf32>
    %logistic3A_25 = arith.divf %logistic3A_23, %logistic3A_24 : vector<40x1024xf32>
    %swap3A = arith.constant 0 : index
    %swap3A_26 = arith.constant 0 : index
    %swap3A_27 = vector.load %arg4[%swap3A, %swap3A_26] : memref<40x1024xf32, #tpu.memory_space<vmem>>, vector<40x1024xf32>
    tpu.vector_store %arg4[%swap3A, %swap3A_26], %logistic3A_25 {strides = array<i32>} : memref<40x1024xf32, #tpu.memory_space<vmem>>, vector<40x1024xf32>,
    return
  }
  func.func @transform_0(%arg0: i32) -> (i32, i32) {
    %c0_i32 = arith.constant 0 : i32
    %c0_i32_0 = arith.constant 0 : i32
    return %c0_i32, %arg0 : i32, i32
  }
  func.func @transform_1(%arg0: i32) -> (i32, i32) {
    %c0_i32 = arith.constant 0 : i32
    %c0_i32_0 = arith.constant 0 : i32
    return %c0_i32, %arg0 : i32, i32
  }
  func.func @transform_2(%arg0: i32) -> (i32, i32) {
    %c0_i32 = arith.constant 0 : i32
    %c0_i32_0 = arith.constant 0 : i32
    %c0_i32_1 = arith.constant 0 : i32
    return %c0_i32, %c0_i32_0 : i32, i32
  }
  func.func @transform_3(%arg0: i32) -> (i32, i32) {
    %c0_i32 = arith.constant 0 : i32
    %c0_i32_0 = arith.constant 0 : i32
    return %c0_i32, %arg0 : i32, i32
  }
}

</mosaic_0001>

<sc_bundles>
// kernel: kernel.10.cloned.1.call-start
scs
__scs_entry_jumppad:
0x0: {  	(pc) =	sbr.rel $0x88, $3  }
0x1: {  	(tag) =	ssettag $0x0;
	lr =	simm.s32 $0x1  }
0x2: {  	[smem:$0x3F97] =	sst lr;
	_ =	strace $0xD0000000  }
0x3: {  	_ = 	snop  }
0x4: {  	_ = 	snop  }
0x5: {  	_ = 	snop  }
0x6: {  	_ = 	snop  }
0x7: {  	_ = 	snop  }
__scs_overlays_trampoline_lowered:
0x8: {  	[smem:$0x3FA6] =	sst s0  }
0x9: {  	[smem:$0x3FA7] =	sst s1  }
0xa: {  	[smem:$0x3FA8] =	sst s2  }
0xb: {  	[smem:$0x3FA9] =	sst s3  }
0xc: {  	[smem:$0x3FAA] =	sst s4  }
0xd: {  	[smem:$0x3FAB] =	sst s5  }
0xe: {  	[smem:$0x3FAC] =	sst s6  }
0xf: {  	[smem:$0x3FAD] =	sst s7  }
0x10: {  	[smem:$0x3FAE] =	sst s8  }
0x11: {  	[smem:$0x3FAF] =	sst s9;
	s0 =	simm.s32 @!p0 $0x0  }
0x12: {  	s1 =	sld [smem:$0x3F95];
	s0 =	simm.s32 @p0 $0x1  }
0x13: {  	[smem:$0x3FB0] =	sst s0;
	s0 =	simm.s32 @!p1 $0x0  }
0x14: {  	s2 =	sld [smem:$0x3F94];
	s0 =	simm.s32 @p1 $0x1  }
0x15: {  	[smem:$0x3FB1] =	sst s0;
	s0 =	simm.s32 @!p2 $0x0  }
0x16: {  	s3 =	sld [smem:$0x3FDB];
	s0 =	simm.s32 @p2 $0x1  }
0x17: {  	s4 =	simm.s32 $0x1BF5;
	[smem:$0x3FB3] =	sst s0  }
0x18: {  	s0 =	sld [smem:$0x3F96];
	_ =	swait.ge [sflag:s4], $0x0  }
0x19: {  	s7 =	sld [smem:$0x3F97]  }
0x1a: {  	s8 =	sadd.s32 $0xFFFFE003, lr  }
0x1b: {  	s9 =	sadd.s32 $0xFFFFFEF7, lr;
	s5 =	simm.s32 $0xFFFFFFFF;
	p2 =	slt.u32 s8, $0xFFFFF086  }
0x1c: {  	p1 =	slt.u32 s9, $0xF7A;
	s5 =	simm.s32 @!p2 $0x0  }
0x1d: {  	s5 =	simm.s32 @p1 $0x1;
	p0 =	seq.s32 s7, s2  }
0x1e: {  	s7 =	smul.u32 @!p0 $0xF7A, s2;
	p2 =	seq.s32 @!p0 s5, $0x0  }
0x1f: {  	s9 =	smul.u32 $0xF7A, s1;
	s8 =	simm.s32 @!p0 $0x1BF5;
	p2 =	por !p2, p0  }
0x20: {  	[sflag:s8] =	ssyncset.s32 @!p0 $0xFFFFF086;
	s6 =	sadd.s32 @!p0 s3, s7;
	s7 =	simm.s32 @!p0 $0x108  }
0x21: {  	s3 =	sadd.s32 s3, s9;
	s6 =	sadd.s32 @!p0 $0x88, s6;
	s7 =	simm.s32 @p2 $0x1082  }
0x22: {  	[simem:s7], [sflag:s8] =	dma.local @!p0 [hbm:s6], $0xF7A  }
0x23: {  	s9 =	sor.u32 $0xD0000000, s2;
	s6 =	simm.s32 $0x108;
	_ =	swait.ge @!p0 [sflag:s8], $0x0  }
0x24: {  	s3 =	sadd.s32 $0x88, s3;
	s6 =	simm.s32 @!p1 $0x1082;
	[sflag:s4] =	ssyncset.s32 $0xFFFFF086  }
0x25: {  	[simem:s6], [sflag:s4] =	dma.local [hbm:s3], $0xF7A  }
0x26: {  	[smem:$0x3F97] =	sst s1;
	(tag) =	ssettag s2;
	_ =	strace s9  }
0x27: {  	s1 =	sld [smem:$0x3FA7]  }
0x28: {  	s2 =	sld [smem:$0x3FA8]  }
0x29: {  	s4 =	sld [smem:$0x3FAA]  }
0x2a: {  	p0 =	seq.s32 s5, $0x0;
	s5 =	sld [smem:$0x3FAB]  }
0x2b: {  	s6 =	sld [smem:$0x3FAC]  }
0x2c: {  	s7 =	sld [smem:$0x3FAD]  }
0x2d: {  	s3 =	simm.s32 $0x108;
	s8 =	sld [smem:$0x3FAE]  }
0x2e: {  	s3 =	simm.s32 @!p0 $0x1082;
	s9 =	sld [smem:$0x3FAF]  }
0x2f: {  	lr =	sadd.s32 s0, s3;
	s0 =	sld [smem:$0x3FA6]  }
0x30: {  	s3 =	sld [smem:$0x3FA9]  }
0x31: {  	[smem:$0x3FB2] =	sst s10  }
0x32: {  	s10 =	sld [smem:$0x3FB0];
	_ =	sdelay $0x3  }
0x33: {  	p0 =	seq.s32 s10, $0x1;
	s10 =	sld [smem:$0x3FB2];
	_ =	sdelay $0x3  }
0x34: {  	[smem:$0x3FB2] =	sst s10  }
0x35: {  	s10 =	sld [smem:$0x3FB1];
	_ =	sdelay $0x3  }
0x36: {  	p1 =	seq.s32 s10, $0x1;
	s10 =	sld [smem:$0x3FB2];
	_ =	sdelay $0x3  }
0x37: {  	[smem:$0x3FB2] =	sst s10  }
0x38: {  	s10 =	sld [smem:$0x3FB3]  }
0x39: {  	_ = 	snop;
	(pc) =	sbr.ind lr, $3  }
0x3a: {  	_ = 	snop  }
0x3b: {  	_ = 	snop  }
0x3c: {  	p2 =	seq.s32 s10, $0x1;
	s10 =	sld [smem:$0x3FB2]  }
0x3d: {  	_ =	shalt  }
0x3e: {  	_ =	shalt  }
0x3f: {  	_ =	shalt  }
0x40: {  	_ =	shalt  }
0x41: {  	_ =	shalt  }
0x42: {  	_ =	shalt  }
0x43: {  	_ =	shalt  }
0x44: {  	_ =	shalt  }
0x45: {  	_ =	shalt  }
0x46: {  	_ =	shalt  }
0x47: {  	_ =	shalt  }
0x48: {  	_ =	shalt  }
0x49: {  	_ =	shalt  }
0x4a: {  	_ =	shalt  }
0x4b: {  	_ =	shalt  }
0x4c: {  	_ =	shalt  }
0x4d: {  	_ =	shalt  }
0x4e: {  	_ =	shalt  }
0x4f: {  	_ =	shalt  }
0x50: {  	_ =	shalt  }
0x51: {  	_ =	shalt  }
0x52: {  	_ =	shalt  }
0x53: {  	_ =	shalt  }
0x54: {  	_ =	shalt  }
0x55: {  	_ =	shalt  }
0x56: {  	_ =	shalt  }
0x57: {  	_ =	shalt  }
0x58: {  	_ =	shalt  }
0x59: {  	_ =	shalt  }
0x5a: {  	_ =	shalt  }
0x5b: {  	_ =	shalt  }
0x5c: {  	_ =	shalt  }
0x5d: {  	_ =	shalt  }
0x5e: {  	_ =	shalt  }
0x5f: {  	_ =	shalt  }
0x60: {  	_ =	shalt  }
0x61: {  	_ =	shalt  }
0x62: {  	_ =	shalt  }
0x63: {  	_ =	shalt  }
0x64: {  	_ =	shalt  }
0x65: {  	_ =	shalt  }
0x66: {  	_ =	shalt  }
0x67: {  	_ =	shalt  }
0x68: {  	_ =	shalt  }
0x69: {  	_ =	shalt  }
0x6a: {  	_ =	shalt  }
0x6b: {  	_ =	shalt  }
0x6c: {  	_ =	shalt  }
0x6d: {  	_ =	shalt  }
0x6e: {  	_ =	shalt  }
0x6f: {  	_ =	shalt  }
0x70: {  	_ =	shalt  }
0x71: {  	_ =	shalt  }
0x72: {  	_ =	shalt  }
0x73: {  	_ =	shalt  }
0x74: {  	_ =	shalt  }
0x75: {  	_ =	shalt  }
0x76: {  	_ =	shalt  }
0x77: {  	_ =	shalt  }
0x78: {  	_ =	shalt  }
0x79: {  	_ =	shalt  }
0x7a: {  	_ =	shalt  }
0x7b: {  	_ =	shalt  }
0x7c: {  	_ =	shalt  }
0x7d: {  	_ =	shalt  }
0x7e: {  	_ =	shalt  }
0x7f: {  	_ =	shalt  }
0x80: {  	_ =	shalt  }
0x81: {  	_ =	shalt  }
0x82: {  	_ =	shalt  }
0x83: {  	_ =	shalt  }
0x84: {  	_ =	shalt  }
0x85: {  	_ =	shalt  }
0x86: {  	_ =	shalt  }
0x87: {  	_ =	shalt  }
.Lfunc_end0:
.L_simem_size_0:
called_computation.1_lowered:
.L_overlay_start_0:
0x88: {  	s2 =	sld [smem:$0x3FD9]  }
0x89: {  	s3 =	sld [smem:$0x3FFE];
	_ =	sdelay $0x1  }
0x8a: {  	s1 =	srdreg.scid  }
0x8b: {  	s0 =	sand.u32 $0x1, s1  }
0x8c: {  	s17 =	sshll.u32 s0, $0xA;
	s2 =	sadd.s32 s3, s2  }
0x8d: {  	s2 =	sadd.s32 s2, s17  }
0x8e: {  	[smem:$0x3FBE] =	sst s2  }
0x8f: {  	_ = 	snop  }
0x90: {  	s2 =	sld [smem:$0x3FD0];
	(tm) =	ssettm $0x1  }
0x91: {  	s18 =	sld [smem:$0x3FFB];
	_ =	sdelay $0x3  }
0x92: {  	_ =	strace s18  }
0x93: {  	s3 =	sld [smem:$0x3FFC];
	_ =	sdelay $0x3  }
0x94: {  	_ =	strace s3  }
0x95: {  	s3 =	sld [smem:$0x3FFD];
	_ =	sdelay $0x3  }
0x96: {  	_ =	strace s3  }
0x97: {  	_ =	strace $0x8FFFFFFF  }
0x98: {  	s19 =	sld [smem:$0x3FDB];
	_ =	sdelay $0x1  }
0x99: {  	s4 =	simm.s32 $_scs_section_size  }
0x9a: {  	s5 =	simm.s32 $_size__tile_overlayer_lowered;
	s6 =	simm.s32 $_tile_overlayer_lowered  }
0x9b: {  	s22 =	simm.s32 $0x1BFF;
	s21 =	sshll.u32 s6, $0x1;
	s3 =	sadd.s32 s4, s19  }
0x9c: {  	s7 =	simm.s32 $0x0;
	s20 =	sshll.u32 s5, $0x1;
	s5 =	sadd.s32 s21, s3  }
0x9d: {  	[timem:s7], [sflag:s22] =	dma.local [hbm:s5], s20  }
0x9e: {  	_ =	swait.ge [sflag:s22], s20  }
0x9f: {  	s4 =	ssub.s32 $0x0, s20;
	[sflag:s22] =	ssyncset.done $0x0  }
0xa0: {  	[sflag:s22] =	ssyncadd.s32 s4;
	_ =	sdelay $0x1  }
0xa1: {  	s23 =	simm.s32 $0x1B8B  }
0xa2: {  	_ =	swait.ge [sflag:s23], $0x1  }
0xa3: {  	[sflag:s23] =	ssyncset.done $0x0  }
0xa4: {  	s25 =	simm.s32 $0x1B8E;
	s24 =	sld [smem:$0x3FFE];
	[sflag:s23] =	ssyncadd.s32 $0xFFFFFFFF  }
0xa5: {  	s26 =	simm.s32 $execute0_lowered;
	[smem:$0x3FD2] =	sst s25  }
0xa6: {  	s5 =	sshll.u32 s26, $0x1;
	_ =	strace $0x80000049;
	[dreg:$0x1] =	wrdreg $0xFFFFFFFF  }
0xa7: {  	s28 =	simm.s32 $_size_execute0_lowered;
	s3 =	sadd.s32 s3, s5;
	[dreg:$0x0] =	wrdreg $0x0  }
0xa8: {  	s5 =	sshll.u32 s28, $0x1;
	[dreg:$0x2] =	wrdreg s3  }
0xa9: {  	[dreg:$0x3] =	wrdreg s5  }
0xaa: {  	[dreg:$0x4] =	wrdreg $0xC0  }
0xab: {  	_ =	task [dreg:s7], $0x5FFFF  }
0xac: {  	[dreg:$0x1] =	wrdreg $0xFFFFFFFF  }
0xad: {  	[dreg:$0x0] =	wrdreg $0x60  }
0xae: {  	[dreg:$0x2] =	wrdreg s24  }
0xaf: {  	[dreg:$0x3] =	wrdreg s2  }
0xb0: {  	[dreg:$0x4] =	wrdreg $0x9  }
0xb1: {  	_ =	task.clear_ibuf [dreg:s7], $0x5FFFF;
	_ =	strace $0x90000049  }
0xb2: {  	s29 =	simm.s32 $0x9;
	_ =	strace $0x8000004B  }
0xb3: {  	_ =	swait.ge [sflag:s29], $0x1  }
0xb4: {  	[sflag:s29] =	ssyncadd.s32 $0xFFFFFFFF  }
0xb5: {  	_ =	strace $0x9000004B  }
0xb6: {  	_ =	sfence  }
0xb7: {  	s30 =	sld [smem:$0x0];
	_ =	sdelay $0x2  }
0xb8: {  	s31 =	sshll.u32 s1, $0xD;
	s1 =	sshrl.u32 s1, $0x2  }
0xb9: {  	s3 =	sand.u32 $0x4000, s31;
	s1 =	sadd.s32 s1, s30  }
0xba: {  	s0 =	sor.u32 s3, s0;
	s1 =	sshll.u32 s1, $0x11  }
0xbb: {  	s0 =	sor.u32 s1, s0  }
0xbc: {  	s0 =	sadd.s32 $0x8F2B, s0  }
0xbd: {  	[sflag:s0] =	ssyncadd.remote.s32 $0x1  }
0xbe: {  	_ =	sfence.sel $0xFFFF  }
0xbf: {  	[dreg:$0x0] =	wrdreg $0xFFFFFFFF;
	(pc) =	sbr.abs _section_cstart, $3  }
0xc0: {  	[dreg:$0x1] =	wrdreg $0xFFFFFFFF  }
0xc1: {  	_ =	task.clear_ibuf [dreg:s7], $0x2FFFF;
	_ =	strace $0x9FFFFFFF  }
0xc2: {  	(tm) =	ssettm $0x7FFFFFFF  }
0xc3: {  	_ =	shalt  }
tec
execute0_lowered:
.L_overlay_start_1:
0x0: {  	(tag) =	ssettag $0x1  }
0x1: {  	s0 =	rddreg [dreg:$0x0]  }
0x2: {  	s1 =	rddreg [dreg:$0x1];
	s2 =	simm.s32 $0x0  }
0x3: {  	s3 =	srdreg.scid;
	s6 =	stileid.u32;
	s28 =	simm.s32 $0x1  }
0x4: {  	s29 =	simm.s32 $0x14000;
	s30 =	simm.s32 $0x7800;
	s31 =	simm.s32 $0xA000  }
0x5: {  	[smem:$0x7FF] =	sst s2;
	s4 =	sand.u32 $0x1, s3;
	s8 =	smul.u32 $0xF00, s6  }
0x6: {  	s3 =	sadd.s32 $0x1A800, s0;
	s7 =	sadd.s32 $0x1800, s0;
	s18 =	smul.u32 $0x7800, s6  }
0x7: {  	s9 =	sadd.s32 $0x10800, s0;
	s14 =	sadd.s32 $0x24600, s0;
	s11 =	smul.u32 $0x3, s6  }
0x8: {  	p0 =	sne.s32 s6, $0x0;
	_ =	strace $0x8000004A;
	s5 =	smul.u32 $0x500, s4  }
0x9: {  	[dreg:$0x3] =	wrdreg s9;
	s10 =	ssub.s32 $0x2, s4;
	s13 =	smul.u32 $0x30, s4  }
0xa: {  	s4 =	smul.u32 $0x27100, s4;
	s12 =	sshrl.u32 s10, $0x1;
	s9 =	sshrl.u32 s18, $0x3  }
0xb: {  	s18 =	simm.s32 $0x3;
	s5 =	sadd.s32 s5, s0;
	s17 =	ssub.s32 s10, s12  }
0xc: {  	s9 =	sadd.s32 s7, s9;
	s7 =	sadd.s32 s7, s8;
	s20 =	sadd.s32 s11, s13  }
0xd: {  	s22 =	sshrl.u32 s4, $0x3;
	s0 =	sadd.s32 $0x10D00, s0;
	s11 =	sadd.s32 $0xC80, s4  }
0xe: {  	s12 =	sadd.s32 $0x1900, s4;
	[dreg:$0x4] =	wrdreg s7;
	s19 =	sadd.s32 $0x500, s9  }
0xf: {  	s21 =	sadd.s32 $0xA00, s9;
	s23 =	smul.u32 $0x2800, s20;
	[dreg:$0x7] =	wrdreg s0  }
0x10: {  	s9 =	sadd.s32 s3, s22;
	s24 =	smul.u32 $0x500, s20;
	s10 =	sadd.s32 s1, s22  }
0x11: {  	s16 =	sadd.s32 $0x11200, s5;
	s17 =	smax.u32 s17, $0x1;
	s20 =	simm.s32 $0x5000  }
0x12: {  	s22 =	simm.s32 $0x11800;
	s0 =	simm.s32 $0xC800;
	[dreg:$0x5] =	wrdreg s19  }
0x13: {  	[dreg:$0x6] =	wrdreg s21;
	s19 =	simm.s32 $0x2800;
	s21 =	simm.s32 $0xF000  }
0x14: {  	s25 =	sshrl.u32 s23, $0x3;
	s13 =	sadd.s32 s14, s24;
	s23 =	simm.s32 $0x2  }
0x15: {  	s24 =	simm.s32 $0x0;
	s26 =	sadd.s32 s14, s25;
	s25 =	simm.s32 $0x17480  }
0x16: {  	v0 =	vimm.f32 $0.0e+00;
	s14 =	sadd.s32 $0x500, s26;
	s15 =	sadd.s32 $0xA00, s26;
	s26 =	simm.s32 $0x18D80  }
.LBB2_1:
0x17: {  	s4 =	rddreg [dreg:$0x4]  }
0x18: {  	[tilespmem:s2], [sflag:$0x3] =	stream.linear.gather [hbm4b:s4+s2], $0x2800, $0x38;
	[tilespmem:$0x19A00] =	vst v63  }
0x19: {  	_ =	swait.ge [sflag:s18], $0x2800  }
0x1a: {  	[sflag:s18] =	ssyncset.done $0x0  }
0x1b: {  	s5 =	rddreg [dreg:$0x5];
	[sflag:s18] =	ssyncadd.s32 $0xFFFFD800  }
0x1c: {  	[tilespmem:s19], [sflag:$0x3] =	stream.linear.gather [hbm4b:s5+s2], $0x2800, $0x38;
	[tilespmem:$0x19A00] =	vst v63  }
0x1d: {  	_ =	swait.ge [sflag:s18], $0x2800  }
0x1e: {  	[sflag:s18] =	ssyncset.done $0x0  }
0x1f: {  	s6 =	rddreg [dreg:$0x6];
	[sflag:s18] =	ssyncadd.s32 $0xFFFFD800  }
0x20: {  	[tilespmem:s20], [sflag:$0x3] =	stream.linear.gather [hbm4b:s6+s2], $0x2800, $0x38;
	[tilespmem:$0x19A00] =	vst v63  }
0x21: {  	_ =	swait.ge [sflag:s18], $0x2800  }
0x22: {  	[sflag:s18] =	ssyncset.done $0x0  }
0x23: {  	s7 =	rddreg [dreg:$0x3];
	[sflag:s18] =	ssyncadd.s32 $0xFFFFD800  }
0x24: {  	[tilespmem:s21], [sflag:$0x3] =	stream.linear.gather [hbm4b:s7+s2], $0x2800, $0x38;
	[tilespmem:$0x19A00] =	vst v63  }
0x25: {  	_ =	swait.ge [sflag:s18], $0x2800  }
0x26: {  	[sflag:s18] =	ssyncset.done $0x0  }
0x27: {  	s8 =	rddreg [dreg:$0x7];
	[sflag:s18] =	ssyncadd.s32 $0xFFFFD800  }
0x28: {  	[tilespmem:s22], [sflag:$0x3] =	stream.linear.gather [hbm4b:s8+s2], $0x2800, $0x38;
	[tilespmem:$0x19A00] =	vst v63  }
0x29: {  	_ =	swait.ge [sflag:s18], $0x2800  }
0x2a: {  	[sflag:s18] =	ssyncset.done $0x0  }
0x2b: {  	s4 =	simm.s32 $0x7840;
	[sflag:s18] =	ssyncadd.s32 $0xFFFFD800  }
0x2c: {  	[tilespmem:s4+$0xFFFFFFC0] =	vst v0  }
0x2d: {  	[tilespmem:s4+$0x30] =	vst v0  }
0x2e: {  	[tilespmem:s4+$0x20] =	vst v0  }
0x2f: {  	[tilespmem:s4+$0x10] =	vst v0  }
0x30: {  	[tilespmem:s4+$0x0] =	vst v0  }
0x31: {  	[tilespmem:s4+$0xFFFFFFF0] =	vst v0  }
0x32: {  	s6 =	simm.s32 $0x0;
	[tilespmem:s4+$0xFFFFFFE0] =	vst v0  }
.LBB2_2:
0x33: {  	s6 =	sadd.s32 $0x8, s6;
	[tilespmem:s4+$0xFFFFFFD0] =	vst v0;
	s4 =	sadd.s32 $0x80, s4;
	s5 =	simm.s32 $0xA040  }
0x34: {  	[tilespmem:s4+$0xFFFFFFC0] =	vst v0;
	p1 =	slt.u32 s6, $0x278  }
0x35: {  	[tilespmem:s4+$0x30] =	vst v0  }
.Ltmp0:
0x36: {  	[tilespmem:s4+$0x20] =	vst v0;
	(pc) =	sbr.rel @p1 .LBB2_2-.Ltmp0, $4  }
0x37: {  	[tilespmem:s4+$0x10] =	vst v0  }
0x38: {  	[tilespmem:s4+$0x0] =	vst v0  }
0x39: {  	[tilespmem:s4+$0xFFFFFFF0] =	vst v0  }
0x3a: {  	[tilespmem:s4+$0xFFFFFFE0] =	vst v0  }
0x3b: {  	[tilespmem:s4+$0xFFFFFFD0] =	vst v0  }
0x3c: {  	[tilespmem:s5+$0xFFFFFFC0] =	vst v0  }
0x3d: {  	[tilespmem:s5+$0x30] =	vst v0  }
0x3e: {  	[tilespmem:s5+$0x20] =	vst v0  }
0x3f: {  	[tilespmem:s5+$0x10] =	vst v0  }
0x40: {  	[tilespmem:s5+$0x0] =	vst v0  }
0x41: {  	[tilespmem:s5+$0xFFFFFFF0] =	vst v0  }
0x42: {  	s6 =	simm.s32 $0x0;
	s4 =	simm.s32 $0xC840;
	[tilespmem:s5+$0xFFFFFFE0] =	vst v0  }
.LBB2_4:
0x43: {  	s6 =	sadd.s32 $0x8, s6;
	[tilespmem:s5+$0xFFFFFFD0] =	vst v0;
	s5 =	sadd.s32 $0x80, s5  }
0x44: {  	[tilespmem:s5+$0xFFFFFFC0] =	vst v0;
	p1 =	slt.u32 s6, $0x278  }
0x45: {  	[tilespmem:s5+$0x30] =	vst v0  }
.Ltmp1:
0x46: {  	[tilespmem:s5+$0x20] =	vst v0;
	(pc) =	sbr.rel @p1 .LBB2_4-.Ltmp1, $4  }
0x47: {  	[tilespmem:s5+$0x10] =	vst v0  }
0x48: {  	[tilespmem:s5+$0x0] =	vst v0  }
0x49: {  	[tilespmem:s5+$0xFFFFFFF0] =	vst v0  }
0x4a: {  	[tilespmem:s5+$0xFFFFFFE0] =	vst v0  }
0x4b: {  	[tilespmem:s5+$0xFFFFFFD0] =	vst v0  }
0x4c: {  	[tilespmem:s4+$0xFFFFFFC0] =	vst v0  }
0x4d: {  	[tilespmem:s4+$0x30] =	vst v0  }
0x4e: {  	[tilespmem:s4+$0x20] =	vst v0  }
0x4f: {  	[tilespmem:s4+$0x10] =	vst v0  }
0x50: {  	[tilespmem:s4+$0x0] =	vst v0  }
0x51: {  	[tilespmem:s4+$0xFFFFFFF0] =	vst v0  }
0x52: {  	s6 =	simm.s32 $0x0;
	[tilespmem:s4+$0xFFFFFFE0] =	vst v0  }
.LBB2_6:
0x53: {  	s6 =	sadd.s32 $0x8, s6;
	[tilespmem:s4+$0xFFFFFFD0] =	vst v0;
	s4 =	sadd.s32 $0x80, s4;
	s5 =	simm.s32 $0x14040  }
0x54: {  	[tilespmem:s4+$0xFFFFFFC0] =	vst v0;
	p1 =	slt.u32 s6, $0x278  }
0x55: {  	[tilespmem:s4+$0x30] =	vst v0  }
.Ltmp2:
0x56: {  	[tilespmem:s4+$0x20] =	vst v0;
	(pc) =	sbr.rel @p1 .LBB2_6-.Ltmp2, $4  }
0x57: {  	[tilespmem:s4+$0x10] =	vst v0  }
0x58: {  	[tilespmem:s4+$0x0] =	vst v0  }
0x59: {  	[tilespmem:s4+$0xFFFFFFF0] =	vst v0  }
0x5a: {  	[tilespmem:s4+$0xFFFFFFE0] =	vst v0  }
0x5b: {  	[tilespmem:s4+$0xFFFFFFD0] =	vst v0  }
0x5c: {  	[tilespmem:s5+$0xFFFFFFC0] =	vst v0  }
0x5d: {  	[tilespmem:s5+$0x30] =	vst v0  }
0x5e: {  	[tilespmem:s5+$0x20] =	vst v0  }
0x5f: {  	[tilespmem:s5+$0x10] =	vst v0  }
0x60: {  	[tilespmem:s5+$0x0] =	vst v0  }
0x61: {  	[tilespmem:s5+$0xFFFFFFF0] =	vst v0  }
0x62: {  	s4 =	simm.s32 $0x0;
	[tilespmem:s5+$0xFFFFFFE0] =	vst v0  }
.LBB2_8:
0x63: {  	s4 =	sadd.s32 $0x8, s4;
	[tilespmem:s5+$0xFFFFFFD0] =	vst v0;
	s5 =	sadd.s32 $0x80, s5  }
0x64: {  	[tilespmem:s5+$0xFFFFFFC0] =	vst v0;
	p1 =	slt.u32 s4, $0x278  }
0x65: {  	[tilespmem:s5+$0x30] =	vst v0  }
.Ltmp3:
0x66: {  	[tilespmem:s5+$0x20] =	vst v0;
	(pc) =	sbr.rel @p1 .LBB2_8-.Ltmp3, $4  }
0x67: {  	[tilespmem:s5+$0x10] =	vst v0  }
0x68: {  	[tilespmem:s5+$0x0] =	vst v0  }
0x69: {  	[tilespmem:s5+$0xFFFFFFF0] =	vst v0  }
0x6a: {  	[tilespmem:s5+$0xFFFFFFE0] =	vst v0  }
0x6b: {  	[tilespmem:s5+$0xFFFFFFD0] =	vst v0;
	s4 =	simm.s32 $0x0;
	s7 =	simm.s32 $0x16800  }
0x6c: {  	[tilespmem:s7], [sflag:$0x1] =	stream.linear.gather [hbm4b:s9+s4], $0xC80, $0x38;
	[tilespmem:$0x19A00] =	vst v63  }
0x6d: {  	s8 =	simm.s32 $0x18100  }
0x6e: {  	[tilespmem:s8], [sflag:$0x1] =	stream.linear.gather [hbm4b:s10+s4], $0xC80, $0x38;
	[tilespmem:$0x19A00] =	vst v63  }
.LBB2_10:
0x6f: {  	s5 =	smul.u32 $0x1900, s4;
	_ =	sdelay $0x1  }
0x70: {  	s6 =	sadd.s32 s5, s11  }
0x71: {  	s6 =	sshrl.u32 s6, $0x3  }
0x72: {  	s7 =	sadd.s32 s3, s6  }
0x73: {  	[tilespmem:s25], [sflag:$0x2] =	stream.linear.gather [hbm4b:s7+s2], $0xC80, $0x38;
	[tilespmem:$0x19A00] =	vst v63  }
0x74: {  	s6 =	sadd.s32 s1, s6  }
0x75: {  	[tilespmem:s26], [sflag:$0x2] =	stream.linear.gather [hbm4b:s6+s2], $0xC80, $0x38;
	[tilespmem:$0x19A00] =	vst v63  }
0x76: {  	_ =	swait.ge [sflag:s28], $0xC80  }
0x77: {  	[sflag:s28] =	ssyncset.done $0x0  }
0x78: {  	[sflag:s28] =	ssyncadd.s32 $0xFFFFF380  }
0x79: {  	_ =	swait.ge [sflag:s28], $0xC80  }
0x7a: {  	[sflag:s28] =	ssyncset.done $0x0  }
0x7b: {  	s6 =	simm.s32 $0x16810;
	[sflag:s28] =	ssyncadd.s32 $0xFFFFF380  }
0x7c: {  	s8 =	simm.s32 $0x18110;
	v11 =	vld [tilespmem:s6+$0x0]  }
0x7d: {  	v13 =	vld [tilespmem:s8+$0x0];
	_ =	sdelay $0x4  }
0x7e: {  	v1 =	vld [tilespmem:s8+$0xFFFFFFF0]  }
0x7f: {  	v14 =	vld [tilespmem:s6+$0xFFFFFFF0]  }
0x80: {  	v2 =	vld.idx.msk [tilespmem:v11+s21+$0x0], $0xffff  }
0x81: {  	v3 =	vld.idx.msk [tilespmem:v13+s22+$0x0], $0xffff;
	_ =	sdelay $0x4  }
0x82: {  	v4 =	vld.idx.msk [tilespmem:v1+s22+$0x0], $0xffff;
	v2 =	vadd.f32 v3, v2  }
0x83: {  	v3 =	vld.idx.msk [tilespmem:v14+s21+$0x0], $0xffff  }
0x84: {  	v5 =	vmul.f32 $2.000000030e-01, v2  }
0x85: {  	vm0 =	vge.f32 v2, $0.0e+00  }
0x86: {  	v2 =	vsel vm0, v2, v5  }
0x87: {  	v2 =	vmul.f32 $1.442695020e+00, v2  }
0x88: {  	s7 =	simm.s32 $0x16830;
	v5 =	vadd.f32 v4, v3  }
0x89: {  	s8 =	simm.s32 $0x18130;
	v4 =	vld [tilespmem:s7+$0x0];
	(erf) = vpow2.f32 v2  }
0x8a: {  	v3 =	vld [tilespmem:s8+$0x0];
	v2 =	vmul.f32 $2.000000030e-01, v5  }
0x8b: {  	vm0 =	vge.f32 v5, $0.0e+00  }
0x8c: {  	v6 =	vsel vm0, v5, v2;
	v5 =	vld [tilespmem:s7+$0xFFFFFFF0]  }
0x8d: {  	v2 =	vld [tilespmem:s8+$0xFFFFFFF0]  }
0x8e: {  	v6 =	vmul.f32 $1.442695020e+00, v6;
	_ =	sdelay $0x1  }
0x8f: {  	(erf) = vpow2.f32 v6  }
0x90: {  	v6 =	vld.idx.msk [tilespmem:v4+s21+$0x0], $0xffff  }
0x91: {  	v7 =	vld.idx.msk [tilespmem:v3+s22+$0x0], $0xffff;
	v15 =	vpop (erf)  }
0x92: {  	[tilespmem:v13+s29+$0x0] =	vst.idx.add.f32.msk $0xffff, v15  }
0x93: {  	v9 =	vld.idx.msk [tilespmem:v5+s21+$0x0], $0xffff  }
0x94: {  	v10 =	vld.idx.msk [tilespmem:v2+s22+$0x0], $0xffff  }
0x95: {  	v8 =	vld.idx.msk [tilespmem:v11+s2+$0x0], $0xffff;
	_ =	sdelay $0x2  }
0x96: {  	v7 =	vadd.f32 v7, v6;
	v6 =	vpop (erf)  }
0x97: {  	s8 =	simm.s32 $0x16850;
	[tilespmem:v1+s29+$0x0] =	vst.idx.add.f32.msk $0xffff, v6  }
0x98: {  	v10 =	vadd.f32 v10, v9;
	v9 =	vld [tilespmem:s8+$0x0];
	v8 =	vmul.f32 v15, v8  }
0x99: {  	v12 =	vmul.f32 $2.000000030e-01, v7;
	v16 =	vld.idx.msk [tilespmem:v14+s2+$0x0], $0xffff  }
0x9a: {  	s6 =	simm.s32 $0x18150;
	vm0 =	vge.f32 v7, $0.0e+00;
	[tilespmem:v13+s30+$0x0] =	vst.idx.add.f32.msk $0xffff, v8  }
0x9b: {  	v7 =	vsel vm0, v7, v12;
	v8 =	vld [tilespmem:s6+$0x0]  }
0x9c: {  	v7 =	vmul.f32 $1.442695020e+00, v7;
	v17 =	vmul.f32 $2.000000030e-01, v10;
	v12 =	vld.idx.msk [tilespmem:v11+s19+$0x0], $0xffff  }
0x9d: {  	vm0 =	vge.f32 v10, $0.0e+00  }
0x9e: {  	(erf) = vpow2.f32 v7;
	v10 =	vsel vm0, v10, v17  }
0x9f: {  	v7 =	vld [tilespmem:s6+$0xFFFFFFF0];
	v17 =	vmul.f32 $1.442695020e+00, v10;
	v16 =	vmul.f32 v6, v16  }
0xa0: {  	v10 =	vld [tilespmem:s8+$0xFFFFFFF0]  }
0xa1: {  	(erf) = vpow2.f32 v17;
	[tilespmem:v1+s30+$0x0] =	vst.idx.add.f32.msk $0xffff, v16;
	v12 =	vmul.f32 v15, v12  }
0xa2: {  	v18 =	vld.idx.msk [tilespmem:v9+s21+$0x0], $0xffff  }
0xa3: {  	[tilespmem:v13+s31+$0x0] =	vst.idx.add.f32.msk $0xffff, v12  }
0xa4: {  	v19 =	vld.idx.msk [tilespmem:v8+s22+$0x0], $0xffff  }
0xa5: {  	v17 =	vld.idx.msk [tilespmem:v11+s20+$0x0], $0xffff  }
0xa6: {  	v16 =	vld.idx.msk [tilespmem:v14+s19+$0x0], $0xffff  }
0xa7: {  	v22 =	vld.idx.msk [tilespmem:v7+s22+$0x0], $0xffff;
	v11 =	vpop (erf)  }
0xa8: {  	[tilespmem:v3+s29+$0x0] =	vst.idx.add.f32.msk $0xffff, v11  }
0xa9: {  	v20 =	vld.idx.msk [tilespmem:v4+s2+$0x0], $0xffff  }
0xaa: {  	v21 =	vld.idx.msk [tilespmem:v10+s21+$0x0], $0xffff;
	v12 =	vpop (erf);
	v19 =	vadd.f32 v19, v18;
	v15 =	vmul.f32 v17, v15  }
0xab: {  	[tilespmem:v2+s29+$0x0] =	vst.idx.add.f32.msk $0xffff, v12  }
0xac: {  	v17 =	vmul.f32 v6, v16;
	[tilespmem:v13+s0+$0x0] =	vst.idx.add.f32.msk $0xffff, v15;
	v13 =	vmul.f32 $2.000000030e-01, v19  }
0xad: {  	v16 =	vld.idx.msk [tilespmem:v5+s2+$0x0], $0xffff;
	vm0 =	vge.f32 v19, $0.0e+00  }
0xae: {  	v20 =	vmul.f32 v11, v20;
	[tilespmem:v1+s31+$0x0] =	vst.idx.add.f32.msk $0xffff, v17;
	v13 =	vsel vm0, v19, v13  }
0xaf: {  	v18 =	vadd.f32 v22, v21;
	v15 =	vld.idx.msk [tilespmem:v14+s20+$0x0], $0xffff  }
0xb0: {  	[tilespmem:v3+s30+$0x0] =	vst.idx.add.f32.msk $0xffff, v20;
	v19 =	vmul.f32 $1.442695020e+00, v13  }
0xb1: {  	s7 =	simm.s32 $0x4;
	s8 =	simm.s32 $0x16870;
	v14 =	vmovc v9;
	vm0 =	vge.f32 v18, $0.0e+00;
	v20 =	vmul.f32 $2.000000030e-01, v18;
	v17 =	vld.idx.msk [tilespmem:v4+s19+$0x0], $0xffff;
	v13 =	vmov v8  }
.LBB2_11:
0xb2: {  	v21 =	vld [tilespmem:s8+$0x0];
	s6 =	sadd.s32 $0x20, s6;
	(erf) = vpow2.f32 v19;
	v16 =	vmul.f32 v12, v16  }
0xb3: {  	s7 =	sadd.s32 $0x2, s7;
	v19 =	vld [tilespmem:s6+$0x0];
	v18 =	vsel vm0, v18, v20  }
0xb4: {  	p1 =	slt.u32 s7, $0xC6;
	v23 =	vmul.f32 v15, v6;
	v6 =	vmov v12;
	v22 =	vld [tilespmem:s6+$0xFFFFFFF0];
	v18 =	vmul.f32 $1.442695020e+00, v18  }
0xb5: {  	v20 =	vld [tilespmem:s8+$0xFFFFFFF0]  }
0xb6: {  	v12 =	vmul.f32 v11, v17;
	(erf) = vpow2.f32 v18;
	[tilespmem:v2+s30+$0x0] =	vst.idx.add.f32.msk $0xffff, v16  }
0xb7: {  	v15 =	vld.idx.msk [tilespmem:v5+s19+$0x0], $0xffff  }
0xb8: {  	[tilespmem:v3+s31+$0x0] =	vst.idx.add.f32.msk $0xffff, v12  }
0xb9: {  	v16 =	vld.idx.msk [tilespmem:v4+s20+$0x0], $0xffff;
	v4 =	vmov v9;
	v9 =	vmov v21  }
0xba: {  	v17 =	vld.idx.msk [tilespmem:v21+s21+$0x0], $0xffff  }
0xbb: {  	v18 =	vld.idx.msk [tilespmem:v19+s22+$0x0], $0xffff;
	v24 =	vpop (erf)  }
0xbc: {  	[tilespmem:v8+s29+$0x0] =	vst.idx.add.f32.msk $0xffff, v24  }
0xbd: {  	v15 =	vmul.f32 v6, v15;
	v25 =	vld.idx.msk [tilespmem:v14+s2+$0x0], $0xffff;
	v14 =	vmov v21  }
0xbe: {  	v21 =	vld.idx.msk [tilespmem:v20+s21+$0x0], $0xffff  }
0xbf: {  	v16 =	vmul.f32 v16, v11;
	v11 =	vmov v24;
	v26 =	vld.idx.msk [tilespmem:v22+s22+$0x0], $0xffff;
	v12 =	vpop (erf)  }
0xc0: {  	[tilespmem:v7+s29+$0x0] =	vst.idx.add.f32.msk $0xffff, v12  }
0xc1: {  	v17 =	vadd.f32 v18, v17;
	[tilespmem:v3+s0+$0x0] =	vst.idx.add.f32.msk $0xffff, v16;
	v3 =	vmov v8;
	v8 =	vmov v19  }
0xc2: {  	v16 =	vld.idx.msk [tilespmem:v10+s2+$0x0], $0xffff  }
.Ltmp4:
0xc3: {  	v24 =	vmul.f32 $2.000000030e-01, v17;
	v25 =	vmul.f32 v11, v25;
	[tilespmem:v2+s31+$0x0] =	vst.idx.add.f32.msk $0xffff, v15;
	(pc) =	sbr.rel @p1 .LBB2_11-.Ltmp4, $4  }
0xc4: {  	vm0 =	vge.f32 v17, $0.0e+00;
	v15 =	vld.idx.msk [tilespmem:v5+s20+$0x0], $0xffff;
	v5 =	vmov v10;
	v10 =	vmov v20  }
0xc5: {  	v18 =	vadd.f32 v26, v21;
	v17 =	vsel vm0, v17, v24;
	[tilespmem:v13+s30+$0x0] =	vst.idx.add.f32.msk $0xffff, v25;
	v13 =	vmov v19  }
0xc6: {  	v19 =	vmul.f32 $1.442695020e+00, v17;
	v17 =	vld.idx.msk [tilespmem:v4+s19+$0x0], $0xffff  }
0xc7: {  	s8 =	sadd.s32 $0x20, s8;
	vm0 =	vge.f32 v18, $0.0e+00;
	v20 =	vmul.f32 $2.000000030e-01, v18;
	[tilespmem:v1+s0+$0x0] =	vst.idx.add.f32.msk $0xffff, v23;
	v1 =	vmovc v2;
	v2 =	vmovc v7;
	v7 =	vmov v22  }
0xc8: {  	_ = 	snop  }
0xc9: {  	v18 =	vsel vm0, v18, v20  }
0xca: {  	(erf) = vpow2.f32 v19;
	v18 =	vmul.f32 $1.442695020e+00, v18;
	_ =	sdelay $0x1  }
0xcb: {  	(erf) = vpow2.f32 v18;
	_ =	sdelay $0x6  }
0xcc: {  	v18 =	vpop (erf)  }
0xcd: {  	[tilespmem:v8+s29+$0x0] =	vst.idx.add.f32.msk $0xffff, v18  }
0xce: {  	v14 =	vld.idx.msk [tilespmem:v14+s2+$0x0], $0xffff;
	v19 =	vpop (erf)  }
0xcf: {  	[tilespmem:v7+s29+$0x0] =	vst.idx.add.f32.msk $0xffff, v19  }
0xd0: {  	v20 =	vld.idx.msk [tilespmem:v10+s2+$0x0], $0xffff  }
0xd1: {  	v16 =	vmul.f32 v12, v16;
	_ =	sdelay $0x1  }
0xd2: {  	[tilespmem:v2+s30+$0x0] =	vst.idx.add.f32.msk $0xffff, v16;
	v14 =	vmul.f32 v18, v14  }
0xd3: {  	v16 =	vld.idx.msk [tilespmem:v5+s19+$0x0], $0xffff  }
0xd4: {  	[tilespmem:v13+s30+$0x0] =	vst.idx.add.f32.msk $0xffff, v14;
	v13 =	vmul.f32 v19, v20  }
0xd5: {  	v14 =	vld.idx.msk [tilespmem:v9+s19+$0x0], $0xffff  }
0xd6: {  	v17 =	vmul.f32 v11, v17;
	[tilespmem:v7+s30+$0x0] =	vst.idx.add.f32.msk $0xffff, v13  }
0xd7: {  	v13 =	vld.idx.msk [tilespmem:v10+s19+$0x0], $0xffff  }
0xd8: {  	[tilespmem:v3+s31+$0x0] =	vst.idx.add.f32.msk $0xffff, v17;
	v16 =	vmul.f32 v12, v16  }
0xd9: {  	v4 =	vld.idx.msk [tilespmem:v4+s20+$0x0], $0xffff  }
0xda: {  	[tilespmem:v2+s31+$0x0] =	vst.idx.add.f32.msk $0xffff, v16;
	v14 =	vmul.f32 v18, v14  }
0xdb: {  	v5 =	vld.idx.msk [tilespmem:v5+s20+$0x0], $0xffff  }
0xdc: {  	[tilespmem:v8+s31+$0x0] =	vst.idx.add.f32.msk $0xffff, v14;
	v13 =	vmul.f32 v19, v13  }
0xdd: {  	v9 =	vld.idx.msk [tilespmem:v9+s20+$0x0], $0xffff  }
0xde: {  	[tilespmem:v7+s31+$0x0] =	vst.idx.add.f32.msk $0xffff, v13  }
0xdf: {  	v10 =	vld.idx.msk [tilespmem:v10+s20+$0x0], $0xffff  }
0xe0: {  	v4 =	vmul.f32 v4, v11  }
0xe1: {  	v6 =	vmul.f32 v15, v6  }
0xe2: {  	[tilespmem:v3+s0+$0x0] =	vst.idx.add.f32.msk $0xffff, v4;
	v3 =	vmul.f32 v9, v18  }
0xe3: {  	p1 =	seq.s32 s4, $0x18;
	[tilespmem:v1+s0+$0x0] =	vst.idx.add.f32.msk $0xffff, v6;
	v1 =	vmul.f32 v5, v12  }
0xe4: {  	s5 =	sadd.s32 @!p1 s5, s12;
	[tilespmem:v8+s0+$0x0] =	vst.idx.add.f32.msk $0xffff, v3;
	v3 =	vmul.f32 v10, v19  }
0xe5: {  	s5 =	sshrl.u32 @!p1 s5, $0x3;
	[tilespmem:v2+s0+$0x0] =	vst.idx.add.f32.msk $0xffff, v1  }
0xe6: {  	s7 =	simm.s32 @!p1 $0x0;
	s8 =	simm.s32 @!p1 $0x16800;
	s6 =	sadd.s32 @!p1 s3, s5;
	[tilespmem:v7+s0+$0x0] =	vst.idx.add.f32.msk $0xffff, v3  }
0xe7: {  	[tilespmem:s8], [sflag:$0x1] =	stream.linear.gather @!p1 [hbm4b:s6+s7], $0xC80, $0x38;
	[tilespmem:$0x19A00] =	vst v63  }
0xe8: {  	s5 =	sadd.s32 @!p1 s1, s5;
	s6 =	simm.s32 @!p1 $0x18100  }
0xe9: {  	[tilespmem:s6], [sflag:$0x1] =	stream.linear.gather @!p1 [hbm4b:s5+s7], $0xC80, $0x38;
	[tilespmem:$0x19A00] =	vst v63  }
0xea: {  	_ =	swait.ge [sflag:s23], $0xC80  }
0xeb: {  	[sflag:s23] =	ssyncset.done $0x0  }
0xec: {  	[sflag:s23] =	ssyncadd.s32 $0xFFFFF380  }
0xed: {  	_ =	swait.ge [sflag:s23], $0xC80  }
0xee: {  	[sflag:s23] =	ssyncset.done $0x0  }
0xef: {  	s7 =	simm.s32 $0x17490;
	[sflag:s23] =	ssyncadd.s32 $0xFFFFF380  }
0xf0: {  	s8 =	simm.s32 $0x18D90;
	v11 =	vld [tilespmem:s7+$0x0]  }
0xf1: {  	v13 =	vld [tilespmem:s8+$0x0];
	_ =	sdelay $0x4  }
0xf2: {  	v1 =	vld [tilespmem:s8+$0xFFFFFFF0]  }
0xf3: {  	v14 =	vld [tilespmem:s7+$0xFFFFFFF0]  }
0xf4: {  	v2 =	vld.idx.msk [tilespmem:v11+s21+$0x0], $0xffff  }
0xf5: {  	v3 =	vld.idx.msk [tilespmem:v13+s22+$0x0], $0xffff;
	_ =	sdelay $0x4  }
0xf6: {  	v4 =	vld.idx.msk [tilespmem:v1+s22+$0x0], $0xffff;
	v2 =	vadd.f32 v3, v2  }
0xf7: {  	v3 =	vld.idx.msk [tilespmem:v14+s21+$0x0], $0xffff  }
0xf8: {  	v5 =	vmul.f32 $2.000000030e-01, v2  }
0xf9: {  	vm0 =	vge.f32 v2, $0.0e+00  }
0xfa: {  	v2 =	vsel vm0, v2, v5  }
0xfb: {  	v2 =	vmul.f32 $1.442695020e+00, v2  }
0xfc: {  	s6 =	simm.s32 $0x174B0;
	v5 =	vadd.f32 v4, v3  }
0xfd: {  	s7 =	simm.s32 $0x18DB0;
	v4 =	vld [tilespmem:s6+$0x0];
	(erf) = vpow2.f32 v2  }
0xfe: {  	v3 =	vld [tilespmem:s7+$0x0];
	v2 =	vmul.f32 $2.000000030e-01, v5  }
0xff: {  	vm0 =	vge.f32 v5, $0.0e+00  }
0x100: {  	v6 =	vsel vm0, v5, v2;
	v5 =	vld [tilespmem:s6+$0xFFFFFFF0]  }
0x101: {  	v2 =	vld [tilespmem:s7+$0xFFFFFFF0]  }
0x102: {  	v6 =	vmul.f32 $1.442695020e+00, v6;
	_ =	sdelay $0x1  }
0x103: {  	(erf) = vpow2.f32 v6  }
0x104: {  	v6 =	vld.idx.msk [tilespmem:v4+s21+$0x0], $0xffff  }
0x105: {  	v7 =	vld.idx.msk [tilespmem:v3+s22+$0x0], $0xffff;
	v15 =	vpop (erf)  }
0x106: {  	[tilespmem:v13+s29+$0x0] =	vst.idx.add.f32.msk $0xffff, v15  }
0x107: {  	v9 =	vld.idx.msk [tilespmem:v5+s21+$0x0], $0xffff  }
0x108: {  	v10 =	vld.idx.msk [tilespmem:v2+s22+$0x0], $0xffff  }
0x109: {  	v8 =	vld.idx.msk [tilespmem:v11+s2+$0x0], $0xffff;
	_ =	sdelay $0x2  }
0x10a: {  	v7 =	vadd.f32 v7, v6;
	v6 =	vpop (erf)  }
0x10b: {  	s8 =	simm.s32 $0x174D0;
	[tilespmem:v1+s29+$0x0] =	vst.idx.add.f32.msk $0xffff, v6  }
0x10c: {  	v10 =	vadd.f32 v10, v9;
	v9 =	vld [tilespmem:s8+$0x0];
	v8 =	vmul.f32 v15, v8  }
0x10d: {  	v12 =	vmul.f32 $2.000000030e-01, v7;
	v16 =	vld.idx.msk [tilespmem:v14+s2+$0x0], $0xffff  }
0x10e: {  	s5 =	simm.s32 $0x18DD0;
	vm0 =	vge.f32 v7, $0.0e+00;
	[tilespmem:v13+s30+$0x0] =	vst.idx.add.f32.msk $0xffff, v8  }
0x10f: {  	v7 =	vsel vm0, v7, v12;
	v8 =	vld [tilespmem:s5+$0x0]  }
0x110: {  	v7 =	vmul.f32 $1.442695020e+00, v7;
	v17 =	vmul.f32 $2.000000030e-01, v10;
	v12 =	vld.idx.msk [tilespmem:v11+s19+$0x0], $0xffff  }
0x111: {  	vm0 =	vge.f32 v10, $0.0e+00  }
0x112: {  	(erf) = vpow2.f32 v7;
	v10 =	vsel vm0, v10, v17  }
0x113: {  	v7 =	vld [tilespmem:s5+$0xFFFFFFF0];
	v17 =	vmul.f32 $1.442695020e+00, v10;
	v16 =	vmul.f32 v6, v16  }
0x114: {  	v10 =	vld [tilespmem:s8+$0xFFFFFFF0]  }
0x115: {  	(erf) = vpow2.f32 v17;
	[tilespmem:v1+s30+$0x0] =	vst.idx.add.f32.msk $0xffff, v16;
	v12 =	vmul.f32 v15, v12  }
0x116: {  	v18 =	vld.idx.msk [tilespmem:v9+s21+$0x0], $0xffff  }
0x117: {  	[tilespmem:v13+s31+$0x0] =	vst.idx.add.f32.msk $0xffff, v12  }
0x118: {  	v19 =	vld.idx.msk [tilespmem:v8+s22+$0x0], $0xffff  }
0x119: {  	v17 =	vld.idx.msk [tilespmem:v11+s20+$0x0], $0xffff  }
0x11a: {  	v16 =	vld.idx.msk [tilespmem:v14+s19+$0x0], $0xffff  }
0x11b: {  	v22 =	vld.idx.msk [tilespmem:v7+s22+$0x0], $0xffff;
	v11 =	vpop (erf)  }
0x11c: {  	[tilespmem:v3+s29+$0x0] =	vst.idx.add.f32.msk $0xffff, v11  }
0x11d: {  	v20 =	vld.idx.msk [tilespmem:v4+s2+$0x0], $0xffff  }
0x11e: {  	v21 =	vld.idx.msk [tilespmem:v10+s21+$0x0], $0xffff;
	v12 =	vpop (erf);
	v19 =	vadd.f32 v19, v18;
	v15 =	vmul.f32 v17, v15  }
0x11f: {  	[tilespmem:v2+s29+$0x0] =	vst.idx.add.f32.msk $0xffff, v12  }
0x120: {  	v17 =	vmul.f32 v6, v16;
	[tilespmem:v13+s0+$0x0] =	vst.idx.add.f32.msk $0xffff, v15;
	v13 =	vmul.f32 $2.000000030e-01, v19  }
0x121: {  	v16 =	vld.idx.msk [tilespmem:v5+s2+$0x0], $0xffff;
	vm0 =	vge.f32 v19, $0.0e+00  }
0x122: {  	v20 =	vmul.f32 v11, v20;
	[tilespmem:v1+s31+$0x0] =	vst.idx.add.f32.msk $0xffff, v17;
	v13 =	vsel vm0, v19, v13  }
0x123: {  	v18 =	vadd.f32 v22, v21;
	v15 =	vld.idx.msk [tilespmem:v14+s20+$0x0], $0xffff  }
0x124: {  	[tilespmem:v3+s30+$0x0] =	vst.idx.add.f32.msk $0xffff, v20;
	v19 =	vmul.f32 $1.442695020e+00, v13  }
0x125: {  	s6 =	simm.s32 $0x4;
	s7 =	simm.s32 $0x174F0;
	v14 =	vmovc v9;
	vm0 =	vge.f32 v18, $0.0e+00;
	v20 =	vmul.f32 $2.000000030e-01, v18;
	v17 =	vld.idx.msk [tilespmem:v4+s19+$0x0], $0xffff;
	v13 =	vmov v8  }
.LBB2_13:
0x126: {  	v21 =	vld [tilespmem:s7+$0x0];
	s5 =	sadd.s32 $0x20, s5;
	(erf) = vpow2.f32 v19;
	v16 =	vmul.f32 v12, v16  }
0x127: {  	s6 =	sadd.s32 $0x2, s6;
	v19 =	vld [tilespmem:s5+$0x0];
	v18 =	vsel vm0, v18, v20  }
0x128: {  	p1 =	slt.u32 s6, $0xC6;
	v23 =	vmul.f32 v15, v6;
	v6 =	vmov v12;
	v22 =	vld [tilespmem:s5+$0xFFFFFFF0];
	v18 =	vmul.f32 $1.442695020e+00, v18  }
0x129: {  	v20 =	vld [tilespmem:s7+$0xFFFFFFF0]  }
0x12a: {  	v12 =	vmul.f32 v11, v17;
	(erf) = vpow2.f32 v18;
	[tilespmem:v2+s30+$0x0] =	vst.idx.add.f32.msk $0xffff, v16  }
0x12b: {  	v15 =	vld.idx.msk [tilespmem:v5+s19+$0x0], $0xffff  }
0x12c: {  	[tilespmem:v3+s31+$0x0] =	vst.idx.add.f32.msk $0xffff, v12  }
0x12d: {  	v16 =	vld.idx.msk [tilespmem:v4+s20+$0x0], $0xffff;
	v4 =	vmov v9;
	v9 =	vmov v21  }
0x12e: {  	v17 =	vld.idx.msk [tilespmem:v21+s21+$0x0], $0xffff  }
0x12f: {  	v18 =	vld.idx.msk [tilespmem:v19+s22+$0x0], $0xffff;
	v24 =	vpop (erf)  }
0x130: {  	[tilespmem:v8+s29+$0x0] =	vst.idx.add.f32.msk $0xffff, v24  }
0x131: {  	v15 =	vmul.f32 v6, v15;
	v25 =	vld.idx.msk [tilespmem:v14+s2+$0x0], $0xffff;
	v14 =	vmov v21  }
0x132: {  	v21 =	vld.idx.msk [tilespmem:v20+s21+$0x0], $0xffff  }
0x133: {  	v16 =	vmul.f32 v16, v11;
	v11 =	vmov v24;
	v26 =	vld.idx.msk [tilespmem:v22+s22+$0x0], $0xffff;
	v12 =	vpop (erf)  }
0x134: {  	[tilespmem:v7+s29+$0x0] =	vst.idx.add.f32.msk $0xffff, v12  }
0x135: {  	v17 =	vadd.f32 v18, v17;
	[tilespmem:v3+s0+$0x0] =	vst.idx.add.f32.msk $0xffff, v16;
	v3 =	vmov v8;
	v8 =	vmov v19  }
0x136: {  	v16 =	vld.idx.msk [tilespmem:v10+s2+$0x0], $0xffff  }
.Ltmp5:
0x137: {  	v24 =	vmul.f32 $2.000000030e-01, v17;
	v25 =	vmul.f32 v11, v25;
	[tilespmem:v2+s31+$0x0] =	vst.idx.add.f32.msk $0xffff, v15;
	(pc) =	sbr.rel @p1 .LBB2_13-.Ltmp5, $4  }
0x138: {  	vm0 =	vge.f32 v17, $0.0e+00;
	v15 =	vld.idx.msk [tilespmem:v5+s20+$0x0], $0xffff;
	v5 =	vmov v10;
	v10 =	vmov v20  }
0x139: {  	v18 =	vadd.f32 v26, v21;
	v17 =	vsel vm0, v17, v24;
	[tilespmem:v13+s30+$0x0] =	vst.idx.add.f32.msk $0xffff, v25;
	v13 =	vmov v19  }
0x13a: {  	v19 =	vmul.f32 $1.442695020e+00, v17;
	v17 =	vld.idx.msk [tilespmem:v4+s19+$0x0], $0xffff  }
0x13b: {  	s7 =	sadd.s32 $0x20, s7;
	vm0 =	vge.f32 v18, $0.0e+00;
	v20 =	vmul.f32 $2.000000030e-01, v18;
	[tilespmem:v1+s0+$0x0] =	vst.idx.add.f32.msk $0xffff, v23;
	v1 =	vmovc v2;
	v2 =	vmovc v7;
	v7 =	vmov v22  }
0x13c: {  	_ = 	snop  }
0x13d: {  	v18 =	vsel vm0, v18, v20  }
0x13e: {  	(erf) = vpow2.f32 v19;
	v18 =	vmul.f32 $1.442695020e+00, v18;
	_ =	sdelay $0x1  }
0x13f: {  	(erf) = vpow2.f32 v18;
	_ =	sdelay $0x6  }
0x140: {  	v57 =	vpop (erf)  }
0x141: {  	[tilespmem:v8+s29+$0x0] =	vst.idx.add.f32.msk $0xffff, v57  }
0x142: {  	v14 =	vld.idx.msk [tilespmem:v14+s2+$0x0], $0xffff;
	v58 =	vpop (erf)  }
0x143: {  	[tilespmem:v7+s29+$0x0] =	vst.idx.add.f32.msk $0xffff, v58  }
0x144: {  	v59 =	vld.idx.msk [tilespmem:v10+s2+$0x0], $0xffff  }
0x145: {  	v16 =	vmul.f32 v12, v16;
	_ =	sdelay $0x1  }
0x146: {  	[tilespmem:v2+s30+$0x0] =	vst.idx.add.f32.msk $0xffff, v16;
	v14 =	vmul.f32 v57, v14  }
0x147: {  	v16 =	vld.idx.msk [tilespmem:v5+s19+$0x0], $0xffff  }
0x148: {  	[tilespmem:v13+s30+$0x0] =	vst.idx.add.f32.msk $0xffff, v14;
	v60 =	vmul.f32 v58, v59  }
0x149: {  	v14 =	vld.idx.msk [tilespmem:v9+s19+$0x0], $0xffff  }
0x14a: {  	v17 =	vmul.f32 v11, v17;
	[tilespmem:v7+s30+$0x0] =	vst.idx.add.f32.msk $0xffff, v60  }
0x14b: {  	v13 =	vld.idx.msk [tilespmem:v10+s19+$0x0], $0xffff  }
0x14c: {  	[tilespmem:v3+s31+$0x0] =	vst.idx.add.f32.msk $0xffff, v17;
	v16 =	vmul.f32 v12, v16  }
0x14d: {  	v4 =	vld.idx.msk [tilespmem:v4+s20+$0x0], $0xffff  }
0x14e: {  	[tilespmem:v2+s31+$0x0] =	vst.idx.add.f32.msk $0xffff, v16;
	v14 =	vmul.f32 v57, v14  }
0x14f: {  	v61 =	vld.idx.msk [tilespmem:v5+s20+$0x0], $0xffff  }
0x150: {  	[tilespmem:v8+s31+$0x0] =	vst.idx.add.f32.msk $0xffff, v14;
	v13 =	vmul.f32 v58, v13  }
0x151: {  	v62 =	vld.idx.msk [tilespmem:v9+s20+$0x0], $0xffff  }
0x152: {  	[tilespmem:v7+s31+$0x0] =	vst.idx.add.f32.msk $0xffff, v13  }
0x153: {  	v63 =	vld.idx.msk [tilespmem:v10+s20+$0x0], $0xffff  }
0x154: {  	s4 =	sadd.s32 $0x1, s4;
	v4 =	vmul.f32 v4, v11  }
0x155: {  	v6 =	vmul.f32 v15, v6;
	p1 =	sne.s32 s4, $0x19  }
.Ltmp6:
0x156: {  	[tilespmem:v3+s0+$0x0] =	vst.idx.add.f32.msk $0xffff, v4;
	v3 =	vmul.f32 v62, v57;
	(pc) =	sbr.rel @p1 .LBB2_10-.Ltmp6, $4  }
0x157: {  	[tilespmem:v1+s0+$0x0] =	vst.idx.add.f32.msk $0xffff, v6;
	v1 =	vmul.f32 v61, v12  }
0x158: {  	[tilespmem:v8+s0+$0x0] =	vst.idx.add.f32.msk $0xffff, v3;
	v3 =	vmul.f32 v63, v58  }
0x159: {  	[tilespmem:v2+s0+$0x0] =	vst.idx.add.f32.msk $0xffff, v1  }
0x15a: {  	[tilespmem:v7+s0+$0x0] =	vst.idx.add.f32.msk $0xffff, v3  }
0x15b: {  	[hbm4b:s13+s2] =	stream.linear.scatter [tilespmem:s30], [sflag:$0x3], $0x2800, $0x38;
	[tilespmem:$0x19A00] =	vst v63  }
0x15c: {  	_ =	swait.ge [sflag:s18], $0x2800  }
0x15d: {  	[sflag:s18] =	ssyncset.done $0x0  }
0x15e: {  	[sflag:s18] =	ssyncadd.s32 $0xFFFFD800  }
0x15f: {  	[hbm4b:s14+s2] =	stream.linear.scatter [tilespmem:s31], [sflag:$0x3], $0x2800, $0x38;
	[tilespmem:$0x19A00] =	vst v63  }
0x160: {  	_ =	swait.ge [sflag:s18], $0x2800  }
0x161: {  	[sflag:s18] =	ssyncset.done $0x0  }
0x162: {  	[sflag:s18] =	ssyncadd.s32 $0xFFFFD800  }
0x163: {  	[hbm4b:s15+s2] =	stream.linear.scatter [tilespmem:s0], [sflag:$0x3], $0x2800, $0x38;
	[tilespmem:$0x19A00] =	vst v63  }
0x164: {  	_ =	swait.ge [sflag:s18], $0x2800  }
0x165: {  	s4 =	simm.s32 @!p0 $0x0;
	s24 =	sadd.s32 $0x1, s24;
	[sflag:s18] =	ssyncset.done $0x0  }
0x166: {  	s5 =	simm.s32 @!p0 $0x14000;
	p1 =	sne.s32 s24, s17;
	[sflag:s18] =	ssyncadd.s32 $0xFFFFD800  }
0x167: {  	[hbm4b:s16+s4] =	stream.linear.scatter @!p0 [tilespmem:s5], [sflag:$0x3], $0x2800, $0x38;
	[tilespmem:$0x19A00] =	vst v63  }
.Ltmp7:
0x168: {  	_ = 	snop;
	(pc) =	sbr.rel @p1 .LBB2_1-.Ltmp7, $4  }
0x169: {  	s4 =	simm.s32 @!p0 $0x3  }
0x16a: {  	_ =	swait.ge @!p0 [sflag:s4], $0x2800  }
0x16b: {  	[sflag:s4] =	ssyncset.done @!p0 $0x0  }
0x16c: {  	[sflag:s4] =	ssyncadd.s32 @!p0 $0xFFFFD800  }
0x16d: {  	_ =	sfence.sel $0x180000  }
0x16e: {  	[bflag:$0x0] =	sbarrier.arrive $0xFFFF  }
0x16f: {  	_ =	strace $0x9000004A  }
0x170: {  	[bflag:$0x2] =	sbarrier.arrive $0xFFFF  }
0x171: {  	s0 =	rddreg [dreg:$0x2]  }
0x172: {  	s0 =	sadd.s32 @!p0 $0x100000, s0  }
0x173: {  	[sflag:s0] =	ssyncadd.tile.s32 @!p0 $0x1;
	_ =	shalt  }
.Lfunc_end2:
_tile_overlayer_lowered:
.L_overlay_start_2:
0x174: {  	(tag) =	ssettag $0x2  }
0x175: {  	s0 =	rddreg [dreg:$0x0];
	s2 =	stileid.u32  }
0x176: {  	s1 =	rddreg [dreg:$0x1];
	p0 =	sne.s32 s2, $0x0  }
0x177: {  	s3 =	rddreg [dreg:$0x2];
	[bflag:$0x3] =	sbarrier.arrive $0xFFFF;
	s2 =	simm.s32 @!p0 $0x1C03  }
0x178: {  	[timem:s3], [sflag:s2] =	dma.local @!p0 [hbm:s0], s1  }
0x179: {  	s0 =	simm.s32 @!p0 $0x3  }
0x17a: {  	_ =	swait.ge @!p0 [sflag:s0], s1  }
0x17b: {  	s1 =	ssub.s32 @!p0 $0x0, s1;
	[sflag:s0] =	ssyncset.done @!p0 $0x0  }
0x17c: {  	[sflag:s0] =	ssyncadd.s32 @!p0 s1  }
0x17d: {  	[bflag:$0x3] =	sbarrier.arrive $0xFFFF  }
0x17e: {  	_ =	shalt  }

// kernel: kernel.7.cloned.1.call-start
scs
__scs_entry_jumppad:
0x0: {  	(pc) =	sbr.rel $0x88, $3  }
0x1: {  	(tag) =	ssettag $0x0;
	lr =	simm.s32 $0x1  }
0x2: {  	[smem:$0x3F97] =	sst lr;
	_ =	strace $0xD0000000  }
0x3: {  	_ = 	snop  }
0x4: {  	_ = 	snop  }
0x5: {  	_ = 	snop  }
0x6: {  	_ = 	snop  }
0x7: {  	_ = 	snop  }
__scs_overlays_trampoline_lowered:
0x8: {  	[smem:$0x3FA6] =	sst s0  }
0x9: {  	[smem:$0x3FA7] =	sst s1  }
0xa: {  	[smem:$0x3FA8] =	sst s2  }
0xb: {  	[smem:$0x3FA9] =	sst s3  }
0xc: {  	[smem:$0x3FAA] =	sst s4  }
0xd: {  	[smem:$0x3FAB] =	sst s5  }
0xe: {  	[smem:$0x3FAC] =	sst s6  }
0xf: {  	[smem:$0x3FAD] =	sst s7  }
0x10: {  	[smem:$0x3FAE] =	sst s8  }
0x11: {  	[smem:$0x3FAF] =	sst s9;
	s0 =	simm.s32 @!p0 $0x0  }
0x12: {  	s1 =	sld [smem:$0x3F95];
	s0 =	simm.s32 @p0 $0x1  }
0x13: {  	[smem:$0x3FB0] =	sst s0;
	s0 =	simm.s32 @!p1 $0x0  }
0x14: {  	s2 =	sld [smem:$0x3F94];
	s0 =	simm.s32 @p1 $0x1  }
0x15: {  	[smem:$0x3FB1] =	sst s0;
	s0 =	simm.s32 @!p2 $0x0  }
0x16: {  	s3 =	sld [smem:$0x3FDB];
	s0 =	simm.s32 @p2 $0x1  }
0x17: {  	s4 =	simm.s32 $0x1BF5;
	[smem:$0x3FB3] =	sst s0  }
0x18: {  	s0 =	sld [smem:$0x3F96];
	_ =	swait.ge [sflag:s4], $0x0  }
0x19: {  	s7 =	sld [smem:$0x3F97]  }
0x1a: {  	s8 =	sadd.s32 $0xFFFFE003, lr  }
0x1b: {  	s9 =	sadd.s32 $0xFFFFFEF7, lr;
	s5 =	simm.s32 $0xFFFFFFFF;
	p2 =	slt.u32 s8, $0xFFFFF086  }
0x1c: {  	p1 =	slt.u32 s9, $0xF7A;
	s5 =	simm.s32 @!p2 $0x0  }
0x1d: {  	s5 =	simm.s32 @p1 $0x1;
	p0 =	seq.s32 s7, s2  }
0x1e: {  	s7 =	smul.u32 @!p0 $0xF7A, s2;
	p2 =	seq.s32 @!p0 s5, $0x0  }
0x1f: {  	s9 =	smul.u32 $0xF7A, s1;
	s8 =	simm.s32 @!p0 $0x1BF5;
	p2 =	por !p2, p0  }
0x20: {  	[sflag:s8] =	ssyncset.s32 @!p0 $0xFFFFF086;
	s6 =	sadd.s32 @!p0 s3, s7;
	s7 =	simm.s32 @!p0 $0x108  }
0x21: {  	s3 =	sadd.s32 s3, s9;
	s6 =	sadd.s32 @!p0 $0x88, s6;
	s7 =	simm.s32 @p2 $0x1082  }
0x22: {  	[simem:s7], [sflag:s8] =	dma.local @!p0 [hbm:s6], $0xF7A  }
0x23: {  	s9 =	sor.u32 $0xD0000000, s2;
	s6 =	simm.s32 $0x108;
	_ =	swait.ge @!p0 [sflag:s8], $0x0  }
0x24: {  	s3 =	sadd.s32 $0x88, s3;
	s6 =	simm.s32 @!p1 $0x1082;
	[sflag:s4] =	ssyncset.s32 $0xFFFFF086  }
0x25: {  	[simem:s6], [sflag:s4] =	dma.local [hbm:s3], $0xF7A  }
0x26: {  	[smem:$0x3F97] =	sst s1;
	(tag) =	ssettag s2;
	_ =	strace s9  }
0x27: {  	s1 =	sld [smem:$0x3FA7]  }
0x28: {  	s2 =	sld [smem:$0x3FA8]  }
0x29: {  	s4 =	sld [smem:$0x3FAA]  }
0x2a: {  	p0 =	seq.s32 s5, $0x0;
	s5 =	sld [smem:$0x3FAB]  }
0x2b: {  	s6 =	sld [smem:$0x3FAC]  }
0x2c: {  	s7 =	sld [smem:$0x3FAD]  }
0x2d: {  	s3 =	simm.s32 $0x108;
	s8 =	sld [smem:$0x3FAE]  }
0x2e: {  	s3 =	simm.s32 @!p0 $0x1082;
	s9 =	sld [smem:$0x3FAF]  }
0x2f: {  	lr =	sadd.s32 s0, s3;
	s0 =	sld [smem:$0x3FA6]  }
0x30: {  	s3 =	sld [smem:$0x3FA9]  }
0x31: {  	[smem:$0x3FB2] =	sst s10  }
0x32: {  	s10 =	sld [smem:$0x3FB0];
	_ =	sdelay $0x3  }
0x33: {  	p0 =	seq.s32 s10, $0x1;
	s10 =	sld [smem:$0x3FB2];
	_ =	sdelay $0x3  }
0x34: {  	[smem:$0x3FB2] =	sst s10  }
0x35: {  	s10 =	sld [smem:$0x3FB1];
	_ =	sdelay $0x3  }
0x36: {  	p1 =	seq.s32 s10, $0x1;
	s10 =	sld [smem:$0x3FB2];
	_ =	sdelay $0x3  }
0x37: {  	[smem:$0x3FB2] =	sst s10  }
0x38: {  	s10 =	sld [smem:$0x3FB3]  }
0x39: {  	_ = 	snop;
	(pc) =	sbr.ind lr, $3  }
0x3a: {  	_ = 	snop  }
0x3b: {  	_ = 	snop  }
0x3c: {  	p2 =	seq.s32 s10, $0x1;
	s10 =	sld [smem:$0x3FB2]  }
0x3d: {  	_ =	shalt  }
0x3e: {  	_ =	shalt  }
0x3f: {  	_ =	shalt  }
0x40: {  	_ =	shalt  }
0x41: {  	_ =	shalt  }
0x42: {  	_ =	shalt  }
0x43: {  	_ =	shalt  }
0x44: {  	_ =	shalt  }
0x45: {  	_ =	shalt  }
0x46: {  	_ =	shalt  }
0x47: {  	_ =	shalt  }
0x48: {  	_ =	shalt  }
0x49: {  	_ =	shalt  }
0x4a: {  	_ =	shalt  }
0x4b: {  	_ =	shalt  }
0x4c: {  	_ =	shalt  }
0x4d: {  	_ =	shalt  }
0x4e: {  	_ =	shalt  }
0x4f: {  	_ =	shalt  }
0x50: {  	_ =	shalt  }
0x51: {  	_ =	shalt  }
0x52: {  	_ =	shalt  }
0x53: {  	_ =	shalt  }
0x54: {  	_ =	shalt  }
0x55: {  	_ =	shalt  }
0x56: {  	_ =	shalt  }
0x57: {  	_ =	shalt  }
0x58: {  	_ =	shalt  }
0x59: {  	_ =	shalt  }
0x5a: {  	_ =	shalt  }
0x5b: {  	_ =	shalt  }
0x5c: {  	_ =	shalt  }
0x5d: {  	_ =	shalt  }
0x5e: {  	_ =	shalt  }
0x5f: {  	_ =	shalt  }
0x60: {  	_ =	shalt  }
0x61: {  	_ =	shalt  }
0x62: {  	_ =	shalt  }
0x63: {  	_ =	shalt  }
0x64: {  	_ =	shalt  }
0x65: {  	_ =	shalt  }
0x66: {  	_ =	shalt  }
0x67: {  	_ =	shalt  }
0x68: {  	_ =	shalt  }
0x69: {  	_ =	shalt  }
0x6a: {  	_ =	shalt  }
0x6b: {  	_ =	shalt  }
0x6c: {  	_ =	shalt  }
0x6d: {  	_ =	shalt  }
0x6e: {  	_ =	shalt  }
0x6f: {  	_ =	shalt  }
0x70: {  	_ =	shalt  }
0x71: {  	_ =	shalt  }
0x72: {  	_ =	shalt  }
0x73: {  	_ =	shalt  }
0x74: {  	_ =	shalt  }
0x75: {  	_ =	shalt  }
0x76: {  	_ =	shalt  }
0x77: {  	_ =	shalt  }
0x78: {  	_ =	shalt  }
0x79: {  	_ =	shalt  }
0x7a: {  	_ =	shalt  }
0x7b: {  	_ =	shalt  }
0x7c: {  	_ =	shalt  }
0x7d: {  	_ =	shalt  }
0x7e: {  	_ =	shalt  }
0x7f: {  	_ =	shalt  }
0x80: {  	_ =	shalt  }
0x81: {  	_ =	shalt  }
0x82: {  	_ =	shalt  }
0x83: {  	_ =	shalt  }
0x84: {  	_ =	shalt  }
0x85: {  	_ =	shalt  }
0x86: {  	_ =	shalt  }
0x87: {  	_ =	shalt  }
.Lfunc_end0:
.L_simem_size_0:
called_computation_lowered:
.L_overlay_start_0:
0x88: {  	s2 =	sld [smem:$0x3FD9]  }
0x89: {  	s3 =	sld [smem:$0x3FFE];
	_ =	sdelay $0x1  }
0x8a: {  	s1 =	srdreg.scid  }
0x8b: {  	s0 =	sand.u32 $0x1, s1  }
0x8c: {  	s17 =	sshll.u32 s0, $0xA;
	s2 =	sadd.s32 s3, s2  }
0x8d: {  	s2 =	sadd.s32 s2, s17  }
0x8e: {  	[smem:$0x3FBE] =	sst s2  }
0x8f: {  	_ = 	snop  }
0x90: {  	s2 =	sld [smem:$0x3FD0];
	(tm) =	ssettm $0x1  }
0x91: {  	s18 =	sld [smem:$0x3FFB];
	_ =	sdelay $0x3  }
0x92: {  	_ =	strace s18  }
0x93: {  	s3 =	sld [smem:$0x3FFC];
	_ =	sdelay $0x3  }
0x94: {  	_ =	strace s3  }
0x95: {  	s3 =	sld [smem:$0x3FFD];
	_ =	sdelay $0x3  }
0x96: {  	_ =	strace s3  }
0x97: {  	_ =	strace $0x8FFFFFFF  }
0x98: {  	s19 =	sld [smem:$0x3FDB];
	_ =	sdelay $0x1  }
0x99: {  	s4 =	simm.s32 $_scs_section_size  }
0x9a: {  	s5 =	simm.s32 $_size__tile_overlayer_lowered;
	s6 =	simm.s32 $_tile_overlayer_lowered  }
0x9b: {  	s22 =	simm.s32 $0x1BFF;
	s21 =	sshll.u32 s6, $0x1;
	s3 =	sadd.s32 s4, s19  }
0x9c: {  	s7 =	simm.s32 $0x0;
	s20 =	sshll.u32 s5, $0x1;
	s5 =	sadd.s32 s21, s3  }
0x9d: {  	[timem:s7], [sflag:s22] =	dma.local [hbm:s5], s20  }
0x9e: {  	_ =	swait.ge [sflag:s22], s20  }
0x9f: {  	s4 =	ssub.s32 $0x0, s20;
	[sflag:s22] =	ssyncset.done $0x0  }
0xa0: {  	[sflag:s22] =	ssyncadd.s32 s4;
	_ =	sdelay $0x1  }
0xa1: {  	s23 =	simm.s32 $0x1B8B  }
0xa2: {  	_ =	swait.ge [sflag:s23], $0x1  }
0xa3: {  	[sflag:s23] =	ssyncset.done $0x0  }
0xa4: {  	s25 =	simm.s32 $0x1B8E;
	s24 =	sld [smem:$0x3FFE];
	[sflag:s23] =	ssyncadd.s32 $0xFFFFFFFF  }
0xa5: {  	s26 =	simm.s32 $execute0_lowered;
	[smem:$0x3FD2] =	sst s25  }
0xa6: {  	s5 =	sshll.u32 s26, $0x1;
	_ =	strace $0x80000046;
	[dreg:$0x1] =	wrdreg $0xFFFFFFFF  }
0xa7: {  	s28 =	simm.s32 $_size_execute0_lowered;
	s3 =	sadd.s32 s3, s5;
	[dreg:$0x0] =	wrdreg $0x0  }
0xa8: {  	s5 =	sshll.u32 s28, $0x1;
	[dreg:$0x2] =	wrdreg s3  }
0xa9: {  	[dreg:$0x3] =	wrdreg s5  }
0xaa: {  	[dreg:$0x4] =	wrdreg $0xC0  }
0xab: {  	_ =	task [dreg:s7], $0x5FFFF  }
0xac: {  	[dreg:$0x1] =	wrdreg $0xFFFFFFFF  }
0xad: {  	[dreg:$0x0] =	wrdreg $0x60  }
0xae: {  	[dreg:$0x2] =	wrdreg s24  }
0xaf: {  	[dreg:$0x3] =	wrdreg s2  }
0xb0: {  	[dreg:$0x4] =	wrdreg $0x9  }
0xb1: {  	_ =	task.clear_ibuf [dreg:s7], $0x5FFFF;
	_ =	strace $0x90000046  }
0xb2: {  	s29 =	simm.s32 $0x9;
	_ =	strace $0x80000048  }
0xb3: {  	_ =	swait.ge [sflag:s29], $0x1  }
0xb4: {  	[sflag:s29] =	ssyncadd.s32 $0xFFFFFFFF  }
0xb5: {  	_ =	strace $0x90000048  }
0xb6: {  	_ =	sfence  }
0xb7: {  	s30 =	sld [smem:$0x0];
	_ =	sdelay $0x2  }
0xb8: {  	s31 =	sshll.u32 s1, $0xD;
	s1 =	sshrl.u32 s1, $0x2  }
0xb9: {  	s3 =	sand.u32 $0x4000, s31;
	s1 =	sadd.s32 s1, s30  }
0xba: {  	s0 =	sor.u32 s3, s0;
	s1 =	sshll.u32 s1, $0x11  }
0xbb: {  	s0 =	sor.u32 s1, s0  }
0xbc: {  	s0 =	sadd.s32 $0x8F2B, s0  }
0xbd: {  	[sflag:s0] =	ssyncadd.remote.s32 $0x1  }
0xbe: {  	_ =	sfence.sel $0xFFFF  }
0xbf: {  	[dreg:$0x0] =	wrdreg $0xFFFFFFFF;
	(pc) =	sbr.abs _section_cstart, $3  }
0xc0: {  	[dreg:$0x1] =	wrdreg $0xFFFFFFFF  }
0xc1: {  	_ =	task.clear_ibuf [dreg:s7], $0x2FFFF;
	_ =	strace $0x9FFFFFFF  }
0xc2: {  	(tm) =	ssettm $0x7FFFFFFF  }
0xc3: {  	_ =	shalt  }
tec
execute0_lowered:
.L_overlay_start_1:
0x0: {  	(tag) =	ssettag $0x1  }
0x1: {  	s0 =	rddreg [dreg:$0x0]  }
0x2: {  	s2 =	rddreg [dreg:$0x1]  }
0x3: {  	s1 =	srdreg.scid;
	s13 =	stileid.u32;
	s3 =	simm.s32 $0x0  }
0x4: {  	s30 =	simm.s32 $0x1C480;
	s31 =	simm.s32 $0x1DD80;
	s28 =	simm.s32 $0xA000  }
0x5: {  	s29 =	simm.s32 $0xC800;
	s1 =	sand.u32 $0x1, s1;
	s5 =	sshrl.u32 s13, $0x1  }
0x6: {  	[smem:$0x7FF] =	sst s3;
	s7 =	sadd.s32 $0x1800, s0;
	s9 =	smul.u32 $0x1400, s13  }
0x7: {  	s10 =	sadd.s32 $0x15800, s0;
	s12 =	smul.u32 $0xA000, s13;
	s15 =	sadd.s32 $0x24600, s0  }
0x8: {  	s16 =	sshll.u32 s13, $0x2;
	s4 =	sshll.u32 s1, $0x3;
	s17 =	smul.u32 $0x500, s5  }
0x9: {  	_ =	strace $0x80000047;
	s8 =	ssub.s32 $0x2, s1;
	s20 =	smul.u32 $0x27100, s1  }
0xa: {  	s1 =	sshll.u32 s1, $0x6;
	s6 =	sor.u32 s5, s4;
	s4 =	sadd.s32 $0x1A800, s0  }
0xb: {  	s11 =	sshrl.u32 s8, $0x1;
	s9 =	sadd.s32 s7, s9;
	s5 =	smul.u32 $0x2800, s5  }
0xc: {  	s14 =	sshrl.u32 s12, $0x3;
	s1 =	sor.u32 s16, s1;
	s6 =	smul.u32 $0x500, s6  }
0xd: {  	[dreg:$0x3] =	wrdreg s9;
	s7 =	sadd.s32 s7, s14;
	s22 =	smul.u32 $0x2800, s1  }
0xe: {  	s9 =	sadd.s32 s10, s17;
	s21 =	sshrl.u32 s20, $0x3;
	s1 =	smul.u32 $0x500, s1  }
0xf: {  	s14 =	sadd.s32 $0x1900, s20;
	s18 =	sadd.s32 $0x500, s7;
	[dreg:$0x7] =	wrdreg s9  }
0x10: {  	s19 =	sadd.s32 $0xA00, s7;
	s7 =	sadd.s32 $0xF00, s7;
	[dreg:$0x4] =	wrdreg s18  }
0x11: {  	s5 =	sshrl.u32 s5, $0x3;
	s23 =	sadd.s32 s4, s21;
	[dreg:$0x5] =	wrdreg s19  }
0x12: {  	s24 =	sadd.s32 s2, s21;
	s21 =	simm.s32 $0x3;
	[dreg:$0x6] =	wrdreg s7  }
0x13: {  	s0 =	sadd.s32 s6, s0;
	s6 =	ssub.s32 s8, s11;
	[dreg:$0x9] =	wrdreg s23  }
0x14: {  	s8 =	sand.u32 $0x1, s13;
	s5 =	sadd.s32 s10, s5;
	[dreg:$0xa] =	wrdreg s24  }
0x15: {  	s13 =	sadd.s32 $0xC80, s20;
	s25 =	sshrl.u32 s22, $0x3;
	s1 =	sadd.s32 s15, s1  }
0x16: {  	s22 =	simm.s32 $0x2800;
	s23 =	simm.s32 $0x5000;
	s24 =	simm.s32 $0x7800  }
0x17: {  	s7 =	simm.s32 $0x2;
	s5 =	sadd.s32 $0x2800, s5;
	[dreg:$0xb] =	wrdreg s1  }
0x18: {  	s26 =	sadd.s32 s15, s25;
	s19 =	sadd.s32 $0x4C600, s0;
	s20 =	smax.u32 s6, $0x1  }
0x19: {  	p0 =	sne.s32 s8, $0x0;
	s25 =	simm.s32 $0x14000;
	s0 =	simm.s32 $0x1  }
0x1a: {  	s1 =	simm.s32 $0x19000;
	s6 =	simm.s32 $0x11800;
	s8 =	simm.s32 $0x0  }
0x1b: {  	[dreg:$0x8] =	wrdreg s5;
	s16 =	sadd.s32 $0x500, s26;
	s17 =	sadd.s32 $0xA00, s26  }
0x1c: {  	v0 =	vimm.f32 $0.0e+00;
	s18 =	sadd.s32 $0xF00, s26;
	s26 =	simm.s32 $0x16800;
	s5 =	simm.s32 $0xF000  }
.LBB2_1:
0x1d: {  	s9 =	rddreg [dreg:$0x3]  }
0x1e: {  	[tilespmem:s3], [sflag:$0x3] =	stream.linear.gather [hbm4b:s9+s3], $0x2800, $0x38;
	[tilespmem:$0x1EA00] =	vst v63  }
0x1f: {  	_ =	swait.ge [sflag:s21], $0x2800  }
0x20: {  	[sflag:s21] =	ssyncset.done $0x0  }
0x21: {  	s15 =	rddreg [dreg:$0x4];
	[sflag:s21] =	ssyncadd.s32 $0xFFFFD800  }
0x22: {  	[tilespmem:s22], [sflag:$0x3] =	stream.linear.gather [hbm4b:s15+s3], $0x2800, $0x38;
	[tilespmem:$0x1EA00] =	vst v63  }
0x23: {  	_ =	swait.ge [sflag:s21], $0x2800  }
0x24: {  	[sflag:s21] =	ssyncset.done $0x0  }
0x25: {  	s10 =	rddreg [dreg:$0x5];
	[sflag:s21] =	ssyncadd.s32 $0xFFFFD800  }
0x26: {  	[tilespmem:s23], [sflag:$0x3] =	stream.linear.gather [hbm4b:s10+s3], $0x2800, $0x38;
	[tilespmem:$0x1EA00] =	vst v63  }
0x27: {  	_ =	swait.ge [sflag:s21], $0x2800  }
0x28: {  	[sflag:s21] =	ssyncset.done $0x0  }
0x29: {  	s11 =	rddreg [dreg:$0x6];
	[sflag:s21] =	ssyncadd.s32 $0xFFFFD800  }
0x2a: {  	[tilespmem:s24], [sflag:$0x3] =	stream.linear.gather [hbm4b:s11+s3], $0x2800, $0x38;
	[tilespmem:$0x1EA00] =	vst v63  }
0x2b: {  	_ =	swait.ge [sflag:s21], $0x2800  }
0x2c: {  	[sflag:s21] =	ssyncset.done $0x0  }
0x2d: {  	s12 =	rddreg [dreg:$0x7];
	[sflag:s21] =	ssyncadd.s32 $0xFFFFD800  }
0x2e: {  	[tilespmem:s25], [sflag:$0x3] =	stream.linear.gather [hbm4b:s12+s3], $0x2800, $0x38;
	[tilespmem:$0x1EA00] =	vst v63  }
0x2f: {  	_ =	swait.ge [sflag:s21], $0x2800  }
0x30: {  	[sflag:s21] =	ssyncset.done $0x0  }
0x31: {  	s15 =	rddreg [dreg:$0x8];
	[sflag:s21] =	ssyncadd.s32 $0xFFFFD800  }
0x32: {  	[tilespmem:s26], [sflag:$0x3] =	stream.linear.gather [hbm4b:s15+s3], $0x2800, $0x38;
	[tilespmem:$0x1EA00] =	vst v63  }
0x33: {  	_ =	swait.ge [sflag:s21], $0x2800  }
0x34: {  	[sflag:s21] =	ssyncset.done $0x0  }
0x35: {  	s9 =	simm.s32 $0xA040;
	[sflag:s21] =	ssyncadd.s32 $0xFFFFD800  }
0x36: {  	[tilespmem:s9+$0xFFFFFFC0] =	vst v0  }
0x37: {  	[tilespmem:s9+$0x30] =	vst v0  }
0x38: {  	[tilespmem:s9+$0x20] =	vst v0  }
0x39: {  	[tilespmem:s9+$0x10] =	vst v0  }
0x3a: {  	[tilespmem:s9+$0x0] =	vst v0  }
0x3b: {  	[tilespmem:s9+$0xFFFFFFF0] =	vst v0  }
0x3c: {  	s11 =	simm.s32 $0x0;
	[tilespmem:s9+$0xFFFFFFE0] =	vst v0  }
.LBB2_2:
0x3d: {  	s11 =	sadd.s32 $0x8, s11;
	[tilespmem:s9+$0xFFFFFFD0] =	vst v0;
	s9 =	sadd.s32 $0x80, s9;
	s10 =	simm.s32 $0xC840  }
0x3e: {  	[tilespmem:s9+$0xFFFFFFC0] =	vst v0;
	p1 =	slt.u32 s11, $0x278  }
0x3f: {  	[tilespmem:s9+$0x30] =	vst v0  }
.Ltmp0:
0x40: {  	[tilespmem:s9+$0x20] =	vst v0;
	(pc) =	sbr.rel @p1 .LBB2_2-.Ltmp0, $4  }
0x41: {  	[tilespmem:s9+$0x10] =	vst v0  }
0x42: {  	[tilespmem:s9+$0x0] =	vst v0  }
0x43: {  	[tilespmem:s9+$0xFFFFFFF0] =	vst v0  }
0x44: {  	[tilespmem:s9+$0xFFFFFFE0] =	vst v0  }
0x45: {  	[tilespmem:s9+$0xFFFFFFD0] =	vst v0  }
0x46: {  	[tilespmem:s10+$0xFFFFFFC0] =	vst v0  }
0x47: {  	[tilespmem:s10+$0x30] =	vst v0  }
0x48: {  	[tilespmem:s10+$0x20] =	vst v0  }
0x49: {  	[tilespmem:s10+$0x10] =	vst v0  }
0x4a: {  	[tilespmem:s10+$0x0] =	vst v0  }
0x4b: {  	[tilespmem:s10+$0xFFFFFFF0] =	vst v0  }
0x4c: {  	s11 =	simm.s32 $0x0;
	s9 =	simm.s32 $0xF040;
	[tilespmem:s10+$0xFFFFFFE0] =	vst v0  }
.LBB2_4:
0x4d: {  	s11 =	sadd.s32 $0x8, s11;
	[tilespmem:s10+$0xFFFFFFD0] =	vst v0;
	s10 =	sadd.s32 $0x80, s10  }
0x4e: {  	[tilespmem:s10+$0xFFFFFFC0] =	vst v0;
	p1 =	slt.u32 s11, $0x278  }
0x4f: {  	[tilespmem:s10+$0x30] =	vst v0  }
.Ltmp1:
0x50: {  	[tilespmem:s10+$0x20] =	vst v0;
	(pc) =	sbr.rel @p1 .LBB2_4-.Ltmp1, $4  }
0x51: {  	[tilespmem:s10+$0x10] =	vst v0  }
0x52: {  	[tilespmem:s10+$0x0] =	vst v0  }
0x53: {  	[tilespmem:s10+$0xFFFFFFF0] =	vst v0  }
0x54: {  	[tilespmem:s10+$0xFFFFFFE0] =	vst v0  }
0x55: {  	[tilespmem:s10+$0xFFFFFFD0] =	vst v0  }
0x56: {  	[tilespmem:s9+$0xFFFFFFC0] =	vst v0  }
0x57: {  	[tilespmem:s9+$0x30] =	vst v0  }
0x58: {  	[tilespmem:s9+$0x20] =	vst v0  }
0x59: {  	[tilespmem:s9+$0x10] =	vst v0  }
0x5a: {  	[tilespmem:s9+$0x0] =	vst v0  }
0x5b: {  	[tilespmem:s9+$0xFFFFFFF0] =	vst v0  }
0x5c: {  	s11 =	simm.s32 $0x0;
	[tilespmem:s9+$0xFFFFFFE0] =	vst v0  }
.LBB2_6:
0x5d: {  	s11 =	sadd.s32 $0x8, s11;
	[tilespmem:s9+$0xFFFFFFD0] =	vst v0;
	s9 =	sadd.s32 $0x80, s9;
	s10 =	simm.s32 $0x11840  }
0x5e: {  	[tilespmem:s9+$0xFFFFFFC0] =	vst v0;
	p1 =	slt.u32 s11, $0x278  }
0x5f: {  	[tilespmem:s9+$0x30] =	vst v0  }
.Ltmp2:
0x60: {  	[tilespmem:s9+$0x20] =	vst v0;
	(pc) =	sbr.rel @p1 .LBB2_6-.Ltmp2, $4  }
0x61: {  	[tilespmem:s9+$0x10] =	vst v0  }
0x62: {  	[tilespmem:s9+$0x0] =	vst v0  }
0x63: {  	[tilespmem:s9+$0xFFFFFFF0] =	vst v0  }
0x64: {  	[tilespmem:s9+$0xFFFFFFE0] =	vst v0  }
0x65: {  	[tilespmem:s9+$0xFFFFFFD0] =	vst v0  }
0x66: {  	[tilespmem:s10+$0xFFFFFFC0] =	vst v0  }
0x67: {  	[tilespmem:s10+$0x30] =	vst v0  }
0x68: {  	[tilespmem:s10+$0x20] =	vst v0  }
0x69: {  	[tilespmem:s10+$0x10] =	vst v0  }
0x6a: {  	[tilespmem:s10+$0x0] =	vst v0  }
0x6b: {  	[tilespmem:s10+$0xFFFFFFF0] =	vst v0  }
0x6c: {  	s11 =	simm.s32 $0x0;
	s9 =	simm.s32 $0x19040;
	[tilespmem:s10+$0xFFFFFFE0] =	vst v0  }
.LBB2_8:
0x6d: {  	s11 =	sadd.s32 $0x8, s11;
	[tilespmem:s10+$0xFFFFFFD0] =	vst v0;
	s10 =	sadd.s32 $0x80, s10  }
0x6e: {  	[tilespmem:s10+$0xFFFFFFC0] =	vst v0;
	p1 =	slt.u32 s11, $0x278  }
0x6f: {  	[tilespmem:s10+$0x30] =	vst v0  }
.Ltmp3:
0x70: {  	[tilespmem:s10+$0x20] =	vst v0;
	(pc) =	sbr.rel @p1 .LBB2_8-.Ltmp3, $4  }
0x71: {  	[tilespmem:s10+$0x10] =	vst v0  }
0x72: {  	[tilespmem:s10+$0x0] =	vst v0  }
0x73: {  	[tilespmem:s10+$0xFFFFFFF0] =	vst v0  }
0x74: {  	[tilespmem:s10+$0xFFFFFFE0] =	vst v0  }
0x75: {  	[tilespmem:s10+$0xFFFFFFD0] =	vst v0  }
0x76: {  	[tilespmem:s9+$0xFFFFFFC0] =	vst v0  }
0x77: {  	[tilespmem:s9+$0x30] =	vst v0  }
0x78: {  	[tilespmem:s9+$0x20] =	vst v0  }
0x79: {  	[tilespmem:s9+$0x10] =	vst v0  }
0x7a: {  	[tilespmem:s9+$0x0] =	vst v0  }
0x7b: {  	[tilespmem:s9+$0xFFFFFFF0] =	vst v0  }
0x7c: {  	s10 =	simm.s32 $0x0;
	[tilespmem:s9+$0xFFFFFFE0] =	vst v0  }
.LBB2_10:
0x7d: {  	s10 =	sadd.s32 $0x8, s10;
	[tilespmem:s9+$0xFFFFFFD0] =	vst v0;
	s9 =	sadd.s32 $0x80, s9  }
0x7e: {  	[tilespmem:s9+$0xFFFFFFC0] =	vst v0;
	p1 =	slt.u32 s10, $0x278  }
0x7f: {  	[tilespmem:s9+$0x30] =	vst v0  }
.Ltmp4:
0x80: {  	[tilespmem:s9+$0x20] =	vst v0;
	(pc) =	sbr.rel @p1 .LBB2_10-.Ltmp4, $4  }
0x81: {  	[tilespmem:s9+$0x10] =	vst v0  }
0x82: {  	[tilespmem:s9+$0x0] =	vst v0  }
0x83: {  	[tilespmem:s9+$0xFFFFFFF0] =	vst v0  }
0x84: {  	[tilespmem:s9+$0xFFFFFFE0] =	vst v0  }
0x85: {  	[tilespmem:s9+$0xFFFFFFD0] =	vst v0  }
0x86: {  	s9 =	simm.s32 $0x0;
	s11 =	simm.s32 $0x1B800;
	s10 =	rddreg [dreg:$0x9]  }
0x87: {  	[tilespmem:s11], [sflag:$0x1] =	stream.linear.gather [hbm4b:s10+s9], $0xC80, $0x38;
	[tilespmem:$0x1EA00] =	vst v63  }
0x88: {  	s15 =	simm.s32 $0x1D100;
	s12 =	rddreg [dreg:$0xa]  }
0x89: {  	[tilespmem:s15], [sflag:$0x1] =	stream.linear.gather [hbm4b:s12+s9], $0xC80, $0x38;
	[tilespmem:$0x1EA00] =	vst v63  }
.LBB2_12:
0x8a: {  	s10 =	smul.u32 $0x1900, s9;
	_ =	sdelay $0x1  }
0x8b: {  	s11 =	sadd.s32 s10, s13  }
0x8c: {  	s11 =	sshrl.u32 s11, $0x3  }
0x8d: {  	s12 =	sadd.s32 s4, s11  }
0x8e: {  	[tilespmem:s30], [sflag:$0x2] =	stream.linear.gather [hbm4b:s12+s3], $0xC80, $0x38;
	[tilespmem:$0x1EA00] =	vst v63  }
0x8f: {  	s11 =	sadd.s32 s2, s11  }
0x90: {  	[tilespmem:s31], [sflag:$0x2] =	stream.linear.gather [hbm4b:s11+s3], $0xC80, $0x38;
	[tilespmem:$0x1EA00] =	vst v63  }
0x91: {  	_ =	swait.ge [sflag:s0], $0xC80  }
0x92: {  	[sflag:s0] =	ssyncset.done $0x0  }
0x93: {  	[sflag:s0] =	ssyncadd.s32 $0xFFFFF380  }
0x94: {  	_ =	swait.ge [sflag:s0], $0xC80  }
0x95: {  	[sflag:s0] =	ssyncset.done $0x0  }
0x96: {  	s12 =	simm.s32 $0x1B810;
	[sflag:s0] =	ssyncadd.s32 $0xFFFFF380  }
0x97: {  	s15 =	simm.s32 $0x1D110;
	v8 =	vld [tilespmem:s12+$0x0]  }
0x98: {  	v10 =	vld [tilespmem:s15+$0x0];
	_ =	sdelay $0x6  }
0x99: {  	v2 =	vld.idx.msk [tilespmem:v8+s25+$0x0], $0xffff  }
0x9a: {  	v3 =	vld.idx.msk [tilespmem:v10+s26+$0x0], $0xffff  }
0x9b: {  	v1 =	vld [tilespmem:s15+$0xFFFFFFF0]  }
0x9c: {  	v16 =	vld [tilespmem:s12+$0xFFFFFFF0];
	_ =	sdelay $0x2  }
0x9d: {  	v2 =	vadd.f32 v3, v2;
	_ =	sdelay $0x1  }
0x9e: {  	v3 =	vmul.f32 $2.000000030e-01, v2  }
0x9f: {  	vm0 =	vge.f32 v2, $0.0e+00  }
0xa0: {  	v4 =	vld.idx.msk [tilespmem:v1+s26+$0x0], $0xffff;
	v2 =	vsel vm0, v2, v3  }
0xa1: {  	s15 =	simm.s32 $0x1D130;
	v3 =	vld.idx.msk [tilespmem:v16+s25+$0x0], $0xffff;
	v2 =	vmul.f32 $1.442695020e+00, v2  }
0xa2: {  	s11 =	simm.s32 $0x1B830;
	v17 =	vld [tilespmem:s15+$0x0]  }
0xa3: {  	v15 =	vld [tilespmem:s11+$0x0];
	(erf) = vpow2.f32 v2;
	_ =	sdelay $0x2  }
0xa4: {  	v4 =	vadd.f32 v4, v3;
	v3 =	vld [tilespmem:s11+$0xFFFFFFF0];
	_ =	sdelay $0x1  }
0xa5: {  	v2 =	vld [tilespmem:s15+$0xFFFFFFF0]  }
0xa6: {  	v5 =	vmul.f32 $2.000000030e-01, v4  }
0xa7: {  	v6 =	vld.idx.msk [tilespmem:v17+s26+$0x0], $0xffff;
	vm10 =	vge.f32 v4, $0.0e+00  }
0xa8: {  	v4 =	vsel vm10, v4, v5;
	v5 =	vld.idx.msk [tilespmem:v15+s25+$0x0], $0xffff  }
0xa9: {  	v11 =	vpop (erf)  }
0xaa: {  	v4 =	vmul.f32 $1.442695020e+00, v4;
	[tilespmem:v10+s1+$0x0] =	vst.idx.add.f32.msk $0xffff, v11  }
0xab: {  	v7 =	vld.idx.msk [tilespmem:v3+s25+$0x0], $0xffff  }
0xac: {  	(erf) = vpow2.f32 v4;
	v4 =	vld.idx.msk [tilespmem:v8+s3+$0x0], $0xffff  }
0xad: {  	v5 =	vadd.f32 v6, v5;
	v6 =	vld.idx.msk [tilespmem:v2+s26+$0x0], $0xffff;
	_ =	sdelay $0x1  }
0xae: {  	v9 =	vmul.f32 $2.000000030e-01, v5  }
0xaf: {  	vm11 =	vge.f32 v5, $0.0e+00  }
0xb0: {  	s15 =	simm.s32 $0x1D150;
	v5 =	vsel vm11, v5, v9;
	v4 =	vmul.f32 v11, v4  }
0xb1: {  	v5 =	vmul.f32 $1.442695020e+00, v5;
	v7 =	vadd.f32 v6, v7;
	v6 =	vld [tilespmem:s15+$0x0]  }
0xb2: {  	[tilespmem:v10+s28+$0x0] =	vst.idx.add.f32.msk $0xffff, v4  }
0xb3: {  	(erf) = vpow2.f32 v5;
	v12 =	vld.idx.msk [tilespmem:v8+s22+$0x0], $0xffff  }
0xb4: {  	s11 =	simm.s32 $0x1B850  }
0xb5: {  	v9 =	vld [tilespmem:s11+$0x0];
	v4 =	vpop (erf)  }
0xb6: {  	[tilespmem:v1+s1+$0x0] =	vst.idx.add.f32.msk $0xffff, v4  }
0xb7: {  	v13 =	vld.idx.msk [tilespmem:v16+s3+$0x0], $0xffff  }
0xb8: {  	v5 =	vld [tilespmem:s15+$0xFFFFFFF0];
	v12 =	vmul.f32 v11, v12  }
0xb9: {  	v14 =	vmul.f32 $2.000000030e-01, v7;
	v18 =	vld.idx.msk [tilespmem:v6+s26+$0x0], $0xffff  }
0xba: {  	vm12 =	vge.f32 v7, $0.0e+00;
	[tilespmem:v10+s29+$0x0] =	vst.idx.add.f32.msk $0xffff, v12  }
0xbb: {  	v7 =	vsel vm12, v7, v14;
	v14 =	vld.idx.msk [tilespmem:v8+s23+$0x0], $0xffff  }
0xbc: {  	v12 =	vmul.f32 v4, v13;
	v13 =	vmul.f32 $1.442695020e+00, v7;
	v7 =	vld [tilespmem:s11+$0xFFFFFFF0];
	v19 =	vpop (erf)  }
0xbd: {  	[tilespmem:v17+s1+$0x0] =	vst.idx.add.f32.msk $0xffff, v19  }
0xbe: {  	[tilespmem:v1+s28+$0x0] =	vst.idx.add.f32.msk $0xffff, v12  }
0xbf: {  	(erf) = vpow2.f32 v13;
	v13 =	vld.idx.msk [tilespmem:v9+s25+$0x0], $0xffff  }
0xc0: {  	v20 =	vld.idx.msk [tilespmem:v15+s3+$0x0], $0xffff  }
0xc1: {  	v12 =	vld.idx.msk [tilespmem:v16+s22+$0x0], $0xffff  }
0xc2: {  	v14 =	vmul.f32 v14, v11  }
0xc3: {  	v22 =	vld.idx.msk [tilespmem:v5+s26+$0x0], $0xffff  }
0xc4: {  	[tilespmem:v10+s5+$0x0] =	vst.idx.add.f32.msk $0xffff, v14  }
0xc5: {  	v20 =	vmul.f32 v19, v20;
	v13 =	vadd.f32 v18, v13;
	v14 =	vld.idx.msk [tilespmem:v8+s24+$0x0], $0xffff  }
0xc6: {  	v21 =	vld.idx.msk [tilespmem:v7+s25+$0x0], $0xffff;
	v12 =	vmul.f32 v4, v12  }
0xc7: {  	[tilespmem:v17+s28+$0x0] =	vst.idx.add.f32.msk $0xffff, v20;
	v20 =	vmul.f32 $2.000000030e-01, v13  }
0xc8: {  	vm13 =	vge.f32 v13, $0.0e+00;
	[tilespmem:v1+s29+$0x0] =	vst.idx.add.f32.msk $0xffff, v12  }
0xc9: {  	v12 =	vsel vm13, v13, v20;
	v20 =	vld.idx.msk [tilespmem:v16+s23+$0x0], $0xffff  }
0xca: {  	v8 =	vpop (erf);
	v11 =	vmul.f32 v14, v11;
	v14 =	vld.idx.msk [tilespmem:v15+s22+$0x0], $0xffff  }
0xcb: {  	[tilespmem:v2+s1+$0x0] =	vst.idx.add.f32.msk $0xffff, v8  }
0xcc: {  	v18 =	vld.idx.msk [tilespmem:v3+s3+$0x0], $0xffff;
	v13 =	vadd.f32 v22, v21  }
0xcd: {  	s15 =	simm.s32 $0x1B870;
	[tilespmem:v10+s6+$0x0] =	vst.idx.add.f32.msk $0xffff, v11;
	v10 =	vmul.f32 $1.442695020e+00, v12  }
0xce: {  	s11 =	simm.s32 $0x1D170;
	v12 =	vld [tilespmem:s15+$0x0];
	v21 =	vmul.f32 $2.000000030e-01, v13  }
0xcf: {  	v11 =	vld [tilespmem:s11+$0x0];
	(erf) = vpow2.f32 v10;
	v14 =	vmul.f32 v19, v14  }
0xd0: {  	vm14 =	vge.f32 v13, $0.0e+00;
	v10 =	vld [tilespmem:s11+$0xFFFFFFF0]  }
0xd1: {  	v13 =	vsel vm14, v13, v21;
	[tilespmem:v17+s29+$0x0] =	vst.idx.add.f32.msk $0xffff, v14  }
0xd2: {  	v14 =	vmul.f32 v8, v18;
	v18 =	vmul.f32 $1.442695020e+00, v13;
	v13 =	vld [tilespmem:s15+$0xFFFFFFF0]  }
0xd3: {  	v21 =	vld.idx.msk [tilespmem:v15+s23+$0x0], $0xffff  }
0xd4: {  	[tilespmem:v2+s28+$0x0] =	vst.idx.add.f32.msk $0xffff, v14  }
0xd5: {  	(erf) = vpow2.f32 v18;
	v18 =	vld.idx.msk [tilespmem:v3+s22+$0x0], $0xffff  }
0xd6: {  	v22 =	vld.idx.msk [tilespmem:v12+s25+$0x0], $0xffff  }
0xd7: {  	v23 =	vld.idx.msk [tilespmem:v11+s26+$0x0], $0xffff  }
0xd8: {  	v26 =	vld.idx.msk [tilespmem:v10+s26+$0x0], $0xffff;
	v14 =	vpop (erf)  }
0xd9: {  	v21 =	vmul.f32 v21, v19;
	[tilespmem:v6+s1+$0x0] =	vst.idx.add.f32.msk $0xffff, v14  }
0xda: {  	v24 =	vld.idx.msk [tilespmem:v9+s3+$0x0], $0xffff  }
0xdb: {  	[tilespmem:v17+s5+$0x0] =	vst.idx.add.f32.msk $0xffff, v21  }
0xdc: {  	v18 =	vmul.f32 v8, v18;
	v21 =	vld.idx.msk [tilespmem:v15+s24+$0x0], $0xffff  }
0xdd: {  	v25 =	vld.idx.msk [tilespmem:v13+s25+$0x0], $0xffff  }
0xde: {  	[tilespmem:v2+s29+$0x0] =	vst.idx.add.f32.msk $0xffff, v18;
	v15 =	vpop (erf)  }
0xdf: {  	[tilespmem:v5+s1+$0x0] =	vst.idx.add.f32.msk $0xffff, v15;
	v24 =	vmul.f32 v14, v24  }
0xe0: {  	v22 =	vadd.f32 v23, v22;
	v27 =	vld.idx.msk [tilespmem:v7+s3+$0x0], $0xffff  }
0xe1: {  	v19 =	vmul.f32 v21, v19;
	[tilespmem:v6+s28+$0x0] =	vst.idx.add.f32.msk $0xffff, v24  }
0xe2: {  	v23 =	vmul.f32 $2.000000030e-01, v22;
	v21 =	vadd.f32 v26, v25;
	v18 =	vld.idx.msk [tilespmem:v9+s22+$0x0], $0xffff  }
0xe3: {  	v20 =	vmul.f32 v20, v4;
	vm15 =	vge.f32 v22, $0.0e+00;
	[tilespmem:v17+s6+$0x0] =	vst.idx.add.f32.msk $0xffff, v19  }
0xe4: {  	v17 =	vld.idx.msk [tilespmem:v3+s23+$0x0], $0xffff;
	v63 =	vmul.f32 $2.000000030e-01, v21;
	v19 =	vsel vm15, v22, v23  }
0xe5: {  	[tilespmem:v1+s5+$0x0] =	vst.idx.add.f32.msk $0xffff, v20;
	vm1 =	vge.f32 v21, $0.0e+00;
	v20 =	vmul.f32 $1.442695020e+00, v19  }
0xe6: {  	s12 =	simm.s32 $0x6;
	v16 =	vld.idx.msk [tilespmem:v16+s24+$0x0], $0xffff;
	s15 =	simm.s32 $0x1B890;
	v19 =	vmul.f32 v15, v27;
	v21 =	vsel vm1, v21, v63  }
.LBB2_13:
0xe7: {  	v22 =	vld [tilespmem:s15+$0x0];
	v21 =	vmul.f32 $1.442695020e+00, v21;
	s11 =	sadd.s32 $0x20, s11;
	(erf) = vpow2.f32 v20;
	v23 =	vmov v10  }
0xe8: {  	v18 =	vmul.f32 v14, v18;
	v20 =	vld [tilespmem:s11+$0x0]  }
0xe9: {  	v10 =	vld [tilespmem:s11+$0xFFFFFFF0];
	(erf) = vpow2.f32 v21;
	v21 =	vmul.f32 v17, v8  }
0xea: {  	[tilespmem:v6+s29+$0x0] =	vst.idx.add.f32.msk $0xffff, v18  }
0xeb: {  	v24 =	vmul.f32 v16, v4;
	v4 =	vmov v8;
	v8 =	vmov v15;
	v17 =	vld.idx.msk [tilespmem:v9+s23+$0x0], $0xffff  }
0xec: {  	v25 =	vld [tilespmem:s15+$0xFFFFFFF0]  }
0xed: {  	s12 =	sadd.s32 $0x2, s12;
	[tilespmem:v5+s28+$0x0] =	vst.idx.add.f32.msk $0xffff, v19  }
0xee: {  	p1 =	slt.u32 s12, $0xC6;
	v16 =	vld.idx.msk [tilespmem:v7+s22+$0x0], $0xffff  }
0xef: {  	v18 =	vld.idx.msk [tilespmem:v22+s25+$0x0], $0xffff  }
0xf0: {  	v19 =	vld.idx.msk [tilespmem:v20+s26+$0x0], $0xffff;
	v26 =	vpop (erf)  }
0xf1: {  	v17 =	vmul.f32 v17, v14;
	[tilespmem:v11+s1+$0x0] =	vst.idx.add.f32.msk $0xffff, v26  }
0xf2: {  	v27 =	vld.idx.msk [tilespmem:v12+s3+$0x0], $0xffff;
	v15 =	vpop (erf)  }
0xf3: {  	[tilespmem:v6+s5+$0x0] =	vst.idx.add.f32.msk $0xffff, v17  }
0xf4: {  	v16 =	vmul.f32 v8, v16;
	v17 =	vld.idx.msk [tilespmem:v9+s24+$0x0], $0xffff;
	v9 =	vmov v12;
	v12 =	vmov v22  }
0xf5: {  	v22 =	vld.idx.msk [tilespmem:v25+s25+$0x0], $0xffff  }
0xf6: {  	v28 =	vld.idx.msk [tilespmem:v10+s26+$0x0], $0xffff  }
0xf7: {  	[tilespmem:v23+s1+$0x0] =	vst.idx.add.f32.msk $0xffff, v15  }
0xf8: {  	v27 =	vmul.f32 v26, v27;
	v29 =	vld.idx.msk [tilespmem:v13+s3+$0x0], $0xffff  }
0xf9: {  	[tilespmem:v5+s29+$0x0] =	vst.idx.add.f32.msk $0xffff, v16  }
0xfa: {  	v16 =	vadd.f32 v19, v18;
	v17 =	vmul.f32 v17, v14;
	v14 =	vmov v26;
	[tilespmem:v11+s28+$0x0] =	vst.idx.add.f32.msk $0xffff, v27  }
0xfb: {  	v18 =	vld.idx.msk [tilespmem:v9+s22+$0x0], $0xffff  }
.Ltmp5:
0xfc: {  	v22 =	vadd.f32 v28, v22;
	v19 =	vmul.f32 $2.000000030e-01, v16;
	[tilespmem:v6+s6+$0x0] =	vst.idx.add.f32.msk $0xffff, v17;
	v6 =	vmovc v11;
	v11 =	vmov v20;
	(pc) =	sbr.rel @p1 .LBB2_13-.Ltmp5, $4  }
0xfd: {  	vm0 =	vge.f32 v16, $0.0e+00;
	v17 =	vld.idx.msk [tilespmem:v7+s23+$0x0], $0xffff  }
0xfe: {  	vm1 =	vge.f32 v22, $0.0e+00;
	v26 =	vmul.f32 $2.000000030e-01, v22;
	v16 =	vsel vm0, v16, v19;
	[tilespmem:v2+s5+$0x0] =	vst.idx.add.f32.msk $0xffff, v21  }
0xff: {  	v19 =	vmul.f32 v15, v29;
	v20 =	vmul.f32 $1.442695020e+00, v16;
	v16 =	vld.idx.msk [tilespmem:v3+s24+$0x0], $0xffff;
	v3 =	vmovc v7;
	v7 =	vmovc v13;
	v13 =	vmov v25  }
0x100: {  	s15 =	sadd.s32 $0x20, s15;
	v21 =	vsel vm1, v22, v26;
	[tilespmem:v1+s6+$0x0] =	vst.idx.add.f32.msk $0xffff, v24;
	v1 =	vmovc v2;
	v2 =	vmov v5;
	v5 =	vmov v23  }
0x101: {  	(erf) = vpow2.f32 v20  }
0x102: {  	v20 =	vmul.f32 $1.442695020e+00, v21;
	_ =	sdelay $0x1  }
0x103: {  	(erf) = vpow2.f32 v20;
	_ =	sdelay $0x5  }
0x104: {  	v20 =	vpop (erf)  }
0x105: {  	[tilespmem:v11+s1+$0x0] =	vst.idx.add.f32.msk $0xffff, v20  }
0x106: {  	v21 =	vld.idx.msk [tilespmem:v12+s3+$0x0], $0xffff  }
0x107: {  	v22 =	vpop (erf)  }
0x108: {  	[tilespmem:v10+s1+$0x0] =	vst.idx.add.f32.msk $0xffff, v22  }
0x109: {  	v18 =	vmul.f32 v14, v18;
	v23 =	vld.idx.msk [tilespmem:v13+s3+$0x0], $0xffff  }
0x10a: {  	[tilespmem:v5+s28+$0x0] =	vst.idx.add.f32.msk $0xffff, v19  }
0x10b: {  	[tilespmem:v6+s29+$0x0] =	vst.idx.add.f32.msk $0xffff, v18;
	v18 =	vmul.f32 v20, v21  }
0x10c: {  	v21 =	vld.idx.msk [tilespmem:v9+s23+$0x0], $0xffff  }
0x10d: {  	[tilespmem:v11+s28+$0x0] =	vst.idx.add.f32.msk $0xffff, v18  }
0x10e: {  	v19 =	vmul.f32 v22, v23;
	v23 =	vld.idx.msk [tilespmem:v7+s22+$0x0], $0xffff  }
0x10f: {  	v18 =	vld.idx.msk [tilespmem:v12+s22+$0x0], $0xffff;
	_ =	sdelay $0x1  }
0x110: {  	[tilespmem:v10+s28+$0x0] =	vst.idx.add.f32.msk $0xffff, v19;
	v21 =	vmul.f32 v21, v14  }
0x111: {  	v19 =	vld.idx.msk [tilespmem:v13+s22+$0x0], $0xffff  }
0x112: {  	[tilespmem:v6+s5+$0x0] =	vst.idx.add.f32.msk $0xffff, v21;
	v21 =	vmul.f32 v15, v23  }
0x113: {  	v18 =	vmul.f32 v20, v18  }
0x114: {  	[tilespmem:v5+s29+$0x0] =	vst.idx.add.f32.msk $0xffff, v21  }
0x115: {  	[tilespmem:v11+s29+$0x0] =	vst.idx.add.f32.msk $0xffff, v18  }
0x116: {  	v17 =	vmul.f32 v17, v8;
	v18 =	vld.idx.msk [tilespmem:v12+s23+$0x0], $0xffff  }
0x117: {  	v19 =	vmul.f32 v22, v19;
	v21 =	vld.idx.msk [tilespmem:v7+s23+$0x0], $0xffff  }
0x118: {  	[tilespmem:v2+s5+$0x0] =	vst.idx.add.f32.msk $0xffff, v17  }
0x119: {  	[tilespmem:v10+s29+$0x0] =	vst.idx.add.f32.msk $0xffff, v19  }
0x11a: {  	v19 =	vld.idx.msk [tilespmem:v13+s23+$0x0], $0xffff  }
0x11b: {  	v3 =	vld.idx.msk [tilespmem:v3+s24+$0x0], $0xffff;
	v17 =	vmul.f32 v18, v20  }
0x11c: {  	v9 =	vld.idx.msk [tilespmem:v9+s24+$0x0], $0xffff;
	v18 =	vmul.f32 v21, v15  }
0x11d: {  	[tilespmem:v11+s5+$0x0] =	vst.idx.add.f32.msk $0xffff, v17  }
0x11e: {  	[tilespmem:v5+s5+$0x0] =	vst.idx.add.f32.msk $0xffff, v18  }
0x11f: {  	v17 =	vmul.f32 v19, v22;
	v12 =	vld.idx.msk [tilespmem:v12+s24+$0x0], $0xffff  }
0x120: {  	v7 =	vld.idx.msk [tilespmem:v7+s24+$0x0], $0xffff  }
0x121: {  	[tilespmem:v10+s5+$0x0] =	vst.idx.add.f32.msk $0xffff, v17  }
0x122: {  	v4 =	vmul.f32 v16, v4;
	v13 =	vld.idx.msk [tilespmem:v13+s24+$0x0], $0xffff  }
0x123: {  	v9 =	vmul.f32 v9, v14  }
0x124: {  	[tilespmem:v1+s6+$0x0] =	vst.idx.add.f32.msk $0xffff, v4;
	v1 =	vmul.f32 v3, v8  }
0x125: {  	[tilespmem:v6+s6+$0x0] =	vst.idx.add.f32.msk $0xffff, v9;
	v6 =	vmul.f32 v12, v20  }
0x126: {  	p1 =	seq.s32 s9, $0x18;
	[tilespmem:v2+s6+$0x0] =	vst.idx.add.f32.msk $0xffff, v1;
	v3 =	vmul.f32 v7, v15  }
0x127: {  	s10 =	sadd.s32 @!p1 s10, s14;
	[tilespmem:v11+s6+$0x0] =	vst.idx.add.f32.msk $0xffff, v6;
	v1 =	vmul.f32 v13, v22  }
0x128: {  	s10 =	sshrl.u32 @!p1 s10, $0x3;
	[tilespmem:v5+s6+$0x0] =	vst.idx.add.f32.msk $0xffff, v3  }
0x129: {  	s12 =	simm.s32 @!p1 $0x0;
	s15 =	simm.s32 @!p1 $0x1B800;
	s11 =	sadd.s32 @!p1 s4, s10;
	[tilespmem:v10+s6+$0x0] =	vst.idx.add.f32.msk $0xffff, v1  }
0x12a: {  	[tilespmem:s15], [sflag:$0x1] =	stream.linear.gather @!p1 [hbm4b:s11+s12], $0xC80, $0x38;
	[tilespmem:$0x1EA00] =	vst v63  }
0x12b: {  	s10 =	sadd.s32 @!p1 s2, s10;
	s11 =	simm.s32 @!p1 $0x1D100  }
0x12c: {  	[tilespmem:s11], [sflag:$0x1] =	stream.linear.gather @!p1 [hbm4b:s10+s12], $0xC80, $0x38;
	[tilespmem:$0x1EA00] =	vst v63  }
0x12d: {  	_ =	swait.ge [sflag:s7], $0xC80  }
0x12e: {  	[sflag:s7] =	ssyncset.done $0x0  }
0x12f: {  	[sflag:s7] =	ssyncadd.s32 $0xFFFFF380  }
0x130: {  	_ =	swait.ge [sflag:s7], $0xC80  }
0x131: {  	[sflag:s7] =	ssyncset.done $0x0  }
0x132: {  	s11 =	simm.s32 $0x1C490;
	[sflag:s7] =	ssyncadd.s32 $0xFFFFF380  }
0x133: {  	s12 =	simm.s32 $0x1DD90;
	v9 =	vld [tilespmem:s11+$0x0]  }
0x134: {  	v10 =	vld [tilespmem:s12+$0x0];
	_ =	sdelay $0x6  }
0x135: {  	v2 =	vld.idx.msk [tilespmem:v9+s25+$0x0], $0xffff  }
0x136: {  	v3 =	vld.idx.msk [tilespmem:v10+s26+$0x0], $0xffff  }
0x137: {  	v1 =	vld [tilespmem:s12+$0xFFFFFFF0]  }
0x138: {  	v16 =	vld [tilespmem:s11+$0xFFFFFFF0];
	_ =	sdelay $0x2  }
0x139: {  	v2 =	vadd.f32 v3, v2;
	_ =	sdelay $0x1  }
0x13a: {  	v3 =	vmul.f32 $2.000000030e-01, v2  }
0x13b: {  	vm0 =	vge.f32 v2, $0.0e+00  }
0x13c: {  	v4 =	vld.idx.msk [tilespmem:v1+s26+$0x0], $0xffff;
	v2 =	vsel vm0, v2, v3  }
0x13d: {  	s12 =	simm.s32 $0x1DDB0;
	v3 =	vld.idx.msk [tilespmem:v16+s25+$0x0], $0xffff;
	v2 =	vmul.f32 $1.442695020e+00, v2  }
0x13e: {  	s15 =	simm.s32 $0x1C4B0;
	v17 =	vld [tilespmem:s12+$0x0]  }
0x13f: {  	v15 =	vld [tilespmem:s15+$0x0];
	(erf) = vpow2.f32 v2;
	_ =	sdelay $0x2  }
0x140: {  	v4 =	vadd.f32 v4, v3;
	v3 =	vld [tilespmem:s15+$0xFFFFFFF0];
	_ =	sdelay $0x1  }
0x141: {  	v2 =	vld [tilespmem:s12+$0xFFFFFFF0]  }
0x142: {  	v5 =	vmul.f32 $2.000000030e-01, v4  }
0x143: {  	v6 =	vld.idx.msk [tilespmem:v17+s26+$0x0], $0xffff;
	vm10 =	vge.f32 v4, $0.0e+00  }
0x144: {  	v4 =	vsel vm10, v4, v5;
	v5 =	vld.idx.msk [tilespmem:v15+s25+$0x0], $0xffff  }
0x145: {  	v11 =	vpop (erf)  }
0x146: {  	v4 =	vmul.f32 $1.442695020e+00, v4;
	[tilespmem:v10+s1+$0x0] =	vst.idx.add.f32.msk $0xffff, v11  }
0x147: {  	v7 =	vld.idx.msk [tilespmem:v3+s25+$0x0], $0xffff  }
0x148: {  	(erf) = vpow2.f32 v4;
	v4 =	vld.idx.msk [tilespmem:v9+s3+$0x0], $0xffff  }
0x149: {  	v5 =	vadd.f32 v6, v5;
	v6 =	vld.idx.msk [tilespmem:v2+s26+$0x0], $0xffff;
	_ =	sdelay $0x3  }
0x14a: {  	s15 =	simm.s32 $0x1C4D0;
	v8 =	vmul.f32 $2.000000030e-01, v5  }
0x14b: {  	s12 =	simm.s32 $0x1DDD0;
	vm11 =	vge.f32 v5, $0.0e+00;
	v4 =	vmul.f32 v11, v4;
	v13 =	vadd.f32 v6, v7;
	v7 =	vld [tilespmem:s15+$0x0]  }
0x14c: {  	v5 =	vsel vm11, v5, v8;
	v6 =	vld [tilespmem:s12+$0x0]  }
0x14d: {  	v5 =	vmul.f32 $1.442695020e+00, v5;
	[tilespmem:v10+s28+$0x0] =	vst.idx.add.f32.msk $0xffff, v4  }
0x14e: {  	v14 =	vmul.f32 $2.000000030e-01, v13;
	v12 =	vld.idx.msk [tilespmem:v9+s22+$0x0], $0xffff  }
0x14f: {  	(erf) = vpow2.f32 v5;
	vm12 =	vge.f32 v13, $0.0e+00  }
0x150: {  	v5 =	vld [tilespmem:s12+$0xFFFFFFF0];
	v4 =	vpop (erf);
	v13 =	vsel vm12, v13, v14  }
0x151: {  	[tilespmem:v1+s1+$0x0] =	vst.idx.add.f32.msk $0xffff, v4;
	v13 =	vmul.f32 $1.442695020e+00, v13  }
0x152: {  	v8 =	vld.idx.msk [tilespmem:v16+s3+$0x0], $0xffff  }
0x153: {  	(erf) = vpow2.f32 v13;
	v12 =	vmul.f32 v11, v12;
	v13 =	vld.idx.msk [tilespmem:v7+s25+$0x0], $0xffff  }
0x154: {  	v18 =	vld.idx.msk [tilespmem:v6+s26+$0x0], $0xffff  }
0x155: {  	[tilespmem:v10+s29+$0x0] =	vst.idx.add.f32.msk $0xffff, v12  }
0x156: {  	v14 =	vld.idx.msk [tilespmem:v9+s23+$0x0], $0xffff  }
0x157: {  	v12 =	vmul.f32 v4, v8;
	v8 =	vld [tilespmem:s15+$0xFFFFFFF0]  }
0x158: {  	v22 =	vld.idx.msk [tilespmem:v5+s26+$0x0], $0xffff;
	v19 =	vpop (erf)  }
0x159: {  	[tilespmem:v17+s1+$0x0] =	vst.idx.add.f32.msk $0xffff, v19  }
0x15a: {  	v20 =	vld.idx.msk [tilespmem:v15+s3+$0x0], $0xffff  }
0x15b: {  	[tilespmem:v1+s28+$0x0] =	vst.idx.add.f32.msk $0xffff, v12;
	v14 =	vmul.f32 v14, v11  }
0x15c: {  	v12 =	vld.idx.msk [tilespmem:v16+s22+$0x0], $0xffff  }
0x15d: {  	[tilespmem:v10+s5+$0x0] =	vst.idx.add.f32.msk $0xffff, v14  }
0x15e: {  	v14 =	vld.idx.msk [tilespmem:v9+s24+$0x0], $0xffff  }
0x15f: {  	v20 =	vmul.f32 v19, v20;
	v21 =	vld.idx.msk [tilespmem:v8+s25+$0x0], $0xffff;
	v9 =	vpop (erf)  }
0x160: {  	[tilespmem:v2+s1+$0x0] =	vst.idx.add.f32.msk $0xffff, v9  }
0x161: {  	v13 =	vadd.f32 v18, v13;
	[tilespmem:v17+s28+$0x0] =	vst.idx.add.f32.msk $0xffff, v20  }
0x162: {  	v12 =	vmul.f32 v4, v12;
	v18 =	vld.idx.msk [tilespmem:v3+s3+$0x0], $0xffff  }
0x163: {  	v20 =	vmul.f32 $2.000000030e-01, v13;
	v11 =	vmul.f32 v14, v11;
	v14 =	vld.idx.msk [tilespmem:v15+s22+$0x0], $0xffff  }
0x164: {  	vm13 =	vge.f32 v13, $0.0e+00;
	[tilespmem:v1+s29+$0x0] =	vst.idx.add.f32.msk $0xffff, v12  }
0x165: {  	v12 =	vsel vm13, v13, v20;
	v20 =	vld.idx.msk [tilespmem:v16+s23+$0x0], $0xffff;
	v13 =	vadd.f32 v22, v21  }
0x166: {  	s15 =	simm.s32 $0x1C4F0;
	[tilespmem:v10+s6+$0x0] =	vst.idx.add.f32.msk $0xffff, v11;
	v10 =	vmul.f32 $1.442695020e+00, v12  }
0x167: {  	s10 =	simm.s32 $0x1DDF0;
	v12 =	vld [tilespmem:s15+$0x0];
	v21 =	vmul.f32 $2.000000030e-01, v13  }
0x168: {  	v11 =	vld [tilespmem:s10+$0xFFFFFFF0];
	(erf) = vpow2.f32 v10;
	v14 =	vmul.f32 v19, v14  }
0x169: {  	vm14 =	vge.f32 v13, $0.0e+00;
	v10 =	vld [tilespmem:s10+$0x0]  }
0x16a: {  	v13 =	vsel vm14, v13, v21;
	[tilespmem:v17+s29+$0x0] =	vst.idx.add.f32.msk $0xffff, v14  }
0x16b: {  	v14 =	vmul.f32 v9, v18;
	v18 =	vmul.f32 $1.442695020e+00, v13;
	v13 =	vld [tilespmem:s15+$0xFFFFFFF0]  }
0x16c: {  	v21 =	vld.idx.msk [tilespmem:v15+s23+$0x0], $0xffff  }
0x16d: {  	[tilespmem:v2+s28+$0x0] =	vst.idx.add.f32.msk $0xffff, v14  }
0x16e: {  	(erf) = vpow2.f32 v18;
	v18 =	vld.idx.msk [tilespmem:v3+s22+$0x0], $0xffff  }
0x16f: {  	v22 =	vld.idx.msk [tilespmem:v12+s25+$0x0], $0xffff  }
0x170: {  	v26 =	vld.idx.msk [tilespmem:v11+s26+$0x0], $0xffff  }
0x171: {  	v23 =	vld.idx.msk [tilespmem:v10+s26+$0x0], $0xffff;
	v14 =	vpop (erf)  }
0x172: {  	v21 =	vmul.f32 v21, v19;
	[tilespmem:v6+s1+$0x0] =	vst.idx.add.f32.msk $0xffff, v14  }
0x173: {  	v24 =	vld.idx.msk [tilespmem:v7+s3+$0x0], $0xffff  }
0x174: {  	[tilespmem:v17+s5+$0x0] =	vst.idx.add.f32.msk $0xffff, v21  }
0x175: {  	v18 =	vmul.f32 v9, v18;
	v21 =	vld.idx.msk [tilespmem:v15+s24+$0x0], $0xffff  }
0x176: {  	v25 =	vld.idx.msk [tilespmem:v13+s25+$0x0], $0xffff  }
0x177: {  	[tilespmem:v2+s29+$0x0] =	vst.idx.add.f32.msk $0xffff, v18;
	v15 =	vpop (erf)  }
0x178: {  	[tilespmem:v5+s1+$0x0] =	vst.idx.add.f32.msk $0xffff, v15;
	v24 =	vmul.f32 v14, v24  }
0x179: {  	v22 =	vadd.f32 v23, v22;
	v27 =	vld.idx.msk [tilespmem:v8+s3+$0x0], $0xffff  }
0x17a: {  	v19 =	vmul.f32 v21, v19;
	[tilespmem:v6+s28+$0x0] =	vst.idx.add.f32.msk $0xffff, v24  }
0x17b: {  	v23 =	vmul.f32 $2.000000030e-01, v22;
	v21 =	vadd.f32 v26, v25;
	v18 =	vld.idx.msk [tilespmem:v7+s22+$0x0], $0xffff  }
0x17c: {  	v20 =	vmul.f32 v20, v4;
	vm15 =	vge.f32 v22, $0.0e+00;
	[tilespmem:v17+s6+$0x0] =	vst.idx.add.f32.msk $0xffff, v19  }
0x17d: {  	v17 =	vld.idx.msk [tilespmem:v3+s23+$0x0], $0xffff;
	v63 =	vmul.f32 $2.000000030e-01, v21;
	v19 =	vsel vm15, v22, v23  }
0x17e: {  	[tilespmem:v1+s5+$0x0] =	vst.idx.add.f32.msk $0xffff, v20;
	vm1 =	vge.f32 v21, $0.0e+00;
	v20 =	vmul.f32 $1.442695020e+00, v19  }
0x17f: {  	s11 =	simm.s32 $0x6;
	s12 =	simm.s32 $0x1C510;
	v16 =	vld.idx.msk [tilespmem:v16+s24+$0x0], $0xffff;
	v19 =	vmul.f32 v15, v27;
	v21 =	vsel vm1, v21, v63  }
.LBB2_15:
0x180: {  	v22 =	vld [tilespmem:s12+$0x0];
	v21 =	vmul.f32 $1.442695020e+00, v21;
	s10 =	sadd.s32 $0x20, s10;
	(erf) = vpow2.f32 v20;
	v23 =	vmov v11  }
0x181: {  	v18 =	vmul.f32 v14, v18;
	v20 =	vld [tilespmem:s10+$0x0]  }
0x182: {  	v11 =	vld [tilespmem:s10+$0xFFFFFFF0];
	(erf) = vpow2.f32 v21;
	v21 =	vmul.f32 v17, v9  }
0x183: {  	[tilespmem:v6+s29+$0x0] =	vst.idx.add.f32.msk $0xffff, v18  }
0x184: {  	v24 =	vmul.f32 v16, v4;
	v4 =	vmov v9;
	v9 =	vmov v15;
	v17 =	vld.idx.msk [tilespmem:v7+s23+$0x0], $0xffff  }
0x185: {  	v25 =	vld [tilespmem:s12+$0xFFFFFFF0]  }
0x186: {  	s11 =	sadd.s32 $0x2, s11;
	[tilespmem:v5+s28+$0x0] =	vst.idx.add.f32.msk $0xffff, v19  }
0x187: {  	p1 =	slt.u32 s11, $0xC6;
	v16 =	vld.idx.msk [tilespmem:v8+s22+$0x0], $0xffff  }
0x188: {  	v18 =	vld.idx.msk [tilespmem:v22+s25+$0x0], $0xffff  }
0x189: {  	v19 =	vld.idx.msk [tilespmem:v20+s26+$0x0], $0xffff;
	v26 =	vpop (erf)  }
0x18a: {  	v17 =	vmul.f32 v17, v14;
	[tilespmem:v10+s1+$0x0] =	vst.idx.add.f32.msk $0xffff, v26  }
0x18b: {  	v27 =	vld.idx.msk [tilespmem:v12+s3+$0x0], $0xffff;
	v15 =	vpop (erf)  }
0x18c: {  	[tilespmem:v6+s5+$0x0] =	vst.idx.add.f32.msk $0xffff, v17  }
0x18d: {  	v16 =	vmul.f32 v9, v16;
	v17 =	vld.idx.msk [tilespmem:v7+s24+$0x0], $0xffff;
	v7 =	vmov v12;
	v12 =	vmov v22  }
0x18e: {  	v22 =	vld.idx.msk [tilespmem:v25+s25+$0x0], $0xffff  }
0x18f: {  	v28 =	vld.idx.msk [tilespmem:v11+s26+$0x0], $0xffff  }
0x190: {  	[tilespmem:v23+s1+$0x0] =	vst.idx.add.f32.msk $0xffff, v15  }
0x191: {  	v27 =	vmul.f32 v26, v27;
	v29 =	vld.idx.msk [tilespmem:v13+s3+$0x0], $0xffff  }
0x192: {  	[tilespmem:v5+s29+$0x0] =	vst.idx.add.f32.msk $0xffff, v16  }
0x193: {  	v16 =	vadd.f32 v19, v18;
	v17 =	vmul.f32 v17, v14;
	v14 =	vmov v26;
	[tilespmem:v10+s28+$0x0] =	vst.idx.add.f32.msk $0xffff, v27  }
0x194: {  	v18 =	vld.idx.msk [tilespmem:v7+s22+$0x0], $0xffff  }
.Ltmp6:
0x195: {  	v22 =	vadd.f32 v28, v22;
	v19 =	vmul.f32 $2.000000030e-01, v16;
	[tilespmem:v6+s6+$0x0] =	vst.idx.add.f32.msk $0xffff, v17;
	v6 =	vmovc v10;
	v10 =	vmov v20;
	(pc) =	sbr.rel @p1 .LBB2_15-.Ltmp6, $4  }
0x196: {  	vm0 =	vge.f32 v16, $0.0e+00;
	v17 =	vld.idx.msk [tilespmem:v8+s23+$0x0], $0xffff  }
0x197: {  	vm1 =	vge.f32 v22, $0.0e+00;
	v26 =	vmul.f32 $2.000000030e-01, v22;
	v16 =	vsel vm0, v16, v19;
	[tilespmem:v2+s5+$0x0] =	vst.idx.add.f32.msk $0xffff, v21  }
0x198: {  	v19 =	vmul.f32 v15, v29;
	v20 =	vmul.f32 $1.442695020e+00, v16;
	v16 =	vld.idx.msk [tilespmem:v3+s24+$0x0], $0xffff;
	v3 =	vmovc v8;
	v8 =	vmovc v13;
	v13 =	vmov v25  }
0x199: {  	s12 =	sadd.s32 $0x20, s12;
	v21 =	vsel vm1, v22, v26;
	[tilespmem:v1+s6+$0x0] =	vst.idx.add.f32.msk $0xffff, v24;
	v1 =	vmovc v2;
	v2 =	vmov v5;
	v5 =	vmov v23  }
0x19a: {  	(erf) = vpow2.f32 v20;
	v51 =	vmul.f32 $1.442695020e+00, v21;
	_ =	sdelay $0x1  }
0x19b: {  	(erf) = vpow2.f32 v51;
	_ =	sdelay $0x6  }
0x19c: {  	v52 =	vpop (erf)  }
0x19d: {  	[tilespmem:v10+s1+$0x0] =	vst.idx.add.f32.msk $0xffff, v52  }
0x19e: {  	v53 =	vld.idx.msk [tilespmem:v12+s3+$0x0], $0xffff;
	v22 =	vpop (erf)  }
0x19f: {  	[tilespmem:v11+s1+$0x0] =	vst.idx.add.f32.msk $0xffff, v22  }
0x1a0: {  	v23 =	vld.idx.msk [tilespmem:v13+s3+$0x0], $0xffff  }
0x1a1: {  	v18 =	vmul.f32 v14, v18;
	[tilespmem:v5+s28+$0x0] =	vst.idx.add.f32.msk $0xffff, v19  }
0x1a2: {  	v55 =	vld.idx.msk [tilespmem:v8+s22+$0x0], $0xffff  }
0x1a3: {  	[tilespmem:v6+s29+$0x0] =	vst.idx.add.f32.msk $0xffff, v18;
	v54 =	vmul.f32 v52, v53  }
0x1a4: {  	v18 =	vld.idx.msk [tilespmem:v7+s23+$0x0], $0xffff  }
0x1a5: {  	[tilespmem:v10+s28+$0x0] =	vst.idx.add.f32.msk $0xffff, v54;
	v23 =	vmul.f32 v22, v23  }
0x1a6: {  	v19 =	vld.idx.msk [tilespmem:v12+s22+$0x0], $0xffff  }
0x1a7: {  	v17 =	vmul.f32 v17, v9;
	[tilespmem:v11+s28+$0x0] =	vst.idx.add.f32.msk $0xffff, v23  }
0x1a8: {  	v21 =	vmul.f32 v15, v55;
	v23 =	vld.idx.msk [tilespmem:v13+s22+$0x0], $0xffff  }
0x1a9: {  	[tilespmem:v2+s5+$0x0] =	vst.idx.add.f32.msk $0xffff, v17  }
0x1aa: {  	v18 =	vmul.f32 v18, v14;
	[tilespmem:v5+s29+$0x0] =	vst.idx.add.f32.msk $0xffff, v21  }
0x1ab: {  	v58 =	vld.idx.msk [tilespmem:v8+s23+$0x0], $0xffff;
	v56 =	vmul.f32 v52, v19  }
0x1ac: {  	[tilespmem:v6+s5+$0x0] =	vst.idx.add.f32.msk $0xffff, v18  }
0x1ad: {  	[tilespmem:v10+s29+$0x0] =	vst.idx.add.f32.msk $0xffff, v56;
	v57 =	vmul.f32 v22, v23  }
0x1ae: {  	v18 =	vld.idx.msk [tilespmem:v12+s23+$0x0], $0xffff  }
0x1af: {  	[tilespmem:v11+s29+$0x0] =	vst.idx.add.f32.msk $0xffff, v57  }
0x1b0: {  	v17 =	vld.idx.msk [tilespmem:v13+s23+$0x0], $0xffff  }
0x1b1: {  	v3 =	vld.idx.msk [tilespmem:v3+s24+$0x0], $0xffff;
	v19 =	vmul.f32 v58, v15  }
0x1b2: {  	v59 =	vld.idx.msk [tilespmem:v7+s24+$0x0], $0xffff  }
0x1b3: {  	[tilespmem:v5+s5+$0x0] =	vst.idx.add.f32.msk $0xffff, v19;
	v18 =	vmul.f32 v18, v52  }
0x1b4: {  	v61 =	vld.idx.msk [tilespmem:v8+s24+$0x0], $0xffff  }
0x1b5: {  	[tilespmem:v10+s5+$0x0] =	vst.idx.add.f32.msk $0xffff, v18;
	v17 =	vmul.f32 v17, v22  }
0x1b6: {  	v60 =	vld.idx.msk [tilespmem:v12+s24+$0x0], $0xffff  }
0x1b7: {  	v4 =	vmul.f32 v16, v4;
	[tilespmem:v11+s5+$0x0] =	vst.idx.add.f32.msk $0xffff, v17  }
0x1b8: {  	v62 =	vld.idx.msk [tilespmem:v13+s24+$0x0], $0xffff  }
0x1b9: {  	s9 =	sadd.s32 $0x1, s9;
	[tilespmem:v1+s6+$0x0] =	vst.idx.add.f32.msk $0xffff, v4;
	v1 =	vmul.f32 v3, v9  }
0x1ba: {  	p1 =	sne.s32 s9, $0x19;
	v7 =	vmul.f32 v59, v14  }
.Ltmp7:
0x1bb: {  	[tilespmem:v2+s6+$0x0] =	vst.idx.add.f32.msk $0xffff, v1;
	v3 =	vmul.f32 v61, v15;
	(pc) =	sbr.rel @p1 .LBB2_12-.Ltmp7, $4  }
0x1bc: {  	[tilespmem:v6+s6+$0x0] =	vst.idx.add.f32.msk $0xffff, v7;
	v63 =	vmul.f32 v60, v52  }
0x1bd: {  	[tilespmem:v5+s6+$0x0] =	vst.idx.add.f32.msk $0xffff, v3;
	v1 =	vmul.f32 v62, v22  }
0x1be: {  	[tilespmem:v10+s6+$0x0] =	vst.idx.add.f32.msk $0xffff, v63  }
0x1bf: {  	[tilespmem:v11+s6+$0x0] =	vst.idx.add.f32.msk $0xffff, v1  }
0x1c0: {  	s9 =	rddreg [dreg:$0xb]  }
0x1c1: {  	[hbm4b:s9+s3] =	stream.linear.scatter [tilespmem:s28], [sflag:$0x3], $0x2800, $0x38;
	[tilespmem:$0x1EA00] =	vst v63  }
0x1c2: {  	_ =	swait.ge [sflag:s21], $0x2800  }
0x1c3: {  	[sflag:s21] =	ssyncset.done $0x0  }
0x1c4: {  	[sflag:s21] =	ssyncadd.s32 $0xFFFFD800  }
0x1c5: {  	[hbm4b:s16+s3] =	stream.linear.scatter [tilespmem:s29], [sflag:$0x3], $0x2800, $0x38;
	[tilespmem:$0x1EA00] =	vst v63  }
0x1c6: {  	_ =	swait.ge [sflag:s21], $0x2800  }
0x1c7: {  	[sflag:s21] =	ssyncset.done $0x0  }
0x1c8: {  	[sflag:s21] =	ssyncadd.s32 $0xFFFFD800  }
0x1c9: {  	[hbm4b:s17+s3] =	stream.linear.scatter [tilespmem:s5], [sflag:$0x3], $0x2800, $0x38;
	[tilespmem:$0x1EA00] =	vst v63  }
0x1ca: {  	_ =	swait.ge [sflag:s21], $0x2800  }
0x1cb: {  	[sflag:s21] =	ssyncset.done $0x0  }
0x1cc: {  	[sflag:s21] =	ssyncadd.s32 $0xFFFFD800  }
0x1cd: {  	[hbm4b:s18+s3] =	stream.linear.scatter [tilespmem:s6], [sflag:$0x3], $0x2800, $0x38;
	[tilespmem:$0x1EA00] =	vst v63  }
0x1ce: {  	_ =	swait.ge [sflag:s21], $0x2800  }
0x1cf: {  	s10 =	simm.s32 @!p0 $0x19000;
	s8 =	sadd.s32 $0x1, s8;
	[sflag:s21] =	ssyncset.done $0x0  }
0x1d0: {  	s9 =	simm.s32 @!p0 $0x0;
	p1 =	sne.s32 s8, s20;
	[sflag:s21] =	ssyncadd.s32 $0xFFFFD800  }
0x1d1: {  	[hbm4b:s19+s9] =	stream.linear.scatter @!p0 [tilespmem:s10], [sflag:$0x3], $0x2800, $0x38;
	[tilespmem:$0x1EA00] =	vst v63  }
.Ltmp8:
0x1d2: {  	_ = 	snop;
	(pc) =	sbr.rel @p1 .LBB2_1-.Ltmp8, $4  }
0x1d3: {  	s9 =	simm.s32 @!p0 $0x3  }
0x1d4: {  	_ =	swait.ge @!p0 [sflag:s9], $0x2800  }
0x1d5: {  	[sflag:s9] =	ssyncset.done @!p0 $0x0  }
0x1d6: {  	[sflag:s9] =	ssyncadd.s32 @!p0 $0xFFFFD800  }
0x1d7: {  	_ =	sfence.sel $0x180000  }
0x1d8: {  	[bflag:$0x0] =	sbarrier.arrive $0xFFFF  }
0x1d9: {  	_ =	strace $0x90000047  }
0x1da: {  	s0 =	stileid.u32;
	[bflag:$0x2] =	sbarrier.arrive $0xFFFF  }
0x1db: {  	p0 =	sne.s32 s0, $0x0;
	s0 =	rddreg [dreg:$0x2]  }
0x1dc: {  	s0 =	sadd.s32 @!p0 $0x100000, s0  }
0x1dd: {  	[sflag:s0] =	ssyncadd.tile.s32 @!p0 $0x1;
	_ =	shalt  }
.Lfunc_end2:
_tile_overlayer_lowered:
.L_overlay_start_2:
0x1de: {  	(tag) =	ssettag $0x2  }
0x1df: {  	s0 =	rddreg [dreg:$0x0];
	s2 =	stileid.u32  }
0x1e0: {  	s1 =	rddreg [dreg:$0x1];
	p0 =	sne.s32 s2, $0x0  }
0x1e1: {  	s3 =	rddreg [dreg:$0x2];
	[bflag:$0x3] =	sbarrier.arrive $0xFFFF;
	s2 =	simm.s32 @!p0 $0x1C03  }
0x1e2: {  	[timem:s3], [sflag:s2] =	dma.local @!p0 [hbm:s0], s1  }
0x1e3: {  	s0 =	simm.s32 @!p0 $0x3  }
0x1e4: {  	_ =	swait.ge @!p0 [sflag:s0], s1  }
0x1e5: {  	s1 =	ssub.s32 @!p0 $0x0, s1;
	[sflag:s0] =	ssyncset.done @!p0 $0x0  }
0x1e6: {  	[sflag:s0] =	ssyncadd.s32 @!p0 s1  }
0x1e7: {  	[bflag:$0x3] =	sbarrier.arrive $0xFFFF  }
0x1e8: {  	_ =	shalt  }

</sc_bundles>
